<compile_context>
chip_gen: v7x
topology: tpu7x:2x2x1
jax: 0.10.2.dev20260603
libtpu: 0.0.44.dev20260713+nightly
codegen_flags: <defaults>
</compile_context>

<pallas_src>
import jax
import jax.numpy as jnp
from jax import lax
from jax.experimental import pallas as pl
from jax.experimental.pallas import tpu as pltpu
from jax.experimental.pallas import tpu_sc as plsc

N_CLS = 1000
D = 512
B = 16384

NC = 2
NS = 16
L = 16
TW = 128
RPT = B // NS
CHUNK = 128
NCHUNK = RPT // CHUNK
NBUF = 3
CPAD = 1024
CPT = CPAD // NS
REAL_LAST = N_CLS - (NS - 1) * CPT


def _sc_body(audio, label, text, out,
             bufA0, bufA1, bufA2, bufB0, bufB1, bufB2,
             labels_v, cnt1_v, cnt16_v, recip_v,
             acc0_sh, acc1_sh, cnt_sh, semA, semB, semS, semC):
    c = lax.axis_index("c")
    s = lax.axis_index("s")
    row0 = s * RPT
    colA = c * (2 * TW)
    colB = colA + TW
    zeros16 = jnp.zeros((L,), jnp.float32)
    ones16 = jnp.ones((L,), jnp.float32)

    bufsA = (bufA0, bufA1, bufA2)
    bufsB = (bufB0, bufB1, bufB2)
    gA = [None] * NCHUNK
    gB = [None] * NCHUNK
    sA = [None] * NCHUNK
    sB = [None] * NCHUNK

    def start_gather(j):
        rows = pl.ds(row0 + j * CHUNK, CHUNK)
        gA[j] = pltpu.async_copy(
            audio.at[rows, pl.ds(colA, TW)], bufsA[j % NBUF], semA)
        gB[j] = pltpu.async_copy(
            audio.at[rows, pl.ds(colB, TW)], bufsB[j % NBUF], semB)

    start_gather(0)
    start_gather(1)

    def zero_row(r, _):
        for v in range(TW // L):
            bufB2[r, pl.ds(v * L, L)] = zeros16
        return 0
    lax.fori_loop(0, CPT, zero_row, 0)

    def zero_cnt(i, _):
        cnt1_v[pl.ds(i * L, L)] = zeros16
        return 0
    lax.fori_loop(0, CPAD // L, zero_cnt, 0)

    zsrc = bufB2.at[pl.ds(0, CPT), :]
    pltpu.sync_copy(zsrc, acc0_sh.at[pl.ds(s * CPT, CPT), :])
    pltpu.sync_copy(zsrc, acc1_sh.at[pl.ds(s * CPT, CPT), :])

    def stage_labels(j, _):
        pltpu.sync_copy(label.at[pl.ds(row0 + j * CHUNK, CHUNK)], labels_v.at[j])
        return 0
    lax.fori_loop(0, NCHUNK, stage_labels, 0)

    def count_group(j, _):
        def count_vec(v, _):
            lbl = labels_v[j, pl.ds(v * L, L)]
            plsc.addupdate_scatter(cnt1_v, [lbl], ones16)
            return 0
        lax.fori_loop(0, CHUNK // L, count_vec, 0)
        return 0
    lax.fori_loop(0, NCHUNK, count_group, 0)

    def cnt_send(t, _):
        pltpu.async_copy(
            cnt1_v.at[pl.ds(t * CPT, CPT)],
            cnt_sh.at[pl.ds(t * CPAD + s * CPT, CPT)], semC)
        return 0
    lax.fori_loop(0, NS, cnt_send, 0)

    def cnt_drain(t, _):
        pltpu.make_async_copy(
            cnt1_v.at[pl.ds(t * CPT, CPT)],
            cnt_sh.at[pl.ds(t * CPAD + s * CPT, CPT)], semC).wait()
        return 0
    lax.fori_loop(0, NS, cnt_drain, 0)

    plsc.subcore_barrier()

    waited = [False] * NCHUNK
    for j in range(NCHUNK):
        if j + 2 < NCHUNK:
            if j >= 1:
                sA[j - 1].wait()
                sB[j - 1].wait()
                waited[j - 1] = True
            start_gather(j + 2)
        gA[j].wait()
        gB[j].wait()
        idx = labels_v.at[j]
        sA[j] = pltpu.async_copy(bufsA[j % NBUF], acc0_sh.at[idx], semS, add=True)
        sB[j] = pltpu.async_copy(bufsB[j % NBUF], acc1_sh.at[idx], semS, add=True)
    for j in range(NCHUNK):
        if not waited[j]:
            sA[j].wait()
            sB[j].wait()

    plsc.subcore_barrier()

    k0 = s * CPT
    sums0_v = bufA0
    sums1_v = bufA1
    out0_v = bufB0
    out1_v = bufB1
    f0 = pltpu.async_copy(acc0_sh.at[pl.ds(k0, CPT), :],
                          sums0_v.at[pl.ds(0, CPT), :], semA)
    f1 = pltpu.async_copy(acc1_sh.at[pl.ds(k0, CPT), :],
                          sums1_v.at[pl.ds(0, CPT), :], semB)
    f2 = pltpu.async_copy(cnt_sh.at[pl.ds(s * CPAD, CPAD)], cnt16_v, semC)

    @pl.when(s < NS - 1)
    def _():
        pltpu.sync_copy(text.at[pl.ds(k0, CPT), pl.ds(colA, TW)],
                        out0_v.at[pl.ds(0, CPT), :])
        pltpu.sync_copy(text.at[pl.ds(k0, CPT), pl.ds(colB, TW)],
                        out1_v.at[pl.ds(0, CPT), :])

    @pl.when(s == NS - 1)
    def _():
        rows = pl.ds((NS - 1) * CPT, REAL_LAST)
        pltpu.sync_copy(text.at[rows, pl.ds(colA, TW)],
                        out0_v.at[pl.ds(0, REAL_LAST), :])
        pltpu.sync_copy(text.at[rows, pl.ds(colB, TW)],
                        out1_v.at[pl.ds(0, REAL_LAST), :])

    f2.wait()

    def recip_vec(v, _):
        def accum(r, a):
            return a + cnt16_v[pl.ds(r * CPT + v * L, L)]
        a = lax.fori_loop(0, NS, accum, zeros16)
        recip_v[pl.ds(v * L, L)] = jnp.where(
            a > 0.0, 1.0 / jnp.maximum(a, 1.0), 0.0)
        return 0
    lax.fori_loop(0, CPT // L, recip_vec, 0)
    f0.wait()
    f1.wait()

    def out_row(r, _):
        ridx = jnp.full((L,), r, jnp.int32)
        rec = plsc.load_gather(recip_v, [ridx])
        for v in range(TW // L):
            sl = pl.ds(v * L, L)
            out0_v[r, sl] = out0_v[r, sl] + sums0_v[r, sl] * rec
            out1_v[r, sl] = out1_v[r, sl] + sums1_v[r, sl] * rec
        return 0
    lax.fori_loop(0, CPT, out_row, 0)

    @pl.when(s < NS - 1)
    def _():
        pltpu.sync_copy(out0_v.at[pl.ds(0, CPT), :],
                        out.at[pl.ds(k0, CPT), pl.ds(colA, TW)])
        pltpu.sync_copy(out1_v.at[pl.ds(0, CPT), :],
                        out.at[pl.ds(k0, CPT), pl.ds(colB, TW)])

    @pl.when(s == NS - 1)
    def _():
        rows = pl.ds((NS - 1) * CPT, REAL_LAST)
        pltpu.sync_copy(out0_v.at[pl.ds(0, REAL_LAST), :],
                        out.at[rows, pl.ds(colA, TW)])
        pltpu.sync_copy(out1_v.at[pl.ds(0, REAL_LAST), :],
                        out.at[rows, pl.ds(colB, TW)])


@jax.jit
def kernel(audio, label, text_proto):
    mesh = plsc.VectorSubcoreMesh(core_axis_name="c", subcore_axis_name="s")
    run = pl.kernel(
        _sc_body,
        out_type=jax.ShapeDtypeStruct((N_CLS, D), jnp.float32),
        mesh=mesh,
        scratch_types=[
            pltpu.VMEM((CHUNK, TW), jnp.float32),
            pltpu.VMEM((CHUNK, TW), jnp.float32),
            pltpu.VMEM((CHUNK, TW), jnp.float32),
            pltpu.VMEM((CHUNK, TW), jnp.float32),
            pltpu.VMEM((CHUNK, TW), jnp.float32),
            pltpu.VMEM((CHUNK, TW), jnp.float32),
            pltpu.VMEM((NCHUNK, CHUNK), jnp.int32),
            pltpu.VMEM((CPAD,), jnp.float32),
            pltpu.VMEM((CPAD,), jnp.float32),
            pltpu.VMEM((CPT,), jnp.float32),
            pltpu.VMEM_SHARED((CPAD, TW), jnp.float32),
            pltpu.VMEM_SHARED((CPAD, TW), jnp.float32),
            pltpu.VMEM_SHARED((NS * CPAD,), jnp.float32),
            pltpu.SemaphoreType.DMA,
            pltpu.SemaphoreType.DMA,
            pltpu.SemaphoreType.DMA,
            pltpu.SemaphoreType.DMA,
        ],
        compiler_params=pltpu.CompilerParams(
            use_tc_tiling_on_sc=True, needs_layout_passes=False,
            disable_bounds_checks=True, disable_semaphore_checks=True),
        name="proto_evolution_sc",
    )
    return run(audio, label, text_proto)

# --- scband reference (transcript-rebuilt; emitter-appended) ---
"""Pipeline reference for scband-prototype-evolution-41712722379049 (READ-ONLY COPY).

The authoritative reference and input builder live on the scoring server;
editing this copy changes nothing except your own understanding.
"""

import jax, jax.numpy as jnp
import numpy as np

N_CLS = 1000
D = 512
B = 16384


def setup_inputs(seed: int = 0) -> dict:
    key = jax.random.key(seed)
    k1, k2, k3 = jax.random.split(key, 3)
    audio = jax.random.normal(k1, (B, D), dtype=jnp.float32)
    label = jax.random.randint(k2, (B,), 0, N_CLS, dtype=jnp.int32)
    # learned parameter: text prototypes (text_features passed to __init__)
    text_proto = jax.random.normal(k3, (N_CLS, D), dtype=jnp.float32) * 0.02
    return {"audio": audio, "label": label, "text_proto": text_proto}


def reference(audio, label, text_proto):
    # Faithful fusion of mode='init' (per-class scatter-mean of audio features
    # into visual_proto, for classes present in the batch) followed by
    # mode='test' readout (text_proto + visual_proto).
    # The python loop `for ul in classes: visual_proto[ul] = audio[label==ul].mean(0)`
    # is exactly a segment-mean scatter over class ids.
    sums = jax.ops.segment_sum(audio, label, num_segments=N_CLS)
    counts = jax.ops.segment_sum(jnp.ones((audio.shape[0],), dtype=audio.dtype), label, num_segments=N_CLS)
    denom = jnp.maximum(counts, 1.0)[:, None]
    visual_proto = jnp.where(counts[:, None] > 0, sums / denom, jnp.zeros_like(sums))
    return text_proto + visual_proto

if __name__ == "__main__":
    import jax
    _d = setup_inputs()
    print(jax.jit(kernel)(*tuple(_d.values())))

</pallas_src>

<mosaic_0001>
#map = affine_map<(d0, d1) -> (0, 0)>
#map1 = affine_map<(d0, d1) -> (0)>
module attributes {stable_mosaic.version = 14 : i64} {
  func.func @proto_evolution_sc(%arg0: i32, %arg1: i32, %arg2: memref<16384x512xf32, #tpu.memory_space<hbm>>, %arg3: memref<16384xi32, #tpu.memory_space<hbm>>, %arg4: memref<1000x512xf32, #tpu.memory_space<hbm>>, %arg5: memref<1000x512xf32, #tpu.memory_space<hbm>>, %arg6: memref<128x128xf32, #tpu.memory_space<vmem>>, %arg7: memref<128x128xf32, #tpu.memory_space<vmem>>, %arg8: memref<128x128xf32, #tpu.memory_space<vmem>>, %arg9: memref<128x128xf32, #tpu.memory_space<vmem>>, %arg10: memref<128x128xf32, #tpu.memory_space<vmem>>, %arg11: memref<128x128xf32, #tpu.memory_space<vmem>>, %arg12: memref<8x128xi32, #tpu.memory_space<vmem>>, %arg13: memref<1024xf32, #tpu.memory_space<vmem>>, %arg14: memref<1024xf32, #tpu.memory_space<vmem>>, %arg15: memref<64xf32, #tpu.memory_space<vmem>>, %arg16: memref<1024x128xf32, #tpu.memory_space<vmem_shared>>, %arg17: memref<1024x128xf32, #tpu.memory_space<vmem_shared>>, %arg18: memref<16384xf32, #tpu.memory_space<vmem_shared>>, %arg19: memref<!tpu.dma_semaphore, #tpu.memory_space<semaphore_mem>>, %arg20: memref<!tpu.dma_semaphore, #tpu.memory_space<semaphore_mem>>, %arg21: memref<!tpu.dma_semaphore, #tpu.memory_space<semaphore_mem>>, %arg22: memref<!tpu.dma_semaphore, #tpu.memory_space<semaphore_mem>>) attributes {dimension_semantics = [#tpu.dimension_semantics<core_parallel>, #tpu.dimension_semantics<subcore_parallel>], iteration_bounds = array<i64: 2, 16>, scalar_prefetch = 0 : i64, scratch_operands = 17 : i64, tpu.core_type = #tpu.core_type<sc_vector_subcore>, window_params = [{transform_indices = #map}, {transform_indices = #map1}, {transform_indices = #map}, {transform_indices = #map}]} {
    %mul3A = arith.constant 1024 : i32
    %mul3A_0 = arith.muli %arg1, %mul3A : i32
    %mul3A_1 = arith.constant 256 : i32
    %mul3A_2 = arith.muli %arg0, %mul3A_1 : i32
    %add3A = arith.constant 128 : i32
    %add3A_3 = arith.addi %mul3A_2, %add3A : i32
    %broadcast_in_dim3A = arith.constant 0.000000e+00 : f32
    %broadcast_in_dim3A_4 = vector.broadcast %broadcast_in_dim3A : f32 to vector<16xf32>
    %broadcast_in_dim3A_5 = arith.constant 1.000000e+00 : f32
    %broadcast_in_dim3A_6 = vector.broadcast %broadcast_in_dim3A_5 : f32 to vector<16xf32>
    %add3A_7 = arith.constant 0 : i32
    %add3A_8 = arith.addi %mul3A_0, %add3A_7 : i32
    %dma_start3A = tpu.memref_slice %arg2[%add3A_8, %mul3A_2] : memref<16384x512xf32, #tpu.memory_space<hbm>> -> memref<128x128xf32, #tpu.memory_space<hbm>>
    %dma_start3A_9 = tpu.memref_slice %arg2[%add3A_8, %mul3A_2] : memref<16384x512xf32, #tpu.memory_space<hbm>> -> memref<128x128xf32, #tpu.memory_space<hbm>>
    tpu.enqueue_dma source(%dma_start3A_9 : memref<128x128xf32, #tpu.memory_space<hbm>>) target(%arg6 : memref<128x128xf32, #tpu.memory_space<vmem>>) target_semaphore(%arg19 : memref<!tpu.dma_semaphore, #tpu.memory_space<semaphore_mem>>)
    %dma_start3A_10 = tpu.memref_slice %arg2[%add3A_8, %add3A_3] : memref<16384x512xf32, #tpu.memory_space<hbm>> -> memref<128x128xf32, #tpu.memory_space<hbm>>
    %dma_start3A_11 = tpu.memref_slice %arg2[%add3A_8, %add3A_3] : memref<16384x512xf32, #tpu.memory_space<hbm>> -> memref<128x128xf32, #tpu.memory_space<hbm>>
    tpu.enqueue_dma source(%dma_start3A_11 : memref<128x128xf32, #tpu.memory_space<hbm>>) target(%arg9 : memref<128x128xf32, #tpu.memory_space<vmem>>) target_semaphore(%arg20 : memref<!tpu.dma_semaphore, #tpu.memory_space<semaphore_mem>>)
    %add3A_12 = arith.constant 128 : i32
    %add3A_13 = arith.addi %mul3A_0, %add3A_12 : i32
    %dma_start3A_14 = tpu.memref_slice %arg2[%add3A_13, %mul3A_2] : memref<16384x512xf32, #tpu.memory_space<hbm>> -> memref<128x128xf32, #tpu.memory_space<hbm>>
    %dma_start3A_15 = tpu.memref_slice %arg2[%add3A_13, %mul3A_2] : memref<16384x512xf32, #tpu.memory_space<hbm>> -> memref<128x128xf32, #tpu.memory_space<hbm>>
    tpu.enqueue_dma source(%dma_start3A_15 : memref<128x128xf32, #tpu.memory_space<hbm>>) target(%arg7 : memref<128x128xf32, #tpu.memory_space<vmem>>) target_semaphore(%arg19 : memref<!tpu.dma_semaphore, #tpu.memory_space<semaphore_mem>>)
    %dma_start3A_16 = tpu.memref_slice %arg2[%add3A_13, %add3A_3] : memref<16384x512xf32, #tpu.memory_space<hbm>> -> memref<128x128xf32, #tpu.memory_space<hbm>>
    %dma_start3A_17 = tpu.memref_slice %arg2[%add3A_13, %add3A_3] : memref<16384x512xf32, #tpu.memory_space<hbm>> -> memref<128x128xf32, #tpu.memory_space<hbm>>
    tpu.enqueue_dma source(%dma_start3A_17 : memref<128x128xf32, #tpu.memory_space<hbm>>) target(%arg10 : memref<128x128xf32, #tpu.memory_space<vmem>>) target_semaphore(%arg20 : memref<!tpu.dma_semaphore, #tpu.memory_space<semaphore_mem>>)
    %scan3A = arith.constant 0 : i32
    %scan3A_18 = arith.constant 0 : i32
    %scan3A_19 = arith.constant 64 : i32
    %scan3A_20 = arith.addi %scan3A_18, %scan3A_19 : i32
    %scan3A_21 = arith.constant 1 : i32
    %scan3A_22 = scf.for %scan3A_433 = %scan3A_18 to %scan3A_20 step %scan3A_21 iter_args(%scan3A_434 = %scan3A) -> (i32)  : i32 {
      %swap3A = arith.index_cast %scan3A_433 : i32 to index
      %swap3A_435 = arith.constant 0 : index
      %swap3A_436 = tpu.vector_load %arg11[%swap3A, %swap3A_435] {strides = array<i32>} : memref<128x128xf32, #tpu.memory_space<vmem>>, vector<16xf32>,
      tpu.vector_store %arg11[%swap3A, %swap3A_435], %broadcast_in_dim3A_4 {strides = array<i32>} : memref<128x128xf32, #tpu.memory_space<vmem>>, vector<16xf32>,
      %swap3A_437 = arith.index_cast %scan3A_433 : i32 to index
      %swap3A_438 = arith.constant 16 : index
      %swap3A_439 = tpu.vector_load %arg11[%swap3A_437, %swap3A_438] {strides = array<i32>} : memref<128x128xf32, #tpu.memory_space<vmem>>, vector<16xf32>,
      tpu.vector_store %arg11[%swap3A_437, %swap3A_438], %broadcast_in_dim3A_4 {strides = array<i32>} : memref<128x128xf32, #tpu.memory_space<vmem>>, vector<16xf32>,
      %swap3A_440 = arith.index_cast %scan3A_433 : i32 to index
      %swap3A_441 = arith.constant 32 : index
      %swap3A_442 = tpu.vector_load %arg11[%swap3A_440, %swap3A_441] {strides = array<i32>} : memref<128x128xf32, #tpu.memory_space<vmem>>, vector<16xf32>,
      tpu.vector_store %arg11[%swap3A_440, %swap3A_441], %broadcast_in_dim3A_4 {strides = array<i32>} : memref<128x128xf32, #tpu.memory_space<vmem>>, vector<16xf32>,
      %swap3A_443 = arith.index_cast %scan3A_433 : i32 to index
      %swap3A_444 = arith.constant 48 : index
      %swap3A_445 = tpu.vector_load %arg11[%swap3A_443, %swap3A_444] {strides = array<i32>} : memref<128x128xf32, #tpu.memory_space<vmem>>, vector<16xf32>,
      tpu.vector_store %arg11[%swap3A_443, %swap3A_444], %broadcast_in_dim3A_4 {strides = array<i32>} : memref<128x128xf32, #tpu.memory_space<vmem>>, vector<16xf32>,
      %swap3A_446 = arith.index_cast %scan3A_433 : i32 to index
      %swap3A_447 = arith.constant 64 : index
      %swap3A_448 = tpu.vector_load %arg11[%swap3A_446, %swap3A_447] {strides = array<i32>} : memref<128x128xf32, #tpu.memory_space<vmem>>, vector<16xf32>,
      tpu.vector_store %arg11[%swap3A_446, %swap3A_447], %broadcast_in_dim3A_4 {strides = array<i32>} : memref<128x128xf32, #tpu.memory_space<vmem>>, vector<16xf32>,
      %swap3A_449 = arith.index_cast %scan3A_433 : i32 to index
      %swap3A_450 = arith.constant 80 : index
      %swap3A_451 = tpu.vector_load %arg11[%swap3A_449, %swap3A_450] {strides = array<i32>} : memref<128x128xf32, #tpu.memory_space<vmem>>, vector<16xf32>,
      tpu.vector_store %arg11[%swap3A_449, %swap3A_450], %broadcast_in_dim3A_4 {strides = array<i32>} : memref<128x128xf32, #tpu.memory_space<vmem>>, vector<16xf32>,
      %swap3A_452 = arith.index_cast %scan3A_433 : i32 to index
      %swap3A_453 = arith.constant 96 : index
      %swap3A_454 = tpu.vector_load %arg11[%swap3A_452, %swap3A_453] {strides = array<i32>} : memref<128x128xf32, #tpu.memory_space<vmem>>, vector<16xf32>,
      tpu.vector_store %arg11[%swap3A_452, %swap3A_453], %broadcast_in_dim3A_4 {strides = array<i32>} : memref<128x128xf32, #tpu.memory_space<vmem>>, vector<16xf32>,
      %swap3A_455 = arith.index_cast %scan3A_433 : i32 to index
      %swap3A_456 = arith.constant 112 : index
      %swap3A_457 = tpu.vector_load %arg11[%swap3A_455, %swap3A_456] {strides = array<i32>} : memref<128x128xf32, #tpu.memory_space<vmem>>, vector<16xf32>,
      tpu.vector_store %arg11[%swap3A_455, %swap3A_456], %broadcast_in_dim3A_4 {strides = array<i32>} : memref<128x128xf32, #tpu.memory_space<vmem>>, vector<16xf32>,
      %scan3A_458 = arith.constant 0 : i32
      scf.yield %scan3A_458 : i32
    }
    %scan3A_23 = arith.constant 64 : i32
    %scan3A_24 = arith.constant 0 : i32
    %scan3A_25 = arith.constant 0 : i32
    %scan3A_26 = arith.constant 64 : i32
    %scan3A_27 = arith.addi %scan3A_25, %scan3A_26 : i32
    %scan3A_28 = arith.constant 1 : i32
    %scan3A_29 = scf.for %scan3A_433 = %scan3A_25 to %scan3A_27 step %scan3A_28 iter_args(%scan3A_434 = %scan3A_24) -> (i32)  : i32 {
      %mul3A_435 = arith.constant 16 : i32
      %mul3A_436 = arith.muli %scan3A_433, %mul3A_435 : i32
      %swap3A = arith.index_cast %mul3A_436 : i32 to index
      %swap3A_437 = tpu.vector_load %arg13[%swap3A] {strides = array<i32>} : memref<1024xf32, #tpu.memory_space<vmem>>, vector<16xf32>,
      tpu.vector_store %arg13[%swap3A], %broadcast_in_dim3A_4 {strides = array<i32>} : memref<1024xf32, #tpu.memory_space<vmem>>, vector<16xf32>,
      %scan3A_438 = arith.constant 0 : i32
      scf.yield %scan3A_438 : i32
    }
    %scan3A_30 = arith.constant 64 : i32
    %mul3A_31 = arith.constant 64 : i32
    %mul3A_32 = arith.muli %arg1, %mul3A_31 : i32
    "tpu.region"() ({
      %run_scoped3A = tpu.sem_alloc : memref<!tpu.dma_semaphore, #tpu.memory_space<semaphore_mem>>
      %dma_start3A_433 = arith.constant 0 : i32
      %dma_start3A_434 = arith.constant 0 : i32
      %dma_start3A_435 = tpu.memref_slice %arg11[%dma_start3A_433, %dma_start3A_434] : memref<128x128xf32, #tpu.memory_space<vmem>> -> memref<64x128xf32, #tpu.memory_space<vmem>>
      %dma_start3A_436 = arith.constant 0 : i32
      %dma_start3A_437 = tpu.memref_slice %arg16[%mul3A_32, %dma_start3A_436] : memref<1024x128xf32, #tpu.memory_space<vmem_shared>> -> memref<64x128xf32, #tpu.memory_space<vmem_shared>>
      %dma_start3A_438 = arith.constant 0 : i32
      %dma_start3A_439 = tpu.memref_slice %arg16[%mul3A_32, %dma_start3A_438] : memref<1024x128xf32, #tpu.memory_space<vmem_shared>> -> memref<64x128xf32, #tpu.memory_space<vmem_shared>>
      %dma_start3A_440 = arith.constant 0 : i32
      %dma_start3A_441 = arith.constant 0 : i32
      %dma_start3A_442 = tpu.memref_slice %arg11[%dma_start3A_440, %dma_start3A_441] : memref<128x128xf32, #tpu.memory_space<vmem>> -> memref<64x128xf32, #tpu.memory_space<vmem>>
      tpu.enqueue_dma source(%dma_start3A_442 : memref<64x128xf32, #tpu.memory_space<vmem>>) target(%dma_start3A_439 : memref<64x128xf32, #tpu.memory_space<vmem_shared>>) target_semaphore(%run_scoped3A : memref<!tpu.dma_semaphore, #tpu.memory_space<semaphore_mem>>)
      %dma_wait3A_443 = arith.constant 0 : i32
      %dma_wait3A_444 = arith.constant 0 : i32
      %dma_wait3A_445 = tpu.memref_slice %arg11[%dma_wait3A_443, %dma_wait3A_444] : memref<128x128xf32, #tpu.memory_space<vmem>> -> memref<64x128xf32, #tpu.memory_space<vmem>>
      %dma_wait3A_446 = arith.constant 0 : i32
      %dma_wait3A_447 = tpu.memref_slice %arg16[%mul3A_32, %dma_wait3A_446] : memref<1024x128xf32, #tpu.memory_space<vmem_shared>> -> memref<64x128xf32, #tpu.memory_space<vmem_shared>>
      %dma_wait3A_448 = arith.constant 0 : i32
      %dma_wait3A_449 = tpu.memref_slice %arg16[%mul3A_32, %dma_wait3A_448] : memref<1024x128xf32, #tpu.memory_space<vmem_shared>> -> memref<64x128xf32, #tpu.memory_space<vmem_shared>>
      %dma_wait3A_450 = arith.constant 0 : i32
      %dma_wait3A_451 = arith.constant 0 : i32
      %dma_wait3A_452 = tpu.memref_slice %arg11[%dma_wait3A_450, %dma_wait3A_451] : memref<128x128xf32, #tpu.memory_space<vmem>> -> memref<64x128xf32, #tpu.memory_space<vmem>>
      tpu.wait_dma2 semaphore(%run_scoped3A : memref<!tpu.dma_semaphore, #tpu.memory_space<semaphore_mem>>) src(%dma_wait3A_452 : memref<64x128xf32, #tpu.memory_space<vmem>>) dst(%dma_wait3A_449 : memref<64x128xf32, #tpu.memory_space<vmem_shared>>)
      tpu.yield
    }) : () -> ()
    %mul3A_33 = arith.constant 64 : i32
    %mul3A_34 = arith.muli %arg1, %mul3A_33 : i32
    "tpu.region"() ({
      %run_scoped3A = tpu.sem_alloc : memref<!tpu.dma_semaphore, #tpu.memory_space<semaphore_mem>>
      %dma_start3A_433 = arith.constant 0 : i32
      %dma_start3A_434 = arith.constant 0 : i32
      %dma_start3A_435 = tpu.memref_slice %arg11[%dma_start3A_433, %dma_start3A_434] : memref<128x128xf32, #tpu.memory_space<vmem>> -> memref<64x128xf32, #tpu.memory_space<vmem>>
      %dma_start3A_436 = arith.constant 0 : i32
      %dma_start3A_437 = tpu.memref_slice %arg17[%mul3A_34, %dma_start3A_436] : memref<1024x128xf32, #tpu.memory_space<vmem_shared>> -> memref<64x128xf32, #tpu.memory_space<vmem_shared>>
      %dma_start3A_438 = arith.constant 0 : i32
      %dma_start3A_439 = tpu.memref_slice %arg17[%mul3A_34, %dma_start3A_438] : memref<1024x128xf32, #tpu.memory_space<vmem_shared>> -> memref<64x128xf32, #tpu.memory_space<vmem_shared>>
      %dma_start3A_440 = arith.constant 0 : i32
      %dma_start3A_441 = arith.constant 0 : i32
      %dma_start3A_442 = tpu.memref_slice %arg11[%dma_start3A_440, %dma_start3A_441] : memref<128x128xf32, #tpu.memory_space<vmem>> -> memref<64x128xf32, #tpu.memory_space<vmem>>
      tpu.enqueue_dma source(%dma_start3A_442 : memref<64x128xf32, #tpu.memory_space<vmem>>) target(%dma_start3A_439 : memref<64x128xf32, #tpu.memory_space<vmem_shared>>) target_semaphore(%run_scoped3A : memref<!tpu.dma_semaphore, #tpu.memory_space<semaphore_mem>>)
      %dma_wait3A_443 = arith.constant 0 : i32
      %dma_wait3A_444 = arith.constant 0 : i32
      %dma_wait3A_445 = tpu.memref_slice %arg11[%dma_wait3A_443, %dma_wait3A_444] : memref<128x128xf32, #tpu.memory_space<vmem>> -> memref<64x128xf32, #tpu.memory_space<vmem>>
      %dma_wait3A_446 = arith.constant 0 : i32
      %dma_wait3A_447 = tpu.memref_slice %arg17[%mul3A_34, %dma_wait3A_446] : memref<1024x128xf32, #tpu.memory_space<vmem_shared>> -> memref<64x128xf32, #tpu.memory_space<vmem_shared>>
      %dma_wait3A_448 = arith.constant 0 : i32
      %dma_wait3A_449 = tpu.memref_slice %arg17[%mul3A_34, %dma_wait3A_448] : memref<1024x128xf32, #tpu.memory_space<vmem_shared>> -> memref<64x128xf32, #tpu.memory_space<vmem_shared>>
      %dma_wait3A_450 = arith.constant 0 : i32
      %dma_wait3A_451 = arith.constant 0 : i32
      %dma_wait3A_452 = tpu.memref_slice %arg11[%dma_wait3A_450, %dma_wait3A_451] : memref<128x128xf32, #tpu.memory_space<vmem>> -> memref<64x128xf32, #tpu.memory_space<vmem>>
      tpu.wait_dma2 semaphore(%run_scoped3A : memref<!tpu.dma_semaphore, #tpu.memory_space<semaphore_mem>>) src(%dma_wait3A_452 : memref<64x128xf32, #tpu.memory_space<vmem>>) dst(%dma_wait3A_449 : memref<64x128xf32, #tpu.memory_space<vmem_shared>>)
      tpu.yield
    }) : () -> ()
    %scan3A_35 = arith.constant 0 : i32
    %scan3A_36 = arith.constant 0 : i32
    %scan3A_37 = arith.constant 8 : i32
    %scan3A_38 = arith.addi %scan3A_36, %scan3A_37 : i32
    %scan3A_39 = arith.constant 1 : i32
    %scan3A_40 = scf.for %scan3A_433 = %scan3A_36 to %scan3A_38 step %scan3A_39 iter_args(%scan3A_434 = %scan3A_35) -> (i32)  : i32 {
      %mul3A_435 = arith.constant 128 : i32
      %mul3A_436 = arith.muli %scan3A_433, %mul3A_435 : i32
      %add3A_437 = arith.addi %mul3A_0, %mul3A_436 : i32
      "tpu.region"() ({
        %run_scoped3A = tpu.sem_alloc : memref<!tpu.dma_semaphore, #tpu.memory_space<semaphore_mem>>
        %dma_start3A_439 = arith.constant 0 : i32
        %dma_start3A_440 = tpu.memref_slice %arg12[%scan3A_433, %dma_start3A_439] : memref<8x128xi32, #tpu.memory_space<vmem>> -> memref<1x128xi32, #tpu.memory_space<vmem>>
        %dma_start3A_441 = tpu.memref_squeeze %dma_start3A_440 : memref<1x128xi32, #tpu.memory_space<vmem>> -> memref<128xi32, #tpu.memory_space<vmem>>
        %dma_start3A_442 = tpu.memref_slice %arg3[%add3A_437] : memref<16384xi32, #tpu.memory_space<hbm>> -> memref<128xi32, #tpu.memory_space<hbm>>
        %dma_start3A_443 = arith.constant 0 : i32
        %dma_start3A_444 = tpu.memref_slice %arg12[%scan3A_433, %dma_start3A_443] : memref<8x128xi32, #tpu.memory_space<vmem>> -> memref<1x128xi32, #tpu.memory_space<vmem>>
        %dma_start3A_445 = tpu.memref_squeeze %dma_start3A_444 : memref<1x128xi32, #tpu.memory_space<vmem>> -> memref<128xi32, #tpu.memory_space<vmem>>
        %dma_start3A_446 = tpu.memref_slice %arg3[%add3A_437] : memref<16384xi32, #tpu.memory_space<hbm>> -> memref<128xi32, #tpu.memory_space<hbm>>
        tpu.enqueue_dma source(%dma_start3A_446 : memref<128xi32, #tpu.memory_space<hbm>>) target(%dma_start3A_445 : memref<128xi32, #tpu.memory_space<vmem>>) target_semaphore(%run_scoped3A : memref<!tpu.dma_semaphore, #tpu.memory_space<semaphore_mem>>)
        %dma_wait3A_447 = arith.constant 0 : i32
        %dma_wait3A_448 = tpu.memref_slice %arg12[%scan3A_433, %dma_wait3A_447] : memref<8x128xi32, #tpu.memory_space<vmem>> -> memref<1x128xi32, #tpu.memory_space<vmem>>
        %dma_wait3A_449 = tpu.memref_squeeze %dma_wait3A_448 : memref<1x128xi32, #tpu.memory_space<vmem>> -> memref<128xi32, #tpu.memory_space<vmem>>
        %dma_wait3A_450 = tpu.memref_slice %arg3[%add3A_437] : memref<16384xi32, #tpu.memory_space<hbm>> -> memref<128xi32, #tpu.memory_space<hbm>>
        %dma_wait3A_451 = arith.constant 0 : i32
        %dma_wait3A_452 = tpu.memref_slice %arg12[%scan3A_433, %dma_wait3A_451] : memref<8x128xi32, #tpu.memory_space<vmem>> -> memref<1x128xi32, #tpu.memory_space<vmem>>
        %dma_wait3A_453 = tpu.memref_squeeze %dma_wait3A_452 : memref<1x128xi32, #tpu.memory_space<vmem>> -> memref<128xi32, #tpu.memory_space<vmem>>
        %dma_wait3A_454 = tpu.memref_slice %arg3[%add3A_437] : memref<16384xi32, #tpu.memory_space<hbm>> -> memref<128xi32, #tpu.memory_space<hbm>>
        tpu.wait_dma2 semaphore(%run_scoped3A : memref<!tpu.dma_semaphore, #tpu.memory_space<semaphore_mem>>) src(%dma_wait3A_454 : memref<128xi32, #tpu.memory_space<hbm>>) dst(%dma_wait3A_453 : memref<128xi32, #tpu.memory_space<vmem>>)
        tpu.yield
      }) : () -> ()
      %scan3A_438 = arith.constant 0 : i32
      scf.yield %scan3A_438 : i32
    }
    %scan3A_41 = arith.constant 8 : i32
    %scan3A_42 = arith.constant 0 : i32
    %scan3A_43 = arith.constant 0 : i32
    %scan3A_44 = arith.constant 8 : i32
    %scan3A_45 = arith.addi %scan3A_43, %scan3A_44 : i32
    %scan3A_46 = arith.constant 1 : i32
    %scan3A_47 = scf.for %scan3A_433 = %scan3A_43 to %scan3A_45 step %scan3A_46 iter_args(%scan3A_434 = %scan3A_42) -> (i32)  : i32 {
      %scan3A_435 = arith.constant 0 : i32
      %scan3A_436 = arith.constant 0 : i32
      %scan3A_437 = arith.constant 8 : i32
      %scan3A_438 = arith.addi %scan3A_436, %scan3A_437 : i32
      %scan3A_439 = arith.constant 1 : i32
      %scan3A_440 = scf.for %scan3A_443 = %scan3A_436 to %scan3A_438 step %scan3A_439 iter_args(%scan3A_444 = %scan3A_435) -> (i32)  : i32 {
        %mul3A_445 = arith.constant 16 : i32
        %mul3A_446 = arith.muli %scan3A_443, %mul3A_445 : i32
        %get3A = arith.index_cast %scan3A_433 : i32 to index
        %get3A_447 = arith.index_cast %mul3A_446 : i32 to index
        %get3A_448 = tpu.vector_load %arg12[%get3A, %get3A_447] {strides = array<i32>} : memref<8x128xi32, #tpu.memory_space<vmem>>, vector<16xi32>,
        tpu.vector_store_idx %arg13[%get3A_448], %broadcast_in_dim3A_6 {add = true} : memref<1024xf32, #tpu.memory_space<vmem>>[vector<16xi32>], vector<16xf32>,
        %scan3A_449 = arith.constant 0 : i32
        scf.yield %scan3A_449 : i32
      }
      %scan3A_441 = arith.constant 8 : i32
      %scan3A_442 = arith.constant 0 : i32
      scf.yield %scan3A_442 : i32
    }
    %scan3A_48 = arith.constant 8 : i32
    %scan3A_49 = arith.constant 0 : i32
    %scan3A_50 = arith.constant 0 : i32
    %scan3A_51 = arith.constant 16 : i32
    %scan3A_52 = arith.addi %scan3A_50, %scan3A_51 : i32
    %scan3A_53 = arith.constant 1 : i32
    %scan3A_54 = scf.for %scan3A_433 = %scan3A_50 to %scan3A_52 step %scan3A_53 iter_args(%scan3A_434 = %scan3A_49) -> (i32)  : i32 {
      %mul3A_435 = arith.constant 64 : i32
      %mul3A_436 = arith.muli %scan3A_433, %mul3A_435 : i32
      %mul3A_437 = arith.constant 1024 : i32
      %mul3A_438 = arith.muli %scan3A_433, %mul3A_437 : i32
      %mul3A_439 = arith.constant 64 : i32
      %mul3A_440 = arith.muli %arg1, %mul3A_439 : i32
      %add3A_441 = arith.addi %mul3A_438, %mul3A_440 : i32
      %dma_start3A_442 = tpu.memref_slice %arg13[%mul3A_436] : memref<1024xf32, #tpu.memory_space<vmem>> -> memref<64xf32, #tpu.memory_space<vmem>>
      %dma_start3A_443 = tpu.memref_slice %arg18[%add3A_441] : memref<16384xf32, #tpu.memory_space<vmem_shared>> -> memref<64xf32, #tpu.memory_space<vmem_shared>>
      %dma_start3A_444 = tpu.memref_slice %arg18[%add3A_441] : memref<16384xf32, #tpu.memory_space<vmem_shared>> -> memref<64xf32, #tpu.memory_space<vmem_shared>>
      %dma_start3A_445 = tpu.memref_slice %arg13[%mul3A_436] : memref<1024xf32, #tpu.memory_space<vmem>> -> memref<64xf32, #tpu.memory_space<vmem>>
      tpu.enqueue_dma source(%dma_start3A_445 : memref<64xf32, #tpu.memory_space<vmem>>) target(%dma_start3A_444 : memref<64xf32, #tpu.memory_space<vmem_shared>>) target_semaphore(%arg22 : memref<!tpu.dma_semaphore, #tpu.memory_space<semaphore_mem>>)
      %scan3A_446 = arith.constant 0 : i32
      scf.yield %scan3A_446 : i32
    }
    %scan3A_55 = arith.constant 16 : i32
    %scan3A_56 = arith.constant 0 : i32
    %scan3A_57 = arith.constant 0 : i32
    %scan3A_58 = arith.constant 16 : i32
    %scan3A_59 = arith.addi %scan3A_57, %scan3A_58 : i32
    %scan3A_60 = arith.constant 1 : i32
    %scan3A_61 = scf.for %scan3A_433 = %scan3A_57 to %scan3A_59 step %scan3A_60 iter_args(%scan3A_434 = %scan3A_56) -> (i32)  : i32 {
      %mul3A_435 = arith.constant 64 : i32
      %mul3A_436 = arith.muli %scan3A_433, %mul3A_435 : i32
      %mul3A_437 = arith.constant 1024 : i32
      %mul3A_438 = arith.muli %scan3A_433, %mul3A_437 : i32
      %mul3A_439 = arith.constant 64 : i32
      %mul3A_440 = arith.muli %arg1, %mul3A_439 : i32
      %add3A_441 = arith.addi %mul3A_438, %mul3A_440 : i32
      %dma_wait3A_442 = tpu.memref_slice %arg13[%mul3A_436] : memref<1024xf32, #tpu.memory_space<vmem>> -> memref<64xf32, #tpu.memory_space<vmem>>
      %dma_wait3A_443 = tpu.memref_slice %arg18[%add3A_441] : memref<16384xf32, #tpu.memory_space<vmem_shared>> -> memref<64xf32, #tpu.memory_space<vmem_shared>>
      %dma_wait3A_444 = tpu.memref_slice %arg18[%add3A_441] : memref<16384xf32, #tpu.memory_space<vmem_shared>> -> memref<64xf32, #tpu.memory_space<vmem_shared>>
      %dma_wait3A_445 = tpu.memref_slice %arg13[%mul3A_436] : memref<1024xf32, #tpu.memory_space<vmem>> -> memref<64xf32, #tpu.memory_space<vmem>>
      tpu.wait_dma2 semaphore(%arg22 : memref<!tpu.dma_semaphore, #tpu.memory_space<semaphore_mem>>) src(%dma_wait3A_445 : memref<64xf32, #tpu.memory_space<vmem>>) dst(%dma_wait3A_444 : memref<64xf32, #tpu.memory_space<vmem_shared>>)
      %scan3A_446 = arith.constant 0 : i32
      scf.yield %scan3A_446 : i32
    }
    %scan3A_62 = arith.constant 16 : i32
    %barrier3A = arith.constant 0 : index
    tpu.barrier barrier_id(%barrier3A)
    %add3A_63 = arith.constant 256 : i32
    %add3A_64 = arith.addi %mul3A_0, %add3A_63 : i32
    %dma_start3A_65 = tpu.memref_slice %arg2[%add3A_64, %mul3A_2] : memref<16384x512xf32, #tpu.memory_space<hbm>> -> memref<128x128xf32, #tpu.memory_space<hbm>>
    %dma_start3A_66 = tpu.memref_slice %arg2[%add3A_64, %mul3A_2] : memref<16384x512xf32, #tpu.memory_space<hbm>> -> memref<128x128xf32, #tpu.memory_space<hbm>>
    tpu.enqueue_dma source(%dma_start3A_66 : memref<128x128xf32, #tpu.memory_space<hbm>>) target(%arg8 : memref<128x128xf32, #tpu.memory_space<vmem>>) target_semaphore(%arg19 : memref<!tpu.dma_semaphore, #tpu.memory_space<semaphore_mem>>)
    %dma_start3A_67 = tpu.memref_slice %arg2[%add3A_64, %add3A_3] : memref<16384x512xf32, #tpu.memory_space<hbm>> -> memref<128x128xf32, #tpu.memory_space<hbm>>
    %dma_start3A_68 = tpu.memref_slice %arg2[%add3A_64, %add3A_3] : memref<16384x512xf32, #tpu.memory_space<hbm>> -> memref<128x128xf32, #tpu.memory_space<hbm>>
    tpu.enqueue_dma source(%dma_start3A_68 : memref<128x128xf32, #tpu.memory_space<hbm>>) target(%arg11 : memref<128x128xf32, #tpu.memory_space<vmem>>) target_semaphore(%arg20 : memref<!tpu.dma_semaphore, #tpu.memory_space<semaphore_mem>>)
    %dma_wait3A = tpu.memref_slice %arg2[%add3A_8, %mul3A_2] : memref<16384x512xf32, #tpu.memory_space<hbm>> -> memref<128x128xf32, #tpu.memory_space<hbm>>
    %dma_wait3A_69 = tpu.memref_slice %arg2[%add3A_8, %mul3A_2] : memref<16384x512xf32, #tpu.memory_space<hbm>> -> memref<128x128xf32, #tpu.memory_space<hbm>>
    tpu.wait_dma2 semaphore(%arg19 : memref<!tpu.dma_semaphore, #tpu.memory_space<semaphore_mem>>) src(%dma_wait3A_69 : memref<128x128xf32, #tpu.memory_space<hbm>>) dst(%arg6 : memref<128x128xf32, #tpu.memory_space<vmem>>)
    %dma_wait3A_70 = tpu.memref_slice %arg2[%add3A_8, %add3A_3] : memref<16384x512xf32, #tpu.memory_space<hbm>> -> memref<128x128xf32, #tpu.memory_space<hbm>>
    %dma_wait3A_71 = tpu.memref_slice %arg2[%add3A_8, %add3A_3] : memref<16384x512xf32, #tpu.memory_space<hbm>> -> memref<128x128xf32, #tpu.memory_space<hbm>>
    tpu.wait_dma2 semaphore(%arg20 : memref<!tpu.dma_semaphore, #tpu.memory_space<semaphore_mem>>) src(%dma_wait3A_71 : memref<128x128xf32, #tpu.memory_space<hbm>>) dst(%arg9 : memref<128x128xf32, #tpu.memory_space<vmem>>)
    %dma_start3A_72 = arith.constant 0 : i32
    %dma_start3A_73 = arith.constant 0 : i32
    %dma_start3A_74 = tpu.memref_slice %arg12[%dma_start3A_72, %dma_start3A_73] : memref<8x128xi32, #tpu.memory_space<vmem>> -> memref<1x128xi32, #tpu.memory_space<vmem>>
    %dma_start3A_75 = tpu.memref_squeeze %dma_start3A_74 : memref<1x128xi32, #tpu.memory_space<vmem>> -> memref<128xi32, #tpu.memory_space<vmem>>
    %dma_start3A_76 = arith.constant 0 : i32
    %dma_start3A_77 = arith.constant 0 : i32
    %dma_start3A_78 = tpu.memref_slice %arg16[%dma_start3A_76, %dma_start3A_77] : memref<1024x128xf32, #tpu.memory_space<vmem_shared>> -> memref<1024x128xf32, #tpu.memory_space<vmem_shared>>
    tpu.enqueue_indirect_dma source(%arg6 : memref<128x128xf32, #tpu.memory_space<vmem>>) target(%dma_start3A_78 : memref<1024x128xf32, #tpu.memory_space<vmem_shared>>) offsets(%dma_start3A_75 : memref<128xi32, #tpu.memory_space<vmem>>) semaphore(%arg21 : memref<!tpu.dma_semaphore, #tpu.memory_space<semaphore_mem>>) {add = true}
    %dma_start3A_79 = arith.constant 0 : i32
    %dma_start3A_80 = arith.constant 0 : i32
    %dma_start3A_81 = tpu.memref_slice %arg12[%dma_start3A_79, %dma_start3A_80] : memref<8x128xi32, #tpu.memory_space<vmem>> -> memref<1x128xi32, #tpu.memory_space<vmem>>
    %dma_start3A_82 = tpu.memref_squeeze %dma_start3A_81 : memref<1x128xi32, #tpu.memory_space<vmem>> -> memref<128xi32, #tpu.memory_space<vmem>>
    %dma_start3A_83 = arith.constant 0 : i32
    %dma_start3A_84 = arith.constant 0 : i32
    %dma_start3A_85 = tpu.memref_slice %arg17[%dma_start3A_83, %dma_start3A_84] : memref<1024x128xf32, #tpu.memory_space<vmem_shared>> -> memref<1024x128xf32, #tpu.memory_space<vmem_shared>>
    tpu.enqueue_indirect_dma source(%arg9 : memref<128x128xf32, #tpu.memory_space<vmem>>) target(%dma_start3A_85 : memref<1024x128xf32, #tpu.memory_space<vmem_shared>>) offsets(%dma_start3A_82 : memref<128xi32, #tpu.memory_space<vmem>>) semaphore(%arg21 : memref<!tpu.dma_semaphore, #tpu.memory_space<semaphore_mem>>) {add = true}
    %dma_wait3A_86 = arith.constant 0 : i32
    %dma_wait3A_87 = arith.constant 0 : i32
    %dma_wait3A_88 = tpu.memref_slice %arg12[%dma_wait3A_86, %dma_wait3A_87] : memref<8x128xi32, #tpu.memory_space<vmem>> -> memref<1x128xi32, #tpu.memory_space<vmem>>
    %dma_wait3A_89 = tpu.memref_squeeze %dma_wait3A_88 : memref<1x128xi32, #tpu.memory_space<vmem>> -> memref<128xi32, #tpu.memory_space<vmem>>
    %dma_wait3A_90 = arith.constant 0 : i32
    %dma_wait3A_91 = arith.constant 0 : i32
    %dma_wait3A_92 = tpu.memref_slice %arg16[%dma_wait3A_90, %dma_wait3A_91] : memref<1024x128xf32, #tpu.memory_space<vmem_shared>> -> memref<1024x128xf32, #tpu.memory_space<vmem_shared>>
    tpu.wait_indirect_dma semaphore(%arg21 : memref<!tpu.dma_semaphore, #tpu.memory_space<semaphore_mem>>) src(%arg6 : memref<128x128xf32, #tpu.memory_space<vmem>>) dst(%dma_wait3A_92 : memref<1024x128xf32, #tpu.memory_space<vmem_shared>>)
    %dma_wait3A_93 = arith.constant 0 : i32
    %dma_wait3A_94 = arith.constant 0 : i32
    %dma_wait3A_95 = tpu.memref_slice %arg12[%dma_wait3A_93, %dma_wait3A_94] : memref<8x128xi32, #tpu.memory_space<vmem>> -> memref<1x128xi32, #tpu.memory_space<vmem>>
    %dma_wait3A_96 = tpu.memref_squeeze %dma_wait3A_95 : memref<1x128xi32, #tpu.memory_space<vmem>> -> memref<128xi32, #tpu.memory_space<vmem>>
    %dma_wait3A_97 = arith.constant 0 : i32
    %dma_wait3A_98 = arith.constant 0 : i32
    %dma_wait3A_99 = tpu.memref_slice %arg17[%dma_wait3A_97, %dma_wait3A_98] : memref<1024x128xf32, #tpu.memory_space<vmem_shared>> -> memref<1024x128xf32, #tpu.memory_space<vmem_shared>>
    tpu.wait_indirect_dma semaphore(%arg21 : memref<!tpu.dma_semaphore, #tpu.memory_space<semaphore_mem>>) src(%arg9 : memref<128x128xf32, #tpu.memory_space<vmem>>) dst(%dma_wait3A_99 : memref<1024x128xf32, #tpu.memory_space<vmem_shared>>)
    %add3A_100 = arith.constant 384 : i32
    %add3A_101 = arith.addi %mul3A_0, %add3A_100 : i32
    %dma_start3A_102 = tpu.memref_slice %arg2[%add3A_101, %mul3A_2] : memref<16384x512xf32, #tpu.memory_space<hbm>> -> memref<128x128xf32, #tpu.memory_space<hbm>>
    %dma_start3A_103 = tpu.memref_slice %arg2[%add3A_101, %mul3A_2] : memref<16384x512xf32, #tpu.memory_space<hbm>> -> memref<128x128xf32, #tpu.memory_space<hbm>>
    tpu.enqueue_dma source(%dma_start3A_103 : memref<128x128xf32, #tpu.memory_space<hbm>>) target(%arg6 : memref<128x128xf32, #tpu.memory_space<vmem>>) target_semaphore(%arg19 : memref<!tpu.dma_semaphore, #tpu.memory_space<semaphore_mem>>)
    %dma_start3A_104 = tpu.memref_slice %arg2[%add3A_101, %add3A_3] : memref<16384x512xf32, #tpu.memory_space<hbm>> -> memref<128x128xf32, #tpu.memory_space<hbm>>
    %dma_start3A_105 = tpu.memref_slice %arg2[%add3A_101, %add3A_3] : memref<16384x512xf32, #tpu.memory_space<hbm>> -> memref<128x128xf32, #tpu.memory_space<hbm>>
    tpu.enqueue_dma source(%dma_start3A_105 : memref<128x128xf32, #tpu.memory_space<hbm>>) target(%arg9 : memref<128x128xf32, #tpu.memory_space<vmem>>) target_semaphore(%arg20 : memref<!tpu.dma_semaphore, #tpu.memory_space<semaphore_mem>>)
    %dma_wait3A_106 = tpu.memref_slice %arg2[%add3A_13, %mul3A_2] : memref<16384x512xf32, #tpu.memory_space<hbm>> -> memref<128x128xf32, #tpu.memory_space<hbm>>
    %dma_wait3A_107 = tpu.memref_slice %arg2[%add3A_13, %mul3A_2] : memref<16384x512xf32, #tpu.memory_space<hbm>> -> memref<128x128xf32, #tpu.memory_space<hbm>>
    tpu.wait_dma2 semaphore(%arg19 : memref<!tpu.dma_semaphore, #tpu.memory_space<semaphore_mem>>) src(%dma_wait3A_107 : memref<128x128xf32, #tpu.memory_space<hbm>>) dst(%arg7 : memref<128x128xf32, #tpu.memory_space<vmem>>)
    %dma_wait3A_108 = tpu.memref_slice %arg2[%add3A_13, %add3A_3] : memref<16384x512xf32, #tpu.memory_space<hbm>> -> memref<128x128xf32, #tpu.memory_space<hbm>>
    %dma_wait3A_109 = tpu.memref_slice %arg2[%add3A_13, %add3A_3] : memref<16384x512xf32, #tpu.memory_space<hbm>> -> memref<128x128xf32, #tpu.memory_space<hbm>>
    tpu.wait_dma2 semaphore(%arg20 : memref<!tpu.dma_semaphore, #tpu.memory_space<semaphore_mem>>) src(%dma_wait3A_109 : memref<128x128xf32, #tpu.memory_space<hbm>>) dst(%arg10 : memref<128x128xf32, #tpu.memory_space<vmem>>)
    %dma_start3A_110 = arith.constant 1 : i32
    %dma_start3A_111 = arith.constant 0 : i32
    %dma_start3A_112 = tpu.memref_slice %arg12[%dma_start3A_110, %dma_start3A_111] : memref<8x128xi32, #tpu.memory_space<vmem>> -> memref<1x128xi32, #tpu.memory_space<vmem>>
    %dma_start3A_113 = tpu.memref_squeeze %dma_start3A_112 : memref<1x128xi32, #tpu.memory_space<vmem>> -> memref<128xi32, #tpu.memory_space<vmem>>
    %dma_start3A_114 = arith.constant 0 : i32
    %dma_start3A_115 = arith.constant 0 : i32
    %dma_start3A_116 = tpu.memref_slice %arg16[%dma_start3A_114, %dma_start3A_115] : memref<1024x128xf32, #tpu.memory_space<vmem_shared>> -> memref<1024x128xf32, #tpu.memory_space<vmem_shared>>
    tpu.enqueue_indirect_dma source(%arg7 : memref<128x128xf32, #tpu.memory_space<vmem>>) target(%dma_start3A_116 : memref<1024x128xf32, #tpu.memory_space<vmem_shared>>) offsets(%dma_start3A_113 : memref<128xi32, #tpu.memory_space<vmem>>) semaphore(%arg21 : memref<!tpu.dma_semaphore, #tpu.memory_space<semaphore_mem>>) {add = true}
    %dma_start3A_117 = arith.constant 1 : i32
    %dma_start3A_118 = arith.constant 0 : i32
    %dma_start3A_119 = tpu.memref_slice %arg12[%dma_start3A_117, %dma_start3A_118] : memref<8x128xi32, #tpu.memory_space<vmem>> -> memref<1x128xi32, #tpu.memory_space<vmem>>
    %dma_start3A_120 = tpu.memref_squeeze %dma_start3A_119 : memref<1x128xi32, #tpu.memory_space<vmem>> -> memref<128xi32, #tpu.memory_space<vmem>>
    %dma_start3A_121 = arith.constant 0 : i32
    %dma_start3A_122 = arith.constant 0 : i32
    %dma_start3A_123 = tpu.memref_slice %arg17[%dma_start3A_121, %dma_start3A_122] : memref<1024x128xf32, #tpu.memory_space<vmem_shared>> -> memref<1024x128xf32, #tpu.memory_space<vmem_shared>>
    tpu.enqueue_indirect_dma source(%arg10 : memref<128x128xf32, #tpu.memory_space<vmem>>) target(%dma_start3A_123 : memref<1024x128xf32, #tpu.memory_space<vmem_shared>>) offsets(%dma_start3A_120 : memref<128xi32, #tpu.memory_space<vmem>>) semaphore(%arg21 : memref<!tpu.dma_semaphore, #tpu.memory_space<semaphore_mem>>) {add = true}
    %dma_wait3A_124 = arith.constant 1 : i32
    %dma_wait3A_125 = arith.constant 0 : i32
    %dma_wait3A_126 = tpu.memref_slice %arg12[%dma_wait3A_124, %dma_wait3A_125] : memref<8x128xi32, #tpu.memory_space<vmem>> -> memref<1x128xi32, #tpu.memory_space<vmem>>
    %dma_wait3A_127 = tpu.memref_squeeze %dma_wait3A_126 : memref<1x128xi32, #tpu.memory_space<vmem>> -> memref<128xi32, #tpu.memory_space<vmem>>
    %dma_wait3A_128 = arith.constant 0 : i32
    %dma_wait3A_129 = arith.constant 0 : i32
    %dma_wait3A_130 = tpu.memref_slice %arg16[%dma_wait3A_128, %dma_wait3A_129] : memref<1024x128xf32, #tpu.memory_space<vmem_shared>> -> memref<1024x128xf32, #tpu.memory_space<vmem_shared>>
    tpu.wait_indirect_dma semaphore(%arg21 : memref<!tpu.dma_semaphore, #tpu.memory_space<semaphore_mem>>) src(%arg7 : memref<128x128xf32, #tpu.memory_space<vmem>>) dst(%dma_wait3A_130 : memref<1024x128xf32, #tpu.memory_space<vmem_shared>>)
    %dma_wait3A_131 = arith.constant 1 : i32
    %dma_wait3A_132 = arith.constant 0 : i32
    %dma_wait3A_133 = tpu.memref_slice %arg12[%dma_wait3A_131, %dma_wait3A_132] : memref<8x128xi32, #tpu.memory_space<vmem>> -> memref<1x128xi32, #tpu.memory_space<vmem>>
    %dma_wait3A_134 = tpu.memref_squeeze %dma_wait3A_133 : memref<1x128xi32, #tpu.memory_space<vmem>> -> memref<128xi32, #tpu.memory_space<vmem>>
    %dma_wait3A_135 = arith.constant 0 : i32
    %dma_wait3A_136 = arith.constant 0 : i32
    %dma_wait3A_137 = tpu.memref_slice %arg17[%dma_wait3A_135, %dma_wait3A_136] : memref<1024x128xf32, #tpu.memory_space<vmem_shared>> -> memref<1024x128xf32, #tpu.memory_space<vmem_shared>>
    tpu.wait_indirect_dma semaphore(%arg21 : memref<!tpu.dma_semaphore, #tpu.memory_space<semaphore_mem>>) src(%arg10 : memref<128x128xf32, #tpu.memory_space<vmem>>) dst(%dma_wait3A_137 : memref<1024x128xf32, #tpu.memory_space<vmem_shared>>)
    %add3A_138 = arith.constant 512 : i32
    %add3A_139 = arith.addi %mul3A_0, %add3A_138 : i32
    %dma_start3A_140 = tpu.memref_slice %arg2[%add3A_139, %mul3A_2] : memref<16384x512xf32, #tpu.memory_space<hbm>> -> memref<128x128xf32, #tpu.memory_space<hbm>>
    %dma_start3A_141 = tpu.memref_slice %arg2[%add3A_139, %mul3A_2] : memref<16384x512xf32, #tpu.memory_space<hbm>> -> memref<128x128xf32, #tpu.memory_space<hbm>>
    tpu.enqueue_dma source(%dma_start3A_141 : memref<128x128xf32, #tpu.memory_space<hbm>>) target(%arg7 : memref<128x128xf32, #tpu.memory_space<vmem>>) target_semaphore(%arg19 : memref<!tpu.dma_semaphore, #tpu.memory_space<semaphore_mem>>)
    %dma_start3A_142 = tpu.memref_slice %arg2[%add3A_139, %add3A_3] : memref<16384x512xf32, #tpu.memory_space<hbm>> -> memref<128x128xf32, #tpu.memory_space<hbm>>
    %dma_start3A_143 = tpu.memref_slice %arg2[%add3A_139, %add3A_3] : memref<16384x512xf32, #tpu.memory_space<hbm>> -> memref<128x128xf32, #tpu.memory_space<hbm>>
    tpu.enqueue_dma source(%dma_start3A_143 : memref<128x128xf32, #tpu.memory_space<hbm>>) target(%arg10 : memref<128x128xf32, #tpu.memory_space<vmem>>) target_semaphore(%arg20 : memref<!tpu.dma_semaphore, #tpu.memory_space<semaphore_mem>>)
    %dma_wait3A_144 = tpu.memref_slice %arg2[%add3A_64, %mul3A_2] : memref<16384x512xf32, #tpu.memory_space<hbm>> -> memref<128x128xf32, #tpu.memory_space<hbm>>
    %dma_wait3A_145 = tpu.memref_slice %arg2[%add3A_64, %mul3A_2] : memref<16384x512xf32, #tpu.memory_space<hbm>> -> memref<128x128xf32, #tpu.memory_space<hbm>>
    tpu.wait_dma2 semaphore(%arg19 : memref<!tpu.dma_semaphore, #tpu.memory_space<semaphore_mem>>) src(%dma_wait3A_145 : memref<128x128xf32, #tpu.memory_space<hbm>>) dst(%arg8 : memref<128x128xf32, #tpu.memory_space<vmem>>)
    %dma_wait3A_146 = tpu.memref_slice %arg2[%add3A_64, %add3A_3] : memref<16384x512xf32, #tpu.memory_space<hbm>> -> memref<128x128xf32, #tpu.memory_space<hbm>>
    %dma_wait3A_147 = tpu.memref_slice %arg2[%add3A_64, %add3A_3] : memref<16384x512xf32, #tpu.memory_space<hbm>> -> memref<128x128xf32, #tpu.memory_space<hbm>>
    tpu.wait_dma2 semaphore(%arg20 : memref<!tpu.dma_semaphore, #tpu.memory_space<semaphore_mem>>) src(%dma_wait3A_147 : memref<128x128xf32, #tpu.memory_space<hbm>>) dst(%arg11 : memref<128x128xf32, #tpu.memory_space<vmem>>)
    %dma_start3A_148 = arith.constant 2 : i32
    %dma_start3A_149 = arith.constant 0 : i32
    %dma_start3A_150 = tpu.memref_slice %arg12[%dma_start3A_148, %dma_start3A_149] : memref<8x128xi32, #tpu.memory_space<vmem>> -> memref<1x128xi32, #tpu.memory_space<vmem>>
    %dma_start3A_151 = tpu.memref_squeeze %dma_start3A_150 : memref<1x128xi32, #tpu.memory_space<vmem>> -> memref<128xi32, #tpu.memory_space<vmem>>
    %dma_start3A_152 = arith.constant 0 : i32
    %dma_start3A_153 = arith.constant 0 : i32
    %dma_start3A_154 = tpu.memref_slice %arg16[%dma_start3A_152, %dma_start3A_153] : memref<1024x128xf32, #tpu.memory_space<vmem_shared>> -> memref<1024x128xf32, #tpu.memory_space<vmem_shared>>
    tpu.enqueue_indirect_dma source(%arg8 : memref<128x128xf32, #tpu.memory_space<vmem>>) target(%dma_start3A_154 : memref<1024x128xf32, #tpu.memory_space<vmem_shared>>) offsets(%dma_start3A_151 : memref<128xi32, #tpu.memory_space<vmem>>) semaphore(%arg21 : memref<!tpu.dma_semaphore, #tpu.memory_space<semaphore_mem>>) {add = true}
    %dma_start3A_155 = arith.constant 2 : i32
    %dma_start3A_156 = arith.constant 0 : i32
    %dma_start3A_157 = tpu.memref_slice %arg12[%dma_start3A_155, %dma_start3A_156] : memref<8x128xi32, #tpu.memory_space<vmem>> -> memref<1x128xi32, #tpu.memory_space<vmem>>
    %dma_start3A_158 = tpu.memref_squeeze %dma_start3A_157 : memref<1x128xi32, #tpu.memory_space<vmem>> -> memref<128xi32, #tpu.memory_space<vmem>>
    %dma_start3A_159 = arith.constant 0 : i32
    %dma_start3A_160 = arith.constant 0 : i32
    %dma_start3A_161 = tpu.memref_slice %arg17[%dma_start3A_159, %dma_start3A_160] : memref<1024x128xf32, #tpu.memory_space<vmem_shared>> -> memref<1024x128xf32, #tpu.memory_space<vmem_shared>>
    tpu.enqueue_indirect_dma source(%arg11 : memref<128x128xf32, #tpu.memory_space<vmem>>) target(%dma_start3A_161 : memref<1024x128xf32, #tpu.memory_space<vmem_shared>>) offsets(%dma_start3A_158 : memref<128xi32, #tpu.memory_space<vmem>>) semaphore(%arg21 : memref<!tpu.dma_semaphore, #tpu.memory_space<semaphore_mem>>) {add = true}
    %dma_wait3A_162 = arith.constant 2 : i32
    %dma_wait3A_163 = arith.constant 0 : i32
    %dma_wait3A_164 = tpu.memref_slice %arg12[%dma_wait3A_162, %dma_wait3A_163] : memref<8x128xi32, #tpu.memory_space<vmem>> -> memref<1x128xi32, #tpu.memory_space<vmem>>
    %dma_wait3A_165 = tpu.memref_squeeze %dma_wait3A_164 : memref<1x128xi32, #tpu.memory_space<vmem>> -> memref<128xi32, #tpu.memory_space<vmem>>
    %dma_wait3A_166 = arith.constant 0 : i32
    %dma_wait3A_167 = arith.constant 0 : i32
    %dma_wait3A_168 = tpu.memref_slice %arg16[%dma_wait3A_166, %dma_wait3A_167] : memref<1024x128xf32, #tpu.memory_space<vmem_shared>> -> memref<1024x128xf32, #tpu.memory_space<vmem_shared>>
    tpu.wait_indirect_dma semaphore(%arg21 : memref<!tpu.dma_semaphore, #tpu.memory_space<semaphore_mem>>) src(%arg8 : memref<128x128xf32, #tpu.memory_space<vmem>>) dst(%dma_wait3A_168 : memref<1024x128xf32, #tpu.memory_space<vmem_shared>>)
    %dma_wait3A_169 = arith.constant 2 : i32
    %dma_wait3A_170 = arith.constant 0 : i32
    %dma_wait3A_171 = tpu.memref_slice %arg12[%dma_wait3A_169, %dma_wait3A_170] : memref<8x128xi32, #tpu.memory_space<vmem>> -> memref<1x128xi32, #tpu.memory_space<vmem>>
    %dma_wait3A_172 = tpu.memref_squeeze %dma_wait3A_171 : memref<1x128xi32, #tpu.memory_space<vmem>> -> memref<128xi32, #tpu.memory_space<vmem>>
    %dma_wait3A_173 = arith.constant 0 : i32
    %dma_wait3A_174 = arith.constant 0 : i32
    %dma_wait3A_175 = tpu.memref_slice %arg17[%dma_wait3A_173, %dma_wait3A_174] : memref<1024x128xf32, #tpu.memory_space<vmem_shared>> -> memref<1024x128xf32, #tpu.memory_space<vmem_shared>>
    tpu.wait_indirect_dma semaphore(%arg21 : memref<!tpu.dma_semaphore, #tpu.memory_space<semaphore_mem>>) src(%arg11 : memref<128x128xf32, #tpu.memory_space<vmem>>) dst(%dma_wait3A_175 : memref<1024x128xf32, #tpu.memory_space<vmem_shared>>)
    %add3A_176 = arith.constant 640 : i32
    %add3A_177 = arith.addi %mul3A_0, %add3A_176 : i32
    %dma_start3A_178 = tpu.memref_slice %arg2[%add3A_177, %mul3A_2] : memref<16384x512xf32, #tpu.memory_space<hbm>> -> memref<128x128xf32, #tpu.memory_space<hbm>>
    %dma_start3A_179 = tpu.memref_slice %arg2[%add3A_177, %mul3A_2] : memref<16384x512xf32, #tpu.memory_space<hbm>> -> memref<128x128xf32, #tpu.memory_space<hbm>>
    tpu.enqueue_dma source(%dma_start3A_179 : memref<128x128xf32, #tpu.memory_space<hbm>>) target(%arg8 : memref<128x128xf32, #tpu.memory_space<vmem>>) target_semaphore(%arg19 : memref<!tpu.dma_semaphore, #tpu.memory_space<semaphore_mem>>)
    %dma_start3A_180 = tpu.memref_slice %arg2[%add3A_177, %add3A_3] : memref<16384x512xf32, #tpu.memory_space<hbm>> -> memref<128x128xf32, #tpu.memory_space<hbm>>
    %dma_start3A_181 = tpu.memref_slice %arg2[%add3A_177, %add3A_3] : memref<16384x512xf32, #tpu.memory_space<hbm>> -> memref<128x128xf32, #tpu.memory_space<hbm>>
    tpu.enqueue_dma source(%dma_start3A_181 : memref<128x128xf32, #tpu.memory_space<hbm>>) target(%arg11 : memref<128x128xf32, #tpu.memory_space<vmem>>) target_semaphore(%arg20 : memref<!tpu.dma_semaphore, #tpu.memory_space<semaphore_mem>>)
    %dma_wait3A_182 = tpu.memref_slice %arg2[%add3A_101, %mul3A_2] : memref<16384x512xf32, #tpu.memory_space<hbm>> -> memref<128x128xf32, #tpu.memory_space<hbm>>
    %dma_wait3A_183 = tpu.memref_slice %arg2[%add3A_101, %mul3A_2] : memref<16384x512xf32, #tpu.memory_space<hbm>> -> memref<128x128xf32, #tpu.memory_space<hbm>>
    tpu.wait_dma2 semaphore(%arg19 : memref<!tpu.dma_semaphore, #tpu.memory_space<semaphore_mem>>) src(%dma_wait3A_183 : memref<128x128xf32, #tpu.memory_space<hbm>>) dst(%arg6 : memref<128x128xf32, #tpu.memory_space<vmem>>)
    %dma_wait3A_184 = tpu.memref_slice %arg2[%add3A_101, %add3A_3] : memref<16384x512xf32, #tpu.memory_space<hbm>> -> memref<128x128xf32, #tpu.memory_space<hbm>>
    %dma_wait3A_185 = tpu.memref_slice %arg2[%add3A_101, %add3A_3] : memref<16384x512xf32, #tpu.memory_space<hbm>> -> memref<128x128xf32, #tpu.memory_space<hbm>>
    tpu.wait_dma2 semaphore(%arg20 : memref<!tpu.dma_semaphore, #tpu.memory_space<semaphore_mem>>) src(%dma_wait3A_185 : memref<128x128xf32, #tpu.memory_space<hbm>>) dst(%arg9 : memref<128x128xf32, #tpu.memory_space<vmem>>)
    %dma_start3A_186 = arith.constant 3 : i32
    %dma_start3A_187 = arith.constant 0 : i32
    %dma_start3A_188 = tpu.memref_slice %arg12[%dma_start3A_186, %dma_start3A_187] : memref<8x128xi32, #tpu.memory_space<vmem>> -> memref<1x128xi32, #tpu.memory_space<vmem>>
    %dma_start3A_189 = tpu.memref_squeeze %dma_start3A_188 : memref<1x128xi32, #tpu.memory_space<vmem>> -> memref<128xi32, #tpu.memory_space<vmem>>
    %dma_start3A_190 = arith.constant 0 : i32
    %dma_start3A_191 = arith.constant 0 : i32
    %dma_start3A_192 = tpu.memref_slice %arg16[%dma_start3A_190, %dma_start3A_191] : memref<1024x128xf32, #tpu.memory_space<vmem_shared>> -> memref<1024x128xf32, #tpu.memory_space<vmem_shared>>
    tpu.enqueue_indirect_dma source(%arg6 : memref<128x128xf32, #tpu.memory_space<vmem>>) target(%dma_start3A_192 : memref<1024x128xf32, #tpu.memory_space<vmem_shared>>) offsets(%dma_start3A_189 : memref<128xi32, #tpu.memory_space<vmem>>) semaphore(%arg21 : memref<!tpu.dma_semaphore, #tpu.memory_space<semaphore_mem>>) {add = true}
    %dma_start3A_193 = arith.constant 3 : i32
    %dma_start3A_194 = arith.constant 0 : i32
    %dma_start3A_195 = tpu.memref_slice %arg12[%dma_start3A_193, %dma_start3A_194] : memref<8x128xi32, #tpu.memory_space<vmem>> -> memref<1x128xi32, #tpu.memory_space<vmem>>
    %dma_start3A_196 = tpu.memref_squeeze %dma_start3A_195 : memref<1x128xi32, #tpu.memory_space<vmem>> -> memref<128xi32, #tpu.memory_space<vmem>>
    %dma_start3A_197 = arith.constant 0 : i32
    %dma_start3A_198 = arith.constant 0 : i32
    %dma_start3A_199 = tpu.memref_slice %arg17[%dma_start3A_197, %dma_start3A_198] : memref<1024x128xf32, #tpu.memory_space<vmem_shared>> -> memref<1024x128xf32, #tpu.memory_space<vmem_shared>>
    tpu.enqueue_indirect_dma source(%arg9 : memref<128x128xf32, #tpu.memory_space<vmem>>) target(%dma_start3A_199 : memref<1024x128xf32, #tpu.memory_space<vmem_shared>>) offsets(%dma_start3A_196 : memref<128xi32, #tpu.memory_space<vmem>>) semaphore(%arg21 : memref<!tpu.dma_semaphore, #tpu.memory_space<semaphore_mem>>) {add = true}
    %dma_wait3A_200 = arith.constant 3 : i32
    %dma_wait3A_201 = arith.constant 0 : i32
    %dma_wait3A_202 = tpu.memref_slice %arg12[%dma_wait3A_200, %dma_wait3A_201] : memref<8x128xi32, #tpu.memory_space<vmem>> -> memref<1x128xi32, #tpu.memory_space<vmem>>
    %dma_wait3A_203 = tpu.memref_squeeze %dma_wait3A_202 : memref<1x128xi32, #tpu.memory_space<vmem>> -> memref<128xi32, #tpu.memory_space<vmem>>
    %dma_wait3A_204 = arith.constant 0 : i32
    %dma_wait3A_205 = arith.constant 0 : i32
    %dma_wait3A_206 = tpu.memref_slice %arg16[%dma_wait3A_204, %dma_wait3A_205] : memref<1024x128xf32, #tpu.memory_space<vmem_shared>> -> memref<1024x128xf32, #tpu.memory_space<vmem_shared>>
    tpu.wait_indirect_dma semaphore(%arg21 : memref<!tpu.dma_semaphore, #tpu.memory_space<semaphore_mem>>) src(%arg6 : memref<128x128xf32, #tpu.memory_space<vmem>>) dst(%dma_wait3A_206 : memref<1024x128xf32, #tpu.memory_space<vmem_shared>>)
    %dma_wait3A_207 = arith.constant 3 : i32
    %dma_wait3A_208 = arith.constant 0 : i32
    %dma_wait3A_209 = tpu.memref_slice %arg12[%dma_wait3A_207, %dma_wait3A_208] : memref<8x128xi32, #tpu.memory_space<vmem>> -> memref<1x128xi32, #tpu.memory_space<vmem>>
    %dma_wait3A_210 = tpu.memref_squeeze %dma_wait3A_209 : memref<1x128xi32, #tpu.memory_space<vmem>> -> memref<128xi32, #tpu.memory_space<vmem>>
    %dma_wait3A_211 = arith.constant 0 : i32
    %dma_wait3A_212 = arith.constant 0 : i32
    %dma_wait3A_213 = tpu.memref_slice %arg17[%dma_wait3A_211, %dma_wait3A_212] : memref<1024x128xf32, #tpu.memory_space<vmem_shared>> -> memref<1024x128xf32, #tpu.memory_space<vmem_shared>>
    tpu.wait_indirect_dma semaphore(%arg21 : memref<!tpu.dma_semaphore, #tpu.memory_space<semaphore_mem>>) src(%arg9 : memref<128x128xf32, #tpu.memory_space<vmem>>) dst(%dma_wait3A_213 : memref<1024x128xf32, #tpu.memory_space<vmem_shared>>)
    %add3A_214 = arith.constant 768 : i32
    %add3A_215 = arith.addi %mul3A_0, %add3A_214 : i32
    %dma_start3A_216 = tpu.memref_slice %arg2[%add3A_215, %mul3A_2] : memref<16384x512xf32, #tpu.memory_space<hbm>> -> memref<128x128xf32, #tpu.memory_space<hbm>>
    %dma_start3A_217 = tpu.memref_slice %arg2[%add3A_215, %mul3A_2] : memref<16384x512xf32, #tpu.memory_space<hbm>> -> memref<128x128xf32, #tpu.memory_space<hbm>>
    tpu.enqueue_dma source(%dma_start3A_217 : memref<128x128xf32, #tpu.memory_space<hbm>>) target(%arg6 : memref<128x128xf32, #tpu.memory_space<vmem>>) target_semaphore(%arg19 : memref<!tpu.dma_semaphore, #tpu.memory_space<semaphore_mem>>)
    %dma_start3A_218 = tpu.memref_slice %arg2[%add3A_215, %add3A_3] : memref<16384x512xf32, #tpu.memory_space<hbm>> -> memref<128x128xf32, #tpu.memory_space<hbm>>
    %dma_start3A_219 = tpu.memref_slice %arg2[%add3A_215, %add3A_3] : memref<16384x512xf32, #tpu.memory_space<hbm>> -> memref<128x128xf32, #tpu.memory_space<hbm>>
    tpu.enqueue_dma source(%dma_start3A_219 : memref<128x128xf32, #tpu.memory_space<hbm>>) target(%arg9 : memref<128x128xf32, #tpu.memory_space<vmem>>) target_semaphore(%arg20 : memref<!tpu.dma_semaphore, #tpu.memory_space<semaphore_mem>>)
    %dma_wait3A_220 = tpu.memref_slice %arg2[%add3A_139, %mul3A_2] : memref<16384x512xf32, #tpu.memory_space<hbm>> -> memref<128x128xf32, #tpu.memory_space<hbm>>
    %dma_wait3A_221 = tpu.memref_slice %arg2[%add3A_139, %mul3A_2] : memref<16384x512xf32, #tpu.memory_space<hbm>> -> memref<128x128xf32, #tpu.memory_space<hbm>>
    tpu.wait_dma2 semaphore(%arg19 : memref<!tpu.dma_semaphore, #tpu.memory_space<semaphore_mem>>) src(%dma_wait3A_221 : memref<128x128xf32, #tpu.memory_space<hbm>>) dst(%arg7 : memref<128x128xf32, #tpu.memory_space<vmem>>)
    %dma_wait3A_222 = tpu.memref_slice %arg2[%add3A_139, %add3A_3] : memref<16384x512xf32, #tpu.memory_space<hbm>> -> memref<128x128xf32, #tpu.memory_space<hbm>>
    %dma_wait3A_223 = tpu.memref_slice %arg2[%add3A_139, %add3A_3] : memref<16384x512xf32, #tpu.memory_space<hbm>> -> memref<128x128xf32, #tpu.memory_space<hbm>>
    tpu.wait_dma2 semaphore(%arg20 : memref<!tpu.dma_semaphore, #tpu.memory_space<semaphore_mem>>) src(%dma_wait3A_223 : memref<128x128xf32, #tpu.memory_space<hbm>>) dst(%arg10 : memref<128x128xf32, #tpu.memory_space<vmem>>)
    %dma_start3A_224 = arith.constant 4 : i32
    %dma_start3A_225 = arith.constant 0 : i32
    %dma_start3A_226 = tpu.memref_slice %arg12[%dma_start3A_224, %dma_start3A_225] : memref<8x128xi32, #tpu.memory_space<vmem>> -> memref<1x128xi32, #tpu.memory_space<vmem>>
    %dma_start3A_227 = tpu.memref_squeeze %dma_start3A_226 : memref<1x128xi32, #tpu.memory_space<vmem>> -> memref<128xi32, #tpu.memory_space<vmem>>
    %dma_start3A_228 = arith.constant 0 : i32
    %dma_start3A_229 = arith.constant 0 : i32
    %dma_start3A_230 = tpu.memref_slice %arg16[%dma_start3A_228, %dma_start3A_229] : memref<1024x128xf32, #tpu.memory_space<vmem_shared>> -> memref<1024x128xf32, #tpu.memory_space<vmem_shared>>
    tpu.enqueue_indirect_dma source(%arg7 : memref<128x128xf32, #tpu.memory_space<vmem>>) target(%dma_start3A_230 : memref<1024x128xf32, #tpu.memory_space<vmem_shared>>) offsets(%dma_start3A_227 : memref<128xi32, #tpu.memory_space<vmem>>) semaphore(%arg21 : memref<!tpu.dma_semaphore, #tpu.memory_space<semaphore_mem>>) {add = true}
    %dma_start3A_231 = arith.constant 4 : i32
    %dma_start3A_232 = arith.constant 0 : i32
    %dma_start3A_233 = tpu.memref_slice %arg12[%dma_start3A_231, %dma_start3A_232] : memref<8x128xi32, #tpu.memory_space<vmem>> -> memref<1x128xi32, #tpu.memory_space<vmem>>
    %dma_start3A_234 = tpu.memref_squeeze %dma_start3A_233 : memref<1x128xi32, #tpu.memory_space<vmem>> -> memref<128xi32, #tpu.memory_space<vmem>>
    %dma_start3A_235 = arith.constant 0 : i32
    %dma_start3A_236 = arith.constant 0 : i32
    %dma_start3A_237 = tpu.memref_slice %arg17[%dma_start3A_235, %dma_start3A_236] : memref<1024x128xf32, #tpu.memory_space<vmem_shared>> -> memref<1024x128xf32, #tpu.memory_space<vmem_shared>>
    tpu.enqueue_indirect_dma source(%arg10 : memref<128x128xf32, #tpu.memory_space<vmem>>) target(%dma_start3A_237 : memref<1024x128xf32, #tpu.memory_space<vmem_shared>>) offsets(%dma_start3A_234 : memref<128xi32, #tpu.memory_space<vmem>>) semaphore(%arg21 : memref<!tpu.dma_semaphore, #tpu.memory_space<semaphore_mem>>) {add = true}
    %dma_wait3A_238 = arith.constant 4 : i32
    %dma_wait3A_239 = arith.constant 0 : i32
    %dma_wait3A_240 = tpu.memref_slice %arg12[%dma_wait3A_238, %dma_wait3A_239] : memref<8x128xi32, #tpu.memory_space<vmem>> -> memref<1x128xi32, #tpu.memory_space<vmem>>
    %dma_wait3A_241 = tpu.memref_squeeze %dma_wait3A_240 : memref<1x128xi32, #tpu.memory_space<vmem>> -> memref<128xi32, #tpu.memory_space<vmem>>
    %dma_wait3A_242 = arith.constant 0 : i32
    %dma_wait3A_243 = arith.constant 0 : i32
    %dma_wait3A_244 = tpu.memref_slice %arg16[%dma_wait3A_242, %dma_wait3A_243] : memref<1024x128xf32, #tpu.memory_space<vmem_shared>> -> memref<1024x128xf32, #tpu.memory_space<vmem_shared>>
    tpu.wait_indirect_dma semaphore(%arg21 : memref<!tpu.dma_semaphore, #tpu.memory_space<semaphore_mem>>) src(%arg7 : memref<128x128xf32, #tpu.memory_space<vmem>>) dst(%dma_wait3A_244 : memref<1024x128xf32, #tpu.memory_space<vmem_shared>>)
    %dma_wait3A_245 = arith.constant 4 : i32
    %dma_wait3A_246 = arith.constant 0 : i32
    %dma_wait3A_247 = tpu.memref_slice %arg12[%dma_wait3A_245, %dma_wait3A_246] : memref<8x128xi32, #tpu.memory_space<vmem>> -> memref<1x128xi32, #tpu.memory_space<vmem>>
    %dma_wait3A_248 = tpu.memref_squeeze %dma_wait3A_247 : memref<1x128xi32, #tpu.memory_space<vmem>> -> memref<128xi32, #tpu.memory_space<vmem>>
    %dma_wait3A_249 = arith.constant 0 : i32
    %dma_wait3A_250 = arith.constant 0 : i32
    %dma_wait3A_251 = tpu.memref_slice %arg17[%dma_wait3A_249, %dma_wait3A_250] : memref<1024x128xf32, #tpu.memory_space<vmem_shared>> -> memref<1024x128xf32, #tpu.memory_space<vmem_shared>>
    tpu.wait_indirect_dma semaphore(%arg21 : memref<!tpu.dma_semaphore, #tpu.memory_space<semaphore_mem>>) src(%arg10 : memref<128x128xf32, #tpu.memory_space<vmem>>) dst(%dma_wait3A_251 : memref<1024x128xf32, #tpu.memory_space<vmem_shared>>)
    %add3A_252 = arith.constant 896 : i32
    %add3A_253 = arith.addi %mul3A_0, %add3A_252 : i32
    %dma_start3A_254 = tpu.memref_slice %arg2[%add3A_253, %mul3A_2] : memref<16384x512xf32, #tpu.memory_space<hbm>> -> memref<128x128xf32, #tpu.memory_space<hbm>>
    %dma_start3A_255 = tpu.memref_slice %arg2[%add3A_253, %mul3A_2] : memref<16384x512xf32, #tpu.memory_space<hbm>> -> memref<128x128xf32, #tpu.memory_space<hbm>>
    tpu.enqueue_dma source(%dma_start3A_255 : memref<128x128xf32, #tpu.memory_space<hbm>>) target(%arg7 : memref<128x128xf32, #tpu.memory_space<vmem>>) target_semaphore(%arg19 : memref<!tpu.dma_semaphore, #tpu.memory_space<semaphore_mem>>)
    %dma_start3A_256 = tpu.memref_slice %arg2[%add3A_253, %add3A_3] : memref<16384x512xf32, #tpu.memory_space<hbm>> -> memref<128x128xf32, #tpu.memory_space<hbm>>
    %dma_start3A_257 = tpu.memref_slice %arg2[%add3A_253, %add3A_3] : memref<16384x512xf32, #tpu.memory_space<hbm>> -> memref<128x128xf32, #tpu.memory_space<hbm>>
    tpu.enqueue_dma source(%dma_start3A_257 : memref<128x128xf32, #tpu.memory_space<hbm>>) target(%arg10 : memref<128x128xf32, #tpu.memory_space<vmem>>) target_semaphore(%arg20 : memref<!tpu.dma_semaphore, #tpu.memory_space<semaphore_mem>>)
    %dma_wait3A_258 = tpu.memref_slice %arg2[%add3A_177, %mul3A_2] : memref<16384x512xf32, #tpu.memory_space<hbm>> -> memref<128x128xf32, #tpu.memory_space<hbm>>
    %dma_wait3A_259 = tpu.memref_slice %arg2[%add3A_177, %mul3A_2] : memref<16384x512xf32, #tpu.memory_space<hbm>> -> memref<128x128xf32, #tpu.memory_space<hbm>>
    tpu.wait_dma2 semaphore(%arg19 : memref<!tpu.dma_semaphore, #tpu.memory_space<semaphore_mem>>) src(%dma_wait3A_259 : memref<128x128xf32, #tpu.memory_space<hbm>>) dst(%arg8 : memref<128x128xf32, #tpu.memory_space<vmem>>)
    %dma_wait3A_260 = tpu.memref_slice %arg2[%add3A_177, %add3A_3] : memref<16384x512xf32, #tpu.memory_space<hbm>> -> memref<128x128xf32, #tpu.memory_space<hbm>>
    %dma_wait3A_261 = tpu.memref_slice %arg2[%add3A_177, %add3A_3] : memref<16384x512xf32, #tpu.memory_space<hbm>> -> memref<128x128xf32, #tpu.memory_space<hbm>>
    tpu.wait_dma2 semaphore(%arg20 : memref<!tpu.dma_semaphore, #tpu.memory_space<semaphore_mem>>) src(%dma_wait3A_261 : memref<128x128xf32, #tpu.memory_space<hbm>>) dst(%arg11 : memref<128x128xf32, #tpu.memory_space<vmem>>)
    %dma_start3A_262 = arith.constant 5 : i32
    %dma_start3A_263 = arith.constant 0 : i32
    %dma_start3A_264 = tpu.memref_slice %arg12[%dma_start3A_262, %dma_start3A_263] : memref<8x128xi32, #tpu.memory_space<vmem>> -> memref<1x128xi32, #tpu.memory_space<vmem>>
    %dma_start3A_265 = tpu.memref_squeeze %dma_start3A_264 : memref<1x128xi32, #tpu.memory_space<vmem>> -> memref<128xi32, #tpu.memory_space<vmem>>
    %dma_start3A_266 = arith.constant 0 : i32
    %dma_start3A_267 = arith.constant 0 : i32
    %dma_start3A_268 = tpu.memref_slice %arg16[%dma_start3A_266, %dma_start3A_267] : memref<1024x128xf32, #tpu.memory_space<vmem_shared>> -> memref<1024x128xf32, #tpu.memory_space<vmem_shared>>
    tpu.enqueue_indirect_dma source(%arg8 : memref<128x128xf32, #tpu.memory_space<vmem>>) target(%dma_start3A_268 : memref<1024x128xf32, #tpu.memory_space<vmem_shared>>) offsets(%dma_start3A_265 : memref<128xi32, #tpu.memory_space<vmem>>) semaphore(%arg21 : memref<!tpu.dma_semaphore, #tpu.memory_space<semaphore_mem>>) {add = true}
    %dma_start3A_269 = arith.constant 5 : i32
    %dma_start3A_270 = arith.constant 0 : i32
    %dma_start3A_271 = tpu.memref_slice %arg12[%dma_start3A_269, %dma_start3A_270] : memref<8x128xi32, #tpu.memory_space<vmem>> -> memref<1x128xi32, #tpu.memory_space<vmem>>
    %dma_start3A_272 = tpu.memref_squeeze %dma_start3A_271 : memref<1x128xi32, #tpu.memory_space<vmem>> -> memref<128xi32, #tpu.memory_space<vmem>>
    %dma_start3A_273 = arith.constant 0 : i32
    %dma_start3A_274 = arith.constant 0 : i32
    %dma_start3A_275 = tpu.memref_slice %arg17[%dma_start3A_273, %dma_start3A_274] : memref<1024x128xf32, #tpu.memory_space<vmem_shared>> -> memref<1024x128xf32, #tpu.memory_space<vmem_shared>>
    tpu.enqueue_indirect_dma source(%arg11 : memref<128x128xf32, #tpu.memory_space<vmem>>) target(%dma_start3A_275 : memref<1024x128xf32, #tpu.memory_space<vmem_shared>>) offsets(%dma_start3A_272 : memref<128xi32, #tpu.memory_space<vmem>>) semaphore(%arg21 : memref<!tpu.dma_semaphore, #tpu.memory_space<semaphore_mem>>) {add = true}
    %dma_wait3A_276 = tpu.memref_slice %arg2[%add3A_215, %mul3A_2] : memref<16384x512xf32, #tpu.memory_space<hbm>> -> memref<128x128xf32, #tpu.memory_space<hbm>>
    %dma_wait3A_277 = tpu.memref_slice %arg2[%add3A_215, %mul3A_2] : memref<16384x512xf32, #tpu.memory_space<hbm>> -> memref<128x128xf32, #tpu.memory_space<hbm>>
    tpu.wait_dma2 semaphore(%arg19 : memref<!tpu.dma_semaphore, #tpu.memory_space<semaphore_mem>>) src(%dma_wait3A_277 : memref<128x128xf32, #tpu.memory_space<hbm>>) dst(%arg6 : memref<128x128xf32, #tpu.memory_space<vmem>>)
    %dma_wait3A_278 = tpu.memref_slice %arg2[%add3A_215, %add3A_3] : memref<16384x512xf32, #tpu.memory_space<hbm>> -> memref<128x128xf32, #tpu.memory_space<hbm>>
    %dma_wait3A_279 = tpu.memref_slice %arg2[%add3A_215, %add3A_3] : memref<16384x512xf32, #tpu.memory_space<hbm>> -> memref<128x128xf32, #tpu.memory_space<hbm>>
    tpu.wait_dma2 semaphore(%arg20 : memref<!tpu.dma_semaphore, #tpu.memory_space<semaphore_mem>>) src(%dma_wait3A_279 : memref<128x128xf32, #tpu.memory_space<hbm>>) dst(%arg9 : memref<128x128xf32, #tpu.memory_space<vmem>>)
    %dma_start3A_280 = arith.constant 6 : i32
    %dma_start3A_281 = arith.constant 0 : i32
    %dma_start3A_282 = tpu.memref_slice %arg12[%dma_start3A_280, %dma_start3A_281] : memref<8x128xi32, #tpu.memory_space<vmem>> -> memref<1x128xi32, #tpu.memory_space<vmem>>
    %dma_start3A_283 = tpu.memref_squeeze %dma_start3A_282 : memref<1x128xi32, #tpu.memory_space<vmem>> -> memref<128xi32, #tpu.memory_space<vmem>>
    %dma_start3A_284 = arith.constant 0 : i32
    %dma_start3A_285 = arith.constant 0 : i32
    %dma_start3A_286 = tpu.memref_slice %arg16[%dma_start3A_284, %dma_start3A_285] : memref<1024x128xf32, #tpu.memory_space<vmem_shared>> -> memref<1024x128xf32, #tpu.memory_space<vmem_shared>>
    tpu.enqueue_indirect_dma source(%arg6 : memref<128x128xf32, #tpu.memory_space<vmem>>) target(%dma_start3A_286 : memref<1024x128xf32, #tpu.memory_space<vmem_shared>>) offsets(%dma_start3A_283 : memref<128xi32, #tpu.memory_space<vmem>>) semaphore(%arg21 : memref<!tpu.dma_semaphore, #tpu.memory_space<semaphore_mem>>) {add = true}
    %dma_start3A_287 = arith.constant 6 : i32
    %dma_start3A_288 = arith.constant 0 : i32
    %dma_start3A_289 = tpu.memref_slice %arg12[%dma_start3A_287, %dma_start3A_288] : memref<8x128xi32, #tpu.memory_space<vmem>> -> memref<1x128xi32, #tpu.memory_space<vmem>>
    %dma_start3A_290 = tpu.memref_squeeze %dma_start3A_289 : memref<1x128xi32, #tpu.memory_space<vmem>> -> memref<128xi32, #tpu.memory_space<vmem>>
    %dma_start3A_291 = arith.constant 0 : i32
    %dma_start3A_292 = arith.constant 0 : i32
    %dma_start3A_293 = tpu.memref_slice %arg17[%dma_start3A_291, %dma_start3A_292] : memref<1024x128xf32, #tpu.memory_space<vmem_shared>> -> memref<1024x128xf32, #tpu.memory_space<vmem_shared>>
    tpu.enqueue_indirect_dma source(%arg9 : memref<128x128xf32, #tpu.memory_space<vmem>>) target(%dma_start3A_293 : memref<1024x128xf32, #tpu.memory_space<vmem_shared>>) offsets(%dma_start3A_290 : memref<128xi32, #tpu.memory_space<vmem>>) semaphore(%arg21 : memref<!tpu.dma_semaphore, #tpu.memory_space<semaphore_mem>>) {add = true}
    %dma_wait3A_294 = tpu.memref_slice %arg2[%add3A_253, %mul3A_2] : memref<16384x512xf32, #tpu.memory_space<hbm>> -> memref<128x128xf32, #tpu.memory_space<hbm>>
    %dma_wait3A_295 = tpu.memref_slice %arg2[%add3A_253, %mul3A_2] : memref<16384x512xf32, #tpu.memory_space<hbm>> -> memref<128x128xf32, #tpu.memory_space<hbm>>
    tpu.wait_dma2 semaphore(%arg19 : memref<!tpu.dma_semaphore, #tpu.memory_space<semaphore_mem>>) src(%dma_wait3A_295 : memref<128x128xf32, #tpu.memory_space<hbm>>) dst(%arg7 : memref<128x128xf32, #tpu.memory_space<vmem>>)
    %dma_wait3A_296 = tpu.memref_slice %arg2[%add3A_253, %add3A_3] : memref<16384x512xf32, #tpu.memory_space<hbm>> -> memref<128x128xf32, #tpu.memory_space<hbm>>
    %dma_wait3A_297 = tpu.memref_slice %arg2[%add3A_253, %add3A_3] : memref<16384x512xf32, #tpu.memory_space<hbm>> -> memref<128x128xf32, #tpu.memory_space<hbm>>
    tpu.wait_dma2 semaphore(%arg20 : memref<!tpu.dma_semaphore, #tpu.memory_space<semaphore_mem>>) src(%dma_wait3A_297 : memref<128x128xf32, #tpu.memory_space<hbm>>) dst(%arg10 : memref<128x128xf32, #tpu.memory_space<vmem>>)
    %dma_start3A_298 = arith.constant 7 : i32
    %dma_start3A_299 = arith.constant 0 : i32
    %dma_start3A_300 = tpu.memref_slice %arg12[%dma_start3A_298, %dma_start3A_299] : memref<8x128xi32, #tpu.memory_space<vmem>> -> memref<1x128xi32, #tpu.memory_space<vmem>>
    %dma_start3A_301 = tpu.memref_squeeze %dma_start3A_300 : memref<1x128xi32, #tpu.memory_space<vmem>> -> memref<128xi32, #tpu.memory_space<vmem>>
    %dma_start3A_302 = arith.constant 0 : i32
    %dma_start3A_303 = arith.constant 0 : i32
    %dma_start3A_304 = tpu.memref_slice %arg16[%dma_start3A_302, %dma_start3A_303] : memref<1024x128xf32, #tpu.memory_space<vmem_shared>> -> memref<1024x128xf32, #tpu.memory_space<vmem_shared>>
    tpu.enqueue_indirect_dma source(%arg7 : memref<128x128xf32, #tpu.memory_space<vmem>>) target(%dma_start3A_304 : memref<1024x128xf32, #tpu.memory_space<vmem_shared>>) offsets(%dma_start3A_301 : memref<128xi32, #tpu.memory_space<vmem>>) semaphore(%arg21 : memref<!tpu.dma_semaphore, #tpu.memory_space<semaphore_mem>>) {add = true}
    %dma_start3A_305 = arith.constant 7 : i32
    %dma_start3A_306 = arith.constant 0 : i32
    %dma_start3A_307 = tpu.memref_slice %arg12[%dma_start3A_305, %dma_start3A_306] : memref<8x128xi32, #tpu.memory_space<vmem>> -> memref<1x128xi32, #tpu.memory_space<vmem>>
    %dma_start3A_308 = tpu.memref_squeeze %dma_start3A_307 : memref<1x128xi32, #tpu.memory_space<vmem>> -> memref<128xi32, #tpu.memory_space<vmem>>
    %dma_start3A_309 = arith.constant 0 : i32
    %dma_start3A_310 = arith.constant 0 : i32
    %dma_start3A_311 = tpu.memref_slice %arg17[%dma_start3A_309, %dma_start3A_310] : memref<1024x128xf32, #tpu.memory_space<vmem_shared>> -> memref<1024x128xf32, #tpu.memory_space<vmem_shared>>
    tpu.enqueue_indirect_dma source(%arg10 : memref<128x128xf32, #tpu.memory_space<vmem>>) target(%dma_start3A_311 : memref<1024x128xf32, #tpu.memory_space<vmem_shared>>) offsets(%dma_start3A_308 : memref<128xi32, #tpu.memory_space<vmem>>) semaphore(%arg21 : memref<!tpu.dma_semaphore, #tpu.memory_space<semaphore_mem>>) {add = true}
    %dma_wait3A_312 = arith.constant 5 : i32
    %dma_wait3A_313 = arith.constant 0 : i32
    %dma_wait3A_314 = tpu.memref_slice %arg12[%dma_wait3A_312, %dma_wait3A_313] : memref<8x128xi32, #tpu.memory_space<vmem>> -> memref<1x128xi32, #tpu.memory_space<vmem>>
    %dma_wait3A_315 = tpu.memref_squeeze %dma_wait3A_314 : memref<1x128xi32, #tpu.memory_space<vmem>> -> memref<128xi32, #tpu.memory_space<vmem>>
    %dma_wait3A_316 = arith.constant 0 : i32
    %dma_wait3A_317 = arith.constant 0 : i32
    %dma_wait3A_318 = tpu.memref_slice %arg16[%dma_wait3A_316, %dma_wait3A_317] : memref<1024x128xf32, #tpu.memory_space<vmem_shared>> -> memref<1024x128xf32, #tpu.memory_space<vmem_shared>>
    tpu.wait_indirect_dma semaphore(%arg21 : memref<!tpu.dma_semaphore, #tpu.memory_space<semaphore_mem>>) src(%arg8 : memref<128x128xf32, #tpu.memory_space<vmem>>) dst(%dma_wait3A_318 : memref<1024x128xf32, #tpu.memory_space<vmem_shared>>)
    %dma_wait3A_319 = arith.constant 5 : i32
    %dma_wait3A_320 = arith.constant 0 : i32
    %dma_wait3A_321 = tpu.memref_slice %arg12[%dma_wait3A_319, %dma_wait3A_320] : memref<8x128xi32, #tpu.memory_space<vmem>> -> memref<1x128xi32, #tpu.memory_space<vmem>>
    %dma_wait3A_322 = tpu.memref_squeeze %dma_wait3A_321 : memref<1x128xi32, #tpu.memory_space<vmem>> -> memref<128xi32, #tpu.memory_space<vmem>>
    %dma_wait3A_323 = arith.constant 0 : i32
    %dma_wait3A_324 = arith.constant 0 : i32
    %dma_wait3A_325 = tpu.memref_slice %arg17[%dma_wait3A_323, %dma_wait3A_324] : memref<1024x128xf32, #tpu.memory_space<vmem_shared>> -> memref<1024x128xf32, #tpu.memory_space<vmem_shared>>
    tpu.wait_indirect_dma semaphore(%arg21 : memref<!tpu.dma_semaphore, #tpu.memory_space<semaphore_mem>>) src(%arg11 : memref<128x128xf32, #tpu.memory_space<vmem>>) dst(%dma_wait3A_325 : memref<1024x128xf32, #tpu.memory_space<vmem_shared>>)
    %dma_wait3A_326 = arith.constant 6 : i32
    %dma_wait3A_327 = arith.constant 0 : i32
    %dma_wait3A_328 = tpu.memref_slice %arg12[%dma_wait3A_326, %dma_wait3A_327] : memref<8x128xi32, #tpu.memory_space<vmem>> -> memref<1x128xi32, #tpu.memory_space<vmem>>
    %dma_wait3A_329 = tpu.memref_squeeze %dma_wait3A_328 : memref<1x128xi32, #tpu.memory_space<vmem>> -> memref<128xi32, #tpu.memory_space<vmem>>
    %dma_wait3A_330 = arith.constant 0 : i32
    %dma_wait3A_331 = arith.constant 0 : i32
    %dma_wait3A_332 = tpu.memref_slice %arg16[%dma_wait3A_330, %dma_wait3A_331] : memref<1024x128xf32, #tpu.memory_space<vmem_shared>> -> memref<1024x128xf32, #tpu.memory_space<vmem_shared>>
    tpu.wait_indirect_dma semaphore(%arg21 : memref<!tpu.dma_semaphore, #tpu.memory_space<semaphore_mem>>) src(%arg6 : memref<128x128xf32, #tpu.memory_space<vmem>>) dst(%dma_wait3A_332 : memref<1024x128xf32, #tpu.memory_space<vmem_shared>>)
    %dma_wait3A_333 = arith.constant 6 : i32
    %dma_wait3A_334 = arith.constant 0 : i32
    %dma_wait3A_335 = tpu.memref_slice %arg12[%dma_wait3A_333, %dma_wait3A_334] : memref<8x128xi32, #tpu.memory_space<vmem>> -> memref<1x128xi32, #tpu.memory_space<vmem>>
    %dma_wait3A_336 = tpu.memref_squeeze %dma_wait3A_335 : memref<1x128xi32, #tpu.memory_space<vmem>> -> memref<128xi32, #tpu.memory_space<vmem>>
    %dma_wait3A_337 = arith.constant 0 : i32
    %dma_wait3A_338 = arith.constant 0 : i32
    %dma_wait3A_339 = tpu.memref_slice %arg17[%dma_wait3A_337, %dma_wait3A_338] : memref<1024x128xf32, #tpu.memory_space<vmem_shared>> -> memref<1024x128xf32, #tpu.memory_space<vmem_shared>>
    tpu.wait_indirect_dma semaphore(%arg21 : memref<!tpu.dma_semaphore, #tpu.memory_space<semaphore_mem>>) src(%arg9 : memref<128x128xf32, #tpu.memory_space<vmem>>) dst(%dma_wait3A_339 : memref<1024x128xf32, #tpu.memory_space<vmem_shared>>)
    %dma_wait3A_340 = arith.constant 7 : i32
    %dma_wait3A_341 = arith.constant 0 : i32
    %dma_wait3A_342 = tpu.memref_slice %arg12[%dma_wait3A_340, %dma_wait3A_341] : memref<8x128xi32, #tpu.memory_space<vmem>> -> memref<1x128xi32, #tpu.memory_space<vmem>>
    %dma_wait3A_343 = tpu.memref_squeeze %dma_wait3A_342 : memref<1x128xi32, #tpu.memory_space<vmem>> -> memref<128xi32, #tpu.memory_space<vmem>>
    %dma_wait3A_344 = arith.constant 0 : i32
    %dma_wait3A_345 = arith.constant 0 : i32
    %dma_wait3A_346 = tpu.memref_slice %arg16[%dma_wait3A_344, %dma_wait3A_345] : memref<1024x128xf32, #tpu.memory_space<vmem_shared>> -> memref<1024x128xf32, #tpu.memory_space<vmem_shared>>
    tpu.wait_indirect_dma semaphore(%arg21 : memref<!tpu.dma_semaphore, #tpu.memory_space<semaphore_mem>>) src(%arg7 : memref<128x128xf32, #tpu.memory_space<vmem>>) dst(%dma_wait3A_346 : memref<1024x128xf32, #tpu.memory_space<vmem_shared>>)
    %dma_wait3A_347 = arith.constant 7 : i32
    %dma_wait3A_348 = arith.constant 0 : i32
    %dma_wait3A_349 = tpu.memref_slice %arg12[%dma_wait3A_347, %dma_wait3A_348] : memref<8x128xi32, #tpu.memory_space<vmem>> -> memref<1x128xi32, #tpu.memory_space<vmem>>
    %dma_wait3A_350 = tpu.memref_squeeze %dma_wait3A_349 : memref<1x128xi32, #tpu.memory_space<vmem>> -> memref<128xi32, #tpu.memory_space<vmem>>
    %dma_wait3A_351 = arith.constant 0 : i32
    %dma_wait3A_352 = arith.constant 0 : i32
    %dma_wait3A_353 = tpu.memref_slice %arg17[%dma_wait3A_351, %dma_wait3A_352] : memref<1024x128xf32, #tpu.memory_space<vmem_shared>> -> memref<1024x128xf32, #tpu.memory_space<vmem_shared>>
    tpu.wait_indirect_dma semaphore(%arg21 : memref<!tpu.dma_semaphore, #tpu.memory_space<semaphore_mem>>) src(%arg10 : memref<128x128xf32, #tpu.memory_space<vmem>>) dst(%dma_wait3A_353 : memref<1024x128xf32, #tpu.memory_space<vmem_shared>>)
    %barrier3A_354 = arith.constant 0 : index
    tpu.barrier barrier_id(%barrier3A_354)
    %mul3A_355 = arith.constant 64 : i32
    %mul3A_356 = arith.muli %arg1, %mul3A_355 : i32
    %dma_start3A_357 = arith.constant 0 : i32
    %dma_start3A_358 = arith.constant 0 : i32
    %dma_start3A_359 = tpu.memref_slice %arg6[%dma_start3A_357, %dma_start3A_358] : memref<128x128xf32, #tpu.memory_space<vmem>> -> memref<64x128xf32, #tpu.memory_space<vmem>>
    %dma_start3A_360 = arith.constant 0 : i32
    %dma_start3A_361 = tpu.memref_slice %arg16[%mul3A_356, %dma_start3A_360] : memref<1024x128xf32, #tpu.memory_space<vmem_shared>> -> memref<64x128xf32, #tpu.memory_space<vmem_shared>>
    %dma_start3A_362 = arith.constant 0 : i32
    %dma_start3A_363 = arith.constant 0 : i32
    %dma_start3A_364 = tpu.memref_slice %arg6[%dma_start3A_362, %dma_start3A_363] : memref<128x128xf32, #tpu.memory_space<vmem>> -> memref<64x128xf32, #tpu.memory_space<vmem>>
    %dma_start3A_365 = arith.constant 0 : i32
    %dma_start3A_366 = tpu.memref_slice %arg16[%mul3A_356, %dma_start3A_365] : memref<1024x128xf32, #tpu.memory_space<vmem_shared>> -> memref<64x128xf32, #tpu.memory_space<vmem_shared>>
    tpu.enqueue_dma source(%dma_start3A_366 : memref<64x128xf32, #tpu.memory_space<vmem_shared>>) target(%dma_start3A_364 : memref<64x128xf32, #tpu.memory_space<vmem>>) target_semaphore(%arg19 : memref<!tpu.dma_semaphore, #tpu.memory_space<semaphore_mem>>)
    %dma_start3A_367 = arith.constant 0 : i32
    %dma_start3A_368 = arith.constant 0 : i32
    %dma_start3A_369 = tpu.memref_slice %arg7[%dma_start3A_367, %dma_start3A_368] : memref<128x128xf32, #tpu.memory_space<vmem>> -> memref<64x128xf32, #tpu.memory_space<vmem>>
    %dma_start3A_370 = arith.constant 0 : i32
    %dma_start3A_371 = tpu.memref_slice %arg17[%mul3A_356, %dma_start3A_370] : memref<1024x128xf32, #tpu.memory_space<vmem_shared>> -> memref<64x128xf32, #tpu.memory_space<vmem_shared>>
    %dma_start3A_372 = arith.constant 0 : i32
    %dma_start3A_373 = arith.constant 0 : i32
    %dma_start3A_374 = tpu.memref_slice %arg7[%dma_start3A_372, %dma_start3A_373] : memref<128x128xf32, #tpu.memory_space<vmem>> -> memref<64x128xf32, #tpu.memory_space<vmem>>
    %dma_start3A_375 = arith.constant 0 : i32
    %dma_start3A_376 = tpu.memref_slice %arg17[%mul3A_356, %dma_start3A_375] : memref<1024x128xf32, #tpu.memory_space<vmem_shared>> -> memref<64x128xf32, #tpu.memory_space<vmem_shared>>
    tpu.enqueue_dma source(%dma_start3A_376 : memref<64x128xf32, #tpu.memory_space<vmem_shared>>) target(%dma_start3A_374 : memref<64x128xf32, #tpu.memory_space<vmem>>) target_semaphore(%arg20 : memref<!tpu.dma_semaphore, #tpu.memory_space<semaphore_mem>>)
    %mul3A_377 = arith.constant 1024 : i32
    %mul3A_378 = arith.muli %arg1, %mul3A_377 : i32
    %dma_start3A_379 = tpu.memref_slice %arg18[%mul3A_378] : memref<16384xf32, #tpu.memory_space<vmem_shared>> -> memref<1024xf32, #tpu.memory_space<vmem_shared>>
    %dma_start3A_380 = tpu.memref_slice %arg18[%mul3A_378] : memref<16384xf32, #tpu.memory_space<vmem_shared>> -> memref<1024xf32, #tpu.memory_space<vmem_shared>>
    tpu.enqueue_dma source(%dma_start3A_380 : memref<1024xf32, #tpu.memory_space<vmem_shared>>) target(%arg14 : memref<1024xf32, #tpu.memory_space<vmem>>) target_semaphore(%arg22 : memref<!tpu.dma_semaphore, #tpu.memory_space<semaphore_mem>>)
    %lt3A = arith.constant 15 : i32
    %lt3A_381 = arith.cmpi slt, %arg1, %lt3A : i32
    %convert_element_type3A = arith.extui %lt3A_381 : i1 to i32
    %cond3A = arith.constant 0 : i32
    %cond3A_382 = arith.cmpi ne, %convert_element_type3A, %cond3A : i32
    scf.if %cond3A_382 {
      "tpu.region"() ({
        %run_scoped3A = tpu.sem_alloc : memref<!tpu.dma_semaphore, #tpu.memory_space<semaphore_mem>>
        %dma_start3A_433 = arith.constant 0 : i32
        %dma_start3A_434 = arith.constant 0 : i32
        %dma_start3A_435 = tpu.memref_slice %arg9[%dma_start3A_433, %dma_start3A_434] : memref<128x128xf32, #tpu.memory_space<vmem>> -> memref<64x128xf32, #tpu.memory_space<vmem>>
        %dma_start3A_436 = tpu.memref_slice %arg4[%mul3A_356, %mul3A_2] : memref<1000x512xf32, #tpu.memory_space<hbm>> -> memref<64x128xf32, #tpu.memory_space<hbm>>
        %dma_start3A_437 = arith.constant 0 : i32
        %dma_start3A_438 = arith.constant 0 : i32
        %dma_start3A_439 = tpu.memref_slice %arg9[%dma_start3A_437, %dma_start3A_438] : memref<128x128xf32, #tpu.memory_space<vmem>> -> memref<64x128xf32, #tpu.memory_space<vmem>>
        %dma_start3A_440 = tpu.memref_slice %arg4[%mul3A_356, %mul3A_2] : memref<1000x512xf32, #tpu.memory_space<hbm>> -> memref<64x128xf32, #tpu.memory_space<hbm>>
        tpu.enqueue_dma source(%dma_start3A_440 : memref<64x128xf32, #tpu.memory_space<hbm>>) target(%dma_start3A_439 : memref<64x128xf32, #tpu.memory_space<vmem>>) target_semaphore(%run_scoped3A : memref<!tpu.dma_semaphore, #tpu.memory_space<semaphore_mem>>)
        %dma_wait3A_441 = arith.constant 0 : i32
        %dma_wait3A_442 = arith.constant 0 : i32
        %dma_wait3A_443 = tpu.memref_slice %arg9[%dma_wait3A_441, %dma_wait3A_442] : memref<128x128xf32, #tpu.memory_space<vmem>> -> memref<64x128xf32, #tpu.memory_space<vmem>>
        %dma_wait3A_444 = tpu.memref_slice %arg4[%mul3A_356, %mul3A_2] : memref<1000x512xf32, #tpu.memory_space<hbm>> -> memref<64x128xf32, #tpu.memory_space<hbm>>
        %dma_wait3A_445 = arith.constant 0 : i32
        %dma_wait3A_446 = arith.constant 0 : i32
        %dma_wait3A_447 = tpu.memref_slice %arg9[%dma_wait3A_445, %dma_wait3A_446] : memref<128x128xf32, #tpu.memory_space<vmem>> -> memref<64x128xf32, #tpu.memory_space<vmem>>
        %dma_wait3A_448 = tpu.memref_slice %arg4[%mul3A_356, %mul3A_2] : memref<1000x512xf32, #tpu.memory_space<hbm>> -> memref<64x128xf32, #tpu.memory_space<hbm>>
        tpu.wait_dma2 semaphore(%run_scoped3A : memref<!tpu.dma_semaphore, #tpu.memory_space<semaphore_mem>>) src(%dma_wait3A_448 : memref<64x128xf32, #tpu.memory_space<hbm>>) dst(%dma_wait3A_447 : memref<64x128xf32, #tpu.memory_space<vmem>>)
        tpu.yield
      }) : () -> ()
      "tpu.region"() ({
        %run_scoped3A = tpu.sem_alloc : memref<!tpu.dma_semaphore, #tpu.memory_space<semaphore_mem>>
        %dma_start3A_433 = arith.constant 0 : i32
        %dma_start3A_434 = arith.constant 0 : i32
        %dma_start3A_435 = tpu.memref_slice %arg10[%dma_start3A_433, %dma_start3A_434] : memref<128x128xf32, #tpu.memory_space<vmem>> -> memref<64x128xf32, #tpu.memory_space<vmem>>
        %dma_start3A_436 = tpu.memref_slice %arg4[%mul3A_356, %add3A_3] : memref<1000x512xf32, #tpu.memory_space<hbm>> -> memref<64x128xf32, #tpu.memory_space<hbm>>
        %dma_start3A_437 = arith.constant 0 : i32
        %dma_start3A_438 = arith.constant 0 : i32
        %dma_start3A_439 = tpu.memref_slice %arg10[%dma_start3A_437, %dma_start3A_438] : memref<128x128xf32, #tpu.memory_space<vmem>> -> memref<64x128xf32, #tpu.memory_space<vmem>>
        %dma_start3A_440 = tpu.memref_slice %arg4[%mul3A_356, %add3A_3] : memref<1000x512xf32, #tpu.memory_space<hbm>> -> memref<64x128xf32, #tpu.memory_space<hbm>>
        tpu.enqueue_dma source(%dma_start3A_440 : memref<64x128xf32, #tpu.memory_space<hbm>>) target(%dma_start3A_439 : memref<64x128xf32, #tpu.memory_space<vmem>>) target_semaphore(%run_scoped3A : memref<!tpu.dma_semaphore, #tpu.memory_space<semaphore_mem>>)
        %dma_wait3A_441 = arith.constant 0 : i32
        %dma_wait3A_442 = arith.constant 0 : i32
        %dma_wait3A_443 = tpu.memref_slice %arg10[%dma_wait3A_441, %dma_wait3A_442] : memref<128x128xf32, #tpu.memory_space<vmem>> -> memref<64x128xf32, #tpu.memory_space<vmem>>
        %dma_wait3A_444 = tpu.memref_slice %arg4[%mul3A_356, %add3A_3] : memref<1000x512xf32, #tpu.memory_space<hbm>> -> memref<64x128xf32, #tpu.memory_space<hbm>>
        %dma_wait3A_445 = arith.constant 0 : i32
        %dma_wait3A_446 = arith.constant 0 : i32
        %dma_wait3A_447 = tpu.memref_slice %arg10[%dma_wait3A_445, %dma_wait3A_446] : memref<128x128xf32, #tpu.memory_space<vmem>> -> memref<64x128xf32, #tpu.memory_space<vmem>>
        %dma_wait3A_448 = tpu.memref_slice %arg4[%mul3A_356, %add3A_3] : memref<1000x512xf32, #tpu.memory_space<hbm>> -> memref<64x128xf32, #tpu.memory_space<hbm>>
        tpu.wait_dma2 semaphore(%run_scoped3A : memref<!tpu.dma_semaphore, #tpu.memory_space<semaphore_mem>>) src(%dma_wait3A_448 : memref<64x128xf32, #tpu.memory_space<hbm>>) dst(%dma_wait3A_447 : memref<64x128xf32, #tpu.memory_space<vmem>>)
        tpu.yield
      }) : () -> ()
    } else {
    }
    %eq3A = arith.constant 15 : i32
    %eq3A_383 = arith.cmpi eq, %arg1, %eq3A : i32
    %convert_element_type3A_384 = arith.extui %eq3A_383 : i1 to i32
    %cond3A_385 = arith.constant 0 : i32
    %cond3A_386 = arith.cmpi ne, %convert_element_type3A_384, %cond3A_385 : i32
    scf.if %cond3A_386 {
      "tpu.region"() ({
        %run_scoped3A = tpu.sem_alloc : memref<!tpu.dma_semaphore, #tpu.memory_space<semaphore_mem>>
        %dma_start3A_433 = arith.constant 0 : i32
        %dma_start3A_434 = arith.constant 0 : i32
        %dma_start3A_435 = tpu.memref_slice %arg9[%dma_start3A_433, %dma_start3A_434] : memref<128x128xf32, #tpu.memory_space<vmem>> -> memref<40x128xf32, #tpu.memory_space<vmem>>
        %dma_start3A_436 = arith.constant 960 : i32
        %dma_start3A_437 = tpu.memref_slice %arg4[%dma_start3A_436, %mul3A_2] : memref<1000x512xf32, #tpu.memory_space<hbm>> -> memref<40x128xf32, #tpu.memory_space<hbm>>
        %dma_start3A_438 = arith.constant 0 : i32
        %dma_start3A_439 = arith.constant 0 : i32
        %dma_start3A_440 = tpu.memref_slice %arg9[%dma_start3A_438, %dma_start3A_439] : memref<128x128xf32, #tpu.memory_space<vmem>> -> memref<40x128xf32, #tpu.memory_space<vmem>>
        %dma_start3A_441 = arith.constant 960 : i32
        %dma_start3A_442 = tpu.memref_slice %arg4[%dma_start3A_441, %mul3A_2] : memref<1000x512xf32, #tpu.memory_space<hbm>> -> memref<40x128xf32, #tpu.memory_space<hbm>>
        tpu.enqueue_dma source(%dma_start3A_442 : memref<40x128xf32, #tpu.memory_space<hbm>>) target(%dma_start3A_440 : memref<40x128xf32, #tpu.memory_space<vmem>>) target_semaphore(%run_scoped3A : memref<!tpu.dma_semaphore, #tpu.memory_space<semaphore_mem>>)
        %dma_wait3A_443 = arith.constant 0 : i32
        %dma_wait3A_444 = arith.constant 0 : i32
        %dma_wait3A_445 = tpu.memref_slice %arg9[%dma_wait3A_443, %dma_wait3A_444] : memref<128x128xf32, #tpu.memory_space<vmem>> -> memref<40x128xf32, #tpu.memory_space<vmem>>
        %dma_wait3A_446 = arith.constant 960 : i32
        %dma_wait3A_447 = tpu.memref_slice %arg4[%dma_wait3A_446, %mul3A_2] : memref<1000x512xf32, #tpu.memory_space<hbm>> -> memref<40x128xf32, #tpu.memory_space<hbm>>
        %dma_wait3A_448 = arith.constant 0 : i32
        %dma_wait3A_449 = arith.constant 0 : i32
        %dma_wait3A_450 = tpu.memref_slice %arg9[%dma_wait3A_448, %dma_wait3A_449] : memref<128x128xf32, #tpu.memory_space<vmem>> -> memref<40x128xf32, #tpu.memory_space<vmem>>
        %dma_wait3A_451 = arith.constant 960 : i32
        %dma_wait3A_452 = tpu.memref_slice %arg4[%dma_wait3A_451, %mul3A_2] : memref<1000x512xf32, #tpu.memory_space<hbm>> -> memref<40x128xf32, #tpu.memory_space<hbm>>
        tpu.wait_dma2 semaphore(%run_scoped3A : memref<!tpu.dma_semaphore, #tpu.memory_space<semaphore_mem>>) src(%dma_wait3A_452 : memref<40x128xf32, #tpu.memory_space<hbm>>) dst(%dma_wait3A_450 : memref<40x128xf32, #tpu.memory_space<vmem>>)
        tpu.yield
      }) : () -> ()
      "tpu.region"() ({
        %run_scoped3A = tpu.sem_alloc : memref<!tpu.dma_semaphore, #tpu.memory_space<semaphore_mem>>
        %dma_start3A_433 = arith.constant 0 : i32
        %dma_start3A_434 = arith.constant 0 : i32
        %dma_start3A_435 = tpu.memref_slice %arg10[%dma_start3A_433, %dma_start3A_434] : memref<128x128xf32, #tpu.memory_space<vmem>> -> memref<40x128xf32, #tpu.memory_space<vmem>>
        %dma_start3A_436 = arith.constant 960 : i32
        %dma_start3A_437 = tpu.memref_slice %arg4[%dma_start3A_436, %add3A_3] : memref<1000x512xf32, #tpu.memory_space<hbm>> -> memref<40x128xf32, #tpu.memory_space<hbm>>
        %dma_start3A_438 = arith.constant 0 : i32
        %dma_start3A_439 = arith.constant 0 : i32
        %dma_start3A_440 = tpu.memref_slice %arg10[%dma_start3A_438, %dma_start3A_439] : memref<128x128xf32, #tpu.memory_space<vmem>> -> memref<40x128xf32, #tpu.memory_space<vmem>>
        %dma_start3A_441 = arith.constant 960 : i32
        %dma_start3A_442 = tpu.memref_slice %arg4[%dma_start3A_441, %add3A_3] : memref<1000x512xf32, #tpu.memory_space<hbm>> -> memref<40x128xf32, #tpu.memory_space<hbm>>
        tpu.enqueue_dma source(%dma_start3A_442 : memref<40x128xf32, #tpu.memory_space<hbm>>) target(%dma_start3A_440 : memref<40x128xf32, #tpu.memory_space<vmem>>) target_semaphore(%run_scoped3A : memref<!tpu.dma_semaphore, #tpu.memory_space<semaphore_mem>>)
        %dma_wait3A_443 = arith.constant 0 : i32
        %dma_wait3A_444 = arith.constant 0 : i32
        %dma_wait3A_445 = tpu.memref_slice %arg10[%dma_wait3A_443, %dma_wait3A_444] : memref<128x128xf32, #tpu.memory_space<vmem>> -> memref<40x128xf32, #tpu.memory_space<vmem>>
        %dma_wait3A_446 = arith.constant 960 : i32
        %dma_wait3A_447 = tpu.memref_slice %arg4[%dma_wait3A_446, %add3A_3] : memref<1000x512xf32, #tpu.memory_space<hbm>> -> memref<40x128xf32, #tpu.memory_space<hbm>>
        %dma_wait3A_448 = arith.constant 0 : i32
        %dma_wait3A_449 = arith.constant 0 : i32
        %dma_wait3A_450 = tpu.memref_slice %arg10[%dma_wait3A_448, %dma_wait3A_449] : memref<128x128xf32, #tpu.memory_space<vmem>> -> memref<40x128xf32, #tpu.memory_space<vmem>>
        %dma_wait3A_451 = arith.constant 960 : i32
        %dma_wait3A_452 = tpu.memref_slice %arg4[%dma_wait3A_451, %add3A_3] : memref<1000x512xf32, #tpu.memory_space<hbm>> -> memref<40x128xf32, #tpu.memory_space<hbm>>
        tpu.wait_dma2 semaphore(%run_scoped3A : memref<!tpu.dma_semaphore, #tpu.memory_space<semaphore_mem>>) src(%dma_wait3A_452 : memref<40x128xf32, #tpu.memory_space<hbm>>) dst(%dma_wait3A_450 : memref<40x128xf32, #tpu.memory_space<vmem>>)
        tpu.yield
      }) : () -> ()
    } else {
    }
    %dma_wait3A_387 = tpu.memref_slice %arg18[%mul3A_378] : memref<16384xf32, #tpu.memory_space<vmem_shared>> -> memref<1024xf32, #tpu.memory_space<vmem_shared>>
    %dma_wait3A_388 = tpu.memref_slice %arg18[%mul3A_378] : memref<16384xf32, #tpu.memory_space<vmem_shared>> -> memref<1024xf32, #tpu.memory_space<vmem_shared>>
    tpu.wait_dma2 semaphore(%arg22 : memref<!tpu.dma_semaphore, #tpu.memory_space<semaphore_mem>>) src(%dma_wait3A_388 : memref<1024xf32, #tpu.memory_space<vmem_shared>>) dst(%arg14 : memref<1024xf32, #tpu.memory_space<vmem>>)
    %scan3A_389 = arith.constant 0 : i32
    %scan3A_390 = arith.constant 0 : i32
    %scan3A_391 = arith.constant 4 : i32
    %scan3A_392 = arith.addi %scan3A_390, %scan3A_391 : i32
    %scan3A_393 = arith.constant 1 : i32
    %scan3A_394 = scf.for %scan3A_433 = %scan3A_390 to %scan3A_392 step %scan3A_393 iter_args(%scan3A_434 = %scan3A_389) -> (i32)  : i32 {
      %scan3A_435 = arith.constant 0 : i32
      %scan3A_436 = arith.constant 16 : i32
      %scan3A_437 = arith.addi %scan3A_435, %scan3A_436 : i32
      %scan3A_438 = arith.constant 1 : i32
      %scan3A_439 = scf.for %scan3A_452 = %scan3A_435 to %scan3A_437 step %scan3A_438 iter_args(%scan3A_453 = %broadcast_in_dim3A_4) -> (vector<16xf32>)  : i32 {
        %mul3A_454 = arith.constant 64 : i32
        %mul3A_455 = arith.muli %scan3A_452, %mul3A_454 : i32
        %mul3A_456 = arith.constant 16 : i32
        %mul3A_457 = arith.muli %scan3A_433, %mul3A_456 : i32
        %add3A_458 = arith.addi %mul3A_455, %mul3A_457 : i32
        %get3A = arith.index_cast %add3A_458 : i32 to index
        %get3A_459 = tpu.vector_load %arg14[%get3A] {strides = array<i32>} : memref<1024xf32, #tpu.memory_space<vmem>>, vector<16xf32>,
        %add3A_460 = arith.addf %scan3A_453, %get3A_459 : vector<16xf32>
        scf.yield %add3A_460 : vector<16xf32>
      }
      %scan3A_440 = arith.constant 16 : i32
      %gt3A = arith.constant 0.000000e+00 : f32
      %gt3A_441 = vector.broadcast %gt3A : f32 to vector<16xf32>
      %gt3A_442 = arith.cmpf ogt, %scan3A_439, %gt3A_441 : vector<16xf32>
      %max3A = arith.constant 1.000000e+00 : f32
      %max3A_443 = vector.broadcast %max3A : f32 to vector<16xf32>
      %max3A_444 = arith.maximumf %scan3A_439, %max3A_443 : vector<16xf32>
      %div3A = arith.constant 1.000000e+00 : f32
      %div3A_445 = vector.broadcast %div3A : f32 to vector<16xf32>
      %div3A_446 = arith.divf %div3A_445, %max3A_444 : vector<16xf32>
      %jit3A = arith.constant 0.000000e+00 : f32
      %broadcast_in_dim3A_447 = vector.broadcast %jit3A : f32 to vector<16xf32>
      %select_n3A = arith.select %gt3A_442, %div3A_446, %broadcast_in_dim3A_447 : vector<16xi1>, vector<16xf32>
      %mul3A_448 = arith.constant 16 : i32
      %mul3A_449 = arith.muli %scan3A_433, %mul3A_448 : i32
      %swap3A = arith.index_cast %mul3A_449 : i32 to index
      %swap3A_450 = tpu.vector_load %arg15[%swap3A] {strides = array<i32>} : memref<64xf32, #tpu.memory_space<vmem>>, vector<16xf32>,
      tpu.vector_store %arg15[%swap3A], %select_n3A {strides = array<i32>} : memref<64xf32, #tpu.memory_space<vmem>>, vector<16xf32>,
      %scan3A_451 = arith.constant 0 : i32
      scf.yield %scan3A_451 : i32
    }
    %scan3A_395 = arith.constant 4 : i32
    %dma_wait3A_396 = arith.constant 0 : i32
    %dma_wait3A_397 = arith.constant 0 : i32
    %dma_wait3A_398 = tpu.memref_slice %arg6[%dma_wait3A_396, %dma_wait3A_397] : memref<128x128xf32, #tpu.memory_space<vmem>> -> memref<64x128xf32, #tpu.memory_space<vmem>>
    %dma_wait3A_399 = arith.constant 0 : i32
    %dma_wait3A_400 = tpu.memref_slice %arg16[%mul3A_356, %dma_wait3A_399] : memref<1024x128xf32, #tpu.memory_space<vmem_shared>> -> memref<64x128xf32, #tpu.memory_space<vmem_shared>>
    %dma_wait3A_401 = arith.constant 0 : i32
    %dma_wait3A_402 = arith.constant 0 : i32
    %dma_wait3A_403 = tpu.memref_slice %arg6[%dma_wait3A_401, %dma_wait3A_402] : memref<128x128xf32, #tpu.memory_space<vmem>> -> memref<64x128xf32, #tpu.memory_space<vmem>>
    %dma_wait3A_404 = arith.constant 0 : i32
    %dma_wait3A_405 = tpu.memref_slice %arg16[%mul3A_356, %dma_wait3A_404] : memref<1024x128xf32, #tpu.memory_space<vmem_shared>> -> memref<64x128xf32, #tpu.memory_space<vmem_shared>>
    tpu.wait_dma2 semaphore(%arg19 : memref<!tpu.dma_semaphore, #tpu.memory_space<semaphore_mem>>) src(%dma_wait3A_405 : memref<64x128xf32, #tpu.memory_space<vmem_shared>>) dst(%dma_wait3A_403 : memref<64x128xf32, #tpu.memory_space<vmem>>)
    %dma_wait3A_406 = arith.constant 0 : i32
    %dma_wait3A_407 = arith.constant 0 : i32
    %dma_wait3A_408 = tpu.memref_slice %arg7[%dma_wait3A_406, %dma_wait3A_407] : memref<128x128xf32, #tpu.memory_space<vmem>> -> memref<64x128xf32, #tpu.memory_space<vmem>>
    %dma_wait3A_409 = arith.constant 0 : i32
    %dma_wait3A_410 = tpu.memref_slice %arg17[%mul3A_356, %dma_wait3A_409] : memref<1024x128xf32, #tpu.memory_space<vmem_shared>> -> memref<64x128xf32, #tpu.memory_space<vmem_shared>>
    %dma_wait3A_411 = arith.constant 0 : i32
    %dma_wait3A_412 = arith.constant 0 : i32
    %dma_wait3A_413 = tpu.memref_slice %arg7[%dma_wait3A_411, %dma_wait3A_412] : memref<128x128xf32, #tpu.memory_space<vmem>> -> memref<64x128xf32, #tpu.memory_space<vmem>>
    %dma_wait3A_414 = arith.constant 0 : i32
    %dma_wait3A_415 = tpu.memref_slice %arg17[%mul3A_356, %dma_wait3A_414] : memref<1024x128xf32, #tpu.memory_space<vmem_shared>> -> memref<64x128xf32, #tpu.memory_space<vmem_shared>>
    tpu.wait_dma2 semaphore(%arg20 : memref<!tpu.dma_semaphore, #tpu.memory_space<semaphore_mem>>) src(%dma_wait3A_415 : memref<64x128xf32, #tpu.memory_space<vmem_shared>>) dst(%dma_wait3A_413 : memref<64x128xf32, #tpu.memory_space<vmem>>)
    %scan3A_416 = arith.constant 0 : i32
    %scan3A_417 = arith.constant 0 : i32
    %scan3A_418 = arith.constant 64 : i32
    %scan3A_419 = arith.addi %scan3A_417, %scan3A_418 : i32
    %scan3A_420 = arith.constant 1 : i32
    %scan3A_421 = scf.for %scan3A_433 = %scan3A_417 to %scan3A_419 step %scan3A_420 iter_args(%scan3A_434 = %scan3A_416) -> (i32)  : i32 {
      %broadcast_in_dim3A_435 = vector.broadcast %scan3A_433 : i32 to vector<16xi32>
      %gather3A = tpu.vector_load_idx %arg15[%broadcast_in_dim3A_435] : memref<64xf32, #tpu.memory_space<vmem>>[vector<16xi32>], vector<16xf32>,
      %get3A = arith.index_cast %scan3A_433 : i32 to index
      %get3A_436 = arith.constant 0 : index
      %get3A_437 = tpu.vector_load %arg9[%get3A, %get3A_436] {strides = array<i32>} : memref<128x128xf32, #tpu.memory_space<vmem>>, vector<16xf32>,
      %get3A_438 = arith.index_cast %scan3A_433 : i32 to index
      %get3A_439 = arith.constant 0 : index
      %get3A_440 = tpu.vector_load %arg6[%get3A_438, %get3A_439] {strides = array<i32>} : memref<128x128xf32, #tpu.memory_space<vmem>>, vector<16xf32>,
      %mul3A_441 = arith.mulf %get3A_440, %gather3A : vector<16xf32>
      %add3A_442 = arith.addf %get3A_437, %mul3A_441 : vector<16xf32>
      %swap3A = arith.index_cast %scan3A_433 : i32 to index
      %swap3A_443 = arith.constant 0 : index
      %swap3A_444 = tpu.vector_load %arg9[%swap3A, %swap3A_443] {strides = array<i32>} : memref<128x128xf32, #tpu.memory_space<vmem>>, vector<16xf32>,
      tpu.vector_store %arg9[%swap3A, %swap3A_443], %add3A_442 {strides = array<i32>} : memref<128x128xf32, #tpu.memory_space<vmem>>, vector<16xf32>,
      %get3A_445 = arith.index_cast %scan3A_433 : i32 to index
      %get3A_446 = arith.constant 0 : index
      %get3A_447 = tpu.vector_load %arg10[%get3A_445, %get3A_446] {strides = array<i32>} : memref<128x128xf32, #tpu.memory_space<vmem>>, vector<16xf32>,
      %get3A_448 = arith.index_cast %scan3A_433 : i32 to index
      %get3A_449 = arith.constant 0 : index
      %get3A_450 = tpu.vector_load %arg7[%get3A_448, %get3A_449] {strides = array<i32>} : memref<128x128xf32, #tpu.memory_space<vmem>>, vector<16xf32>,
      %mul3A_451 = arith.mulf %get3A_450, %gather3A : vector<16xf32>
      %add3A_452 = arith.addf %get3A_447, %mul3A_451 : vector<16xf32>
      %swap3A_453 = arith.index_cast %scan3A_433 : i32 to index
      %swap3A_454 = arith.constant 0 : index
      %swap3A_455 = tpu.vector_load %arg10[%swap3A_453, %swap3A_454] {strides = array<i32>} : memref<128x128xf32, #tpu.memory_space<vmem>>, vector<16xf32>,
      tpu.vector_store %arg10[%swap3A_453, %swap3A_454], %add3A_452 {strides = array<i32>} : memref<128x128xf32, #tpu.memory_space<vmem>>, vector<16xf32>,
      %get3A_456 = arith.index_cast %scan3A_433 : i32 to index
      %get3A_457 = arith.constant 16 : index
      %get3A_458 = tpu.vector_load %arg9[%get3A_456, %get3A_457] {strides = array<i32>} : memref<128x128xf32, #tpu.memory_space<vmem>>, vector<16xf32>,
      %get3A_459 = arith.index_cast %scan3A_433 : i32 to index
      %get3A_460 = arith.constant 16 : index
      %get3A_461 = tpu.vector_load %arg6[%get3A_459, %get3A_460] {strides = array<i32>} : memref<128x128xf32, #tpu.memory_space<vmem>>, vector<16xf32>,
      %mul3A_462 = arith.mulf %get3A_461, %gather3A : vector<16xf32>
      %add3A_463 = arith.addf %get3A_458, %mul3A_462 : vector<16xf32>
      %swap3A_464 = arith.index_cast %scan3A_433 : i32 to index
      %swap3A_465 = arith.constant 16 : index
      %swap3A_466 = tpu.vector_load %arg9[%swap3A_464, %swap3A_465] {strides = array<i32>} : memref<128x128xf32, #tpu.memory_space<vmem>>, vector<16xf32>,
      tpu.vector_store %arg9[%swap3A_464, %swap3A_465], %add3A_463 {strides = array<i32>} : memref<128x128xf32, #tpu.memory_space<vmem>>, vector<16xf32>,
      %get3A_467 = arith.index_cast %scan3A_433 : i32 to index
      %get3A_468 = arith.constant 16 : index
      %get3A_469 = tpu.vector_load %arg10[%get3A_467, %get3A_468] {strides = array<i32>} : memref<128x128xf32, #tpu.memory_space<vmem>>, vector<16xf32>,
      %get3A_470 = arith.index_cast %scan3A_433 : i32 to index
      %get3A_471 = arith.constant 16 : index
      %get3A_472 = tpu.vector_load %arg7[%get3A_470, %get3A_471] {strides = array<i32>} : memref<128x128xf32, #tpu.memory_space<vmem>>, vector<16xf32>,
      %mul3A_473 = arith.mulf %get3A_472, %gather3A : vector<16xf32>
      %add3A_474 = arith.addf %get3A_469, %mul3A_473 : vector<16xf32>
      %swap3A_475 = arith.index_cast %scan3A_433 : i32 to index
      %swap3A_476 = arith.constant 16 : index
      %swap3A_477 = tpu.vector_load %arg10[%swap3A_475, %swap3A_476] {strides = array<i32>} : memref<128x128xf32, #tpu.memory_space<vmem>>, vector<16xf32>,
      tpu.vector_store %arg10[%swap3A_475, %swap3A_476], %add3A_474 {strides = array<i32>} : memref<128x128xf32, #tpu.memory_space<vmem>>, vector<16xf32>,
      %get3A_478 = arith.index_cast %scan3A_433 : i32 to index
      %get3A_479 = arith.constant 32 : index
      %get3A_480 = tpu.vector_load %arg9[%get3A_478, %get3A_479] {strides = array<i32>} : memref<128x128xf32, #tpu.memory_space<vmem>>, vector<16xf32>,
      %get3A_481 = arith.index_cast %scan3A_433 : i32 to index
      %get3A_482 = arith.constant 32 : index
      %get3A_483 = tpu.vector_load %arg6[%get3A_481, %get3A_482] {strides = array<i32>} : memref<128x128xf32, #tpu.memory_space<vmem>>, vector<16xf32>,
      %mul3A_484 = arith.mulf %get3A_483, %gather3A : vector<16xf32>
      %add3A_485 = arith.addf %get3A_480, %mul3A_484 : vector<16xf32>
      %swap3A_486 = arith.index_cast %scan3A_433 : i32 to index
      %swap3A_487 = arith.constant 32 : index
      %swap3A_488 = tpu.vector_load %arg9[%swap3A_486, %swap3A_487] {strides = array<i32>} : memref<128x128xf32, #tpu.memory_space<vmem>>, vector<16xf32>,
      tpu.vector_store %arg9[%swap3A_486, %swap3A_487], %add3A_485 {strides = array<i32>} : memref<128x128xf32, #tpu.memory_space<vmem>>, vector<16xf32>,
      %get3A_489 = arith.index_cast %scan3A_433 : i32 to index
      %get3A_490 = arith.constant 32 : index
      %get3A_491 = tpu.vector_load %arg10[%get3A_489, %get3A_490] {strides = array<i32>} : memref<128x128xf32, #tpu.memory_space<vmem>>, vector<16xf32>,
      %get3A_492 = arith.index_cast %scan3A_433 : i32 to index
      %get3A_493 = arith.constant 32 : index
      %get3A_494 = tpu.vector_load %arg7[%get3A_492, %get3A_493] {strides = array<i32>} : memref<128x128xf32, #tpu.memory_space<vmem>>, vector<16xf32>,
      %mul3A_495 = arith.mulf %get3A_494, %gather3A : vector<16xf32>
      %add3A_496 = arith.addf %get3A_491, %mul3A_495 : vector<16xf32>
      %swap3A_497 = arith.index_cast %scan3A_433 : i32 to index
      %swap3A_498 = arith.constant 32 : index
      %swap3A_499 = tpu.vector_load %arg10[%swap3A_497, %swap3A_498] {strides = array<i32>} : memref<128x128xf32, #tpu.memory_space<vmem>>, vector<16xf32>,
      tpu.vector_store %arg10[%swap3A_497, %swap3A_498], %add3A_496 {strides = array<i32>} : memref<128x128xf32, #tpu.memory_space<vmem>>, vector<16xf32>,
      %get3A_500 = arith.index_cast %scan3A_433 : i32 to index
      %get3A_501 = arith.constant 48 : index
      %get3A_502 = tpu.vector_load %arg9[%get3A_500, %get3A_501] {strides = array<i32>} : memref<128x128xf32, #tpu.memory_space<vmem>>, vector<16xf32>,
      %get3A_503 = arith.index_cast %scan3A_433 : i32 to index
      %get3A_504 = arith.constant 48 : index
      %get3A_505 = tpu.vector_load %arg6[%get3A_503, %get3A_504] {strides = array<i32>} : memref<128x128xf32, #tpu.memory_space<vmem>>, vector<16xf32>,
      %mul3A_506 = arith.mulf %get3A_505, %gather3A : vector<16xf32>
      %add3A_507 = arith.addf %get3A_502, %mul3A_506 : vector<16xf32>
      %swap3A_508 = arith.index_cast %scan3A_433 : i32 to index
      %swap3A_509 = arith.constant 48 : index
      %swap3A_510 = tpu.vector_load %arg9[%swap3A_508, %swap3A_509] {strides = array<i32>} : memref<128x128xf32, #tpu.memory_space<vmem>>, vector<16xf32>,
      tpu.vector_store %arg9[%swap3A_508, %swap3A_509], %add3A_507 {strides = array<i32>} : memref<128x128xf32, #tpu.memory_space<vmem>>, vector<16xf32>,
      %get3A_511 = arith.index_cast %scan3A_433 : i32 to index
      %get3A_512 = arith.constant 48 : index
      %get3A_513 = tpu.vector_load %arg10[%get3A_511, %get3A_512] {strides = array<i32>} : memref<128x128xf32, #tpu.memory_space<vmem>>, vector<16xf32>,
      %get3A_514 = arith.index_cast %scan3A_433 : i32 to index
      %get3A_515 = arith.constant 48 : index
      %get3A_516 = tpu.vector_load %arg7[%get3A_514, %get3A_515] {strides = array<i32>} : memref<128x128xf32, #tpu.memory_space<vmem>>, vector<16xf32>,
      %mul3A_517 = arith.mulf %get3A_516, %gather3A : vector<16xf32>
      %add3A_518 = arith.addf %get3A_513, %mul3A_517 : vector<16xf32>
      %swap3A_519 = arith.index_cast %scan3A_433 : i32 to index
      %swap3A_520 = arith.constant 48 : index
      %swap3A_521 = tpu.vector_load %arg10[%swap3A_519, %swap3A_520] {strides = array<i32>} : memref<128x128xf32, #tpu.memory_space<vmem>>, vector<16xf32>,
      tpu.vector_store %arg10[%swap3A_519, %swap3A_520], %add3A_518 {strides = array<i32>} : memref<128x128xf32, #tpu.memory_space<vmem>>, vector<16xf32>,
      %get3A_522 = arith.index_cast %scan3A_433 : i32 to index
      %get3A_523 = arith.constant 64 : index
      %get3A_524 = tpu.vector_load %arg9[%get3A_522, %get3A_523] {strides = array<i32>} : memref<128x128xf32, #tpu.memory_space<vmem>>, vector<16xf32>,
      %get3A_525 = arith.index_cast %scan3A_433 : i32 to index
      %get3A_526 = arith.constant 64 : index
      %get3A_527 = tpu.vector_load %arg6[%get3A_525, %get3A_526] {strides = array<i32>} : memref<128x128xf32, #tpu.memory_space<vmem>>, vector<16xf32>,
      %mul3A_528 = arith.mulf %get3A_527, %gather3A : vector<16xf32>
      %add3A_529 = arith.addf %get3A_524, %mul3A_528 : vector<16xf32>
      %swap3A_530 = arith.index_cast %scan3A_433 : i32 to index
      %swap3A_531 = arith.constant 64 : index
      %swap3A_532 = tpu.vector_load %arg9[%swap3A_530, %swap3A_531] {strides = array<i32>} : memref<128x128xf32, #tpu.memory_space<vmem>>, vector<16xf32>,
      tpu.vector_store %arg9[%swap3A_530, %swap3A_531], %add3A_529 {strides = array<i32>} : memref<128x128xf32, #tpu.memory_space<vmem>>, vector<16xf32>,
      %get3A_533 = arith.index_cast %scan3A_433 : i32 to index
      %get3A_534 = arith.constant 64 : index
      %get3A_535 = tpu.vector_load %arg10[%get3A_533, %get3A_534] {strides = array<i32>} : memref<128x128xf32, #tpu.memory_space<vmem>>, vector<16xf32>,
      %get3A_536 = arith.index_cast %scan3A_433 : i32 to index
      %get3A_537 = arith.constant 64 : index
      %get3A_538 = tpu.vector_load %arg7[%get3A_536, %get3A_537] {strides = array<i32>} : memref<128x128xf32, #tpu.memory_space<vmem>>, vector<16xf32>,
      %mul3A_539 = arith.mulf %get3A_538, %gather3A : vector<16xf32>
      %add3A_540 = arith.addf %get3A_535, %mul3A_539 : vector<16xf32>
      %swap3A_541 = arith.index_cast %scan3A_433 : i32 to index
      %swap3A_542 = arith.constant 64 : index
      %swap3A_543 = tpu.vector_load %arg10[%swap3A_541, %swap3A_542] {strides = array<i32>} : memref<128x128xf32, #tpu.memory_space<vmem>>, vector<16xf32>,
      tpu.vector_store %arg10[%swap3A_541, %swap3A_542], %add3A_540 {strides = array<i32>} : memref<128x128xf32, #tpu.memory_space<vmem>>, vector<16xf32>,
      %get3A_544 = arith.index_cast %scan3A_433 : i32 to index
      %get3A_545 = arith.constant 80 : index
      %get3A_546 = tpu.vector_load %arg9[%get3A_544, %get3A_545] {strides = array<i32>} : memref<128x128xf32, #tpu.memory_space<vmem>>, vector<16xf32>,
      %get3A_547 = arith.index_cast %scan3A_433 : i32 to index
      %get3A_548 = arith.constant 80 : index
      %get3A_549 = tpu.vector_load %arg6[%get3A_547, %get3A_548] {strides = array<i32>} : memref<128x128xf32, #tpu.memory_space<vmem>>, vector<16xf32>,
      %mul3A_550 = arith.mulf %get3A_549, %gather3A : vector<16xf32>
      %add3A_551 = arith.addf %get3A_546, %mul3A_550 : vector<16xf32>
      %swap3A_552 = arith.index_cast %scan3A_433 : i32 to index
      %swap3A_553 = arith.constant 80 : index
      %swap3A_554 = tpu.vector_load %arg9[%swap3A_552, %swap3A_553] {strides = array<i32>} : memref<128x128xf32, #tpu.memory_space<vmem>>, vector<16xf32>,
      tpu.vector_store %arg9[%swap3A_552, %swap3A_553], %add3A_551 {strides = array<i32>} : memref<128x128xf32, #tpu.memory_space<vmem>>, vector<16xf32>,
      %get3A_555 = arith.index_cast %scan3A_433 : i32 to index
      %get3A_556 = arith.constant 80 : index
      %get3A_557 = tpu.vector_load %arg10[%get3A_555, %get3A_556] {strides = array<i32>} : memref<128x128xf32, #tpu.memory_space<vmem>>, vector<16xf32>,
      %get3A_558 = arith.index_cast %scan3A_433 : i32 to index
      %get3A_559 = arith.constant 80 : index
      %get3A_560 = tpu.vector_load %arg7[%get3A_558, %get3A_559] {strides = array<i32>} : memref<128x128xf32, #tpu.memory_space<vmem>>, vector<16xf32>,
      %mul3A_561 = arith.mulf %get3A_560, %gather3A : vector<16xf32>
      %add3A_562 = arith.addf %get3A_557, %mul3A_561 : vector<16xf32>
      %swap3A_563 = arith.index_cast %scan3A_433 : i32 to index
      %swap3A_564 = arith.constant 80 : index
      %swap3A_565 = tpu.vector_load %arg10[%swap3A_563, %swap3A_564] {strides = array<i32>} : memref<128x128xf32, #tpu.memory_space<vmem>>, vector<16xf32>,
      tpu.vector_store %arg10[%swap3A_563, %swap3A_564], %add3A_562 {strides = array<i32>} : memref<128x128xf32, #tpu.memory_space<vmem>>, vector<16xf32>,
      %get3A_566 = arith.index_cast %scan3A_433 : i32 to index
      %get3A_567 = arith.constant 96 : index
      %get3A_568 = tpu.vector_load %arg9[%get3A_566, %get3A_567] {strides = array<i32>} : memref<128x128xf32, #tpu.memory_space<vmem>>, vector<16xf32>,
      %get3A_569 = arith.index_cast %scan3A_433 : i32 to index
      %get3A_570 = arith.constant 96 : index
      %get3A_571 = tpu.vector_load %arg6[%get3A_569, %get3A_570] {strides = array<i32>} : memref<128x128xf32, #tpu.memory_space<vmem>>, vector<16xf32>,
      %mul3A_572 = arith.mulf %get3A_571, %gather3A : vector<16xf32>
      %add3A_573 = arith.addf %get3A_568, %mul3A_572 : vector<16xf32>
      %swap3A_574 = arith.index_cast %scan3A_433 : i32 to index
      %swap3A_575 = arith.constant 96 : index
      %swap3A_576 = tpu.vector_load %arg9[%swap3A_574, %swap3A_575] {strides = array<i32>} : memref<128x128xf32, #tpu.memory_space<vmem>>, vector<16xf32>,
      tpu.vector_store %arg9[%swap3A_574, %swap3A_575], %add3A_573 {strides = array<i32>} : memref<128x128xf32, #tpu.memory_space<vmem>>, vector<16xf32>,
      %get3A_577 = arith.index_cast %scan3A_433 : i32 to index
      %get3A_578 = arith.constant 96 : index
      %get3A_579 = tpu.vector_load %arg10[%get3A_577, %get3A_578] {strides = array<i32>} : memref<128x128xf32, #tpu.memory_space<vmem>>, vector<16xf32>,
      %get3A_580 = arith.index_cast %scan3A_433 : i32 to index
      %get3A_581 = arith.constant 96 : index
      %get3A_582 = tpu.vector_load %arg7[%get3A_580, %get3A_581] {strides = array<i32>} : memref<128x128xf32, #tpu.memory_space<vmem>>, vector<16xf32>,
      %mul3A_583 = arith.mulf %get3A_582, %gather3A : vector<16xf32>
      %add3A_584 = arith.addf %get3A_579, %mul3A_583 : vector<16xf32>
      %swap3A_585 = arith.index_cast %scan3A_433 : i32 to index
      %swap3A_586 = arith.constant 96 : index
      %swap3A_587 = tpu.vector_load %arg10[%swap3A_585, %swap3A_586] {strides = array<i32>} : memref<128x128xf32, #tpu.memory_space<vmem>>, vector<16xf32>,
      tpu.vector_store %arg10[%swap3A_585, %swap3A_586], %add3A_584 {strides = array<i32>} : memref<128x128xf32, #tpu.memory_space<vmem>>, vector<16xf32>,
      %get3A_588 = arith.index_cast %scan3A_433 : i32 to index
      %get3A_589 = arith.constant 112 : index
      %get3A_590 = tpu.vector_load %arg9[%get3A_588, %get3A_589] {strides = array<i32>} : memref<128x128xf32, #tpu.memory_space<vmem>>, vector<16xf32>,
      %get3A_591 = arith.index_cast %scan3A_433 : i32 to index
      %get3A_592 = arith.constant 112 : index
      %get3A_593 = tpu.vector_load %arg6[%get3A_591, %get3A_592] {strides = array<i32>} : memref<128x128xf32, #tpu.memory_space<vmem>>, vector<16xf32>,
      %mul3A_594 = arith.mulf %get3A_593, %gather3A : vector<16xf32>
      %add3A_595 = arith.addf %get3A_590, %mul3A_594 : vector<16xf32>
      %swap3A_596 = arith.index_cast %scan3A_433 : i32 to index
      %swap3A_597 = arith.constant 112 : index
      %swap3A_598 = tpu.vector_load %arg9[%swap3A_596, %swap3A_597] {strides = array<i32>} : memref<128x128xf32, #tpu.memory_space<vmem>>, vector<16xf32>,
      tpu.vector_store %arg9[%swap3A_596, %swap3A_597], %add3A_595 {strides = array<i32>} : memref<128x128xf32, #tpu.memory_space<vmem>>, vector<16xf32>,
      %get3A_599 = arith.index_cast %scan3A_433 : i32 to index
      %get3A_600 = arith.constant 112 : index
      %get3A_601 = tpu.vector_load %arg10[%get3A_599, %get3A_600] {strides = array<i32>} : memref<128x128xf32, #tpu.memory_space<vmem>>, vector<16xf32>,
      %get3A_602 = arith.index_cast %scan3A_433 : i32 to index
      %get3A_603 = arith.constant 112 : index
      %get3A_604 = tpu.vector_load %arg7[%get3A_602, %get3A_603] {strides = array<i32>} : memref<128x128xf32, #tpu.memory_space<vmem>>, vector<16xf32>,
      %mul3A_605 = arith.mulf %get3A_604, %gather3A : vector<16xf32>
      %add3A_606 = arith.addf %get3A_601, %mul3A_605 : vector<16xf32>
      %swap3A_607 = arith.index_cast %scan3A_433 : i32 to index
      %swap3A_608 = arith.constant 112 : index
      %swap3A_609 = tpu.vector_load %arg10[%swap3A_607, %swap3A_608] {strides = array<i32>} : memref<128x128xf32, #tpu.memory_space<vmem>>, vector<16xf32>,
      tpu.vector_store %arg10[%swap3A_607, %swap3A_608], %add3A_606 {strides = array<i32>} : memref<128x128xf32, #tpu.memory_space<vmem>>, vector<16xf32>,
      %scan3A_610 = arith.constant 0 : i32
      scf.yield %scan3A_610 : i32
    }
    %scan3A_422 = arith.constant 64 : i32
    %lt3A_423 = arith.constant 15 : i32
    %lt3A_424 = arith.cmpi slt, %arg1, %lt3A_423 : i32
    %convert_element_type3A_425 = arith.extui %lt3A_424 : i1 to i32
    %cond3A_426 = arith.constant 0 : i32
    %cond3A_427 = arith.cmpi ne, %convert_element_type3A_425, %cond3A_426 : i32
    scf.if %cond3A_427 {
      "tpu.region"() ({
        %run_scoped3A = tpu.sem_alloc : memref<!tpu.dma_semaphore, #tpu.memory_space<semaphore_mem>>
        %dma_start3A_433 = arith.constant 0 : i32
        %dma_start3A_434 = arith.constant 0 : i32
        %dma_start3A_435 = tpu.memref_slice %arg9[%dma_start3A_433, %dma_start3A_434] : memref<128x128xf32, #tpu.memory_space<vmem>> -> memref<64x128xf32, #tpu.memory_space<vmem>>
        %dma_start3A_436 = tpu.memref_slice %arg5[%mul3A_356, %mul3A_2] : memref<1000x512xf32, #tpu.memory_space<hbm>> -> memref<64x128xf32, #tpu.memory_space<hbm>>
        %dma_start3A_437 = tpu.memref_slice %arg5[%mul3A_356, %mul3A_2] : memref<1000x512xf32, #tpu.memory_space<hbm>> -> memref<64x128xf32, #tpu.memory_space<hbm>>
        %dma_start3A_438 = arith.constant 0 : i32
        %dma_start3A_439 = arith.constant 0 : i32
        %dma_start3A_440 = tpu.memref_slice %arg9[%dma_start3A_438, %dma_start3A_439] : memref<128x128xf32, #tpu.memory_space<vmem>> -> memref<64x128xf32, #tpu.memory_space<vmem>>
        tpu.enqueue_dma source(%dma_start3A_440 : memref<64x128xf32, #tpu.memory_space<vmem>>) target(%dma_start3A_437 : memref<64x128xf32, #tpu.memory_space<hbm>>) target_semaphore(%run_scoped3A : memref<!tpu.dma_semaphore, #tpu.memory_space<semaphore_mem>>)
        %dma_wait3A_441 = arith.constant 0 : i32
        %dma_wait3A_442 = arith.constant 0 : i32
        %dma_wait3A_443 = tpu.memref_slice %arg9[%dma_wait3A_441, %dma_wait3A_442] : memref<128x128xf32, #tpu.memory_space<vmem>> -> memref<64x128xf32, #tpu.memory_space<vmem>>
        %dma_wait3A_444 = tpu.memref_slice %arg5[%mul3A_356, %mul3A_2] : memref<1000x512xf32, #tpu.memory_space<hbm>> -> memref<64x128xf32, #tpu.memory_space<hbm>>
        %dma_wait3A_445 = tpu.memref_slice %arg5[%mul3A_356, %mul3A_2] : memref<1000x512xf32, #tpu.memory_space<hbm>> -> memref<64x128xf32, #tpu.memory_space<hbm>>
        %dma_wait3A_446 = arith.constant 0 : i32
        %dma_wait3A_447 = arith.constant 0 : i32
        %dma_wait3A_448 = tpu.memref_slice %arg9[%dma_wait3A_446, %dma_wait3A_447] : memref<128x128xf32, #tpu.memory_space<vmem>> -> memref<64x128xf32, #tpu.memory_space<vmem>>
        tpu.wait_dma2 semaphore(%run_scoped3A : memref<!tpu.dma_semaphore, #tpu.memory_space<semaphore_mem>>) src(%dma_wait3A_448 : memref<64x128xf32, #tpu.memory_space<vmem>>) dst(%dma_wait3A_445 : memref<64x128xf32, #tpu.memory_space<hbm>>)
        tpu.yield
      }) : () -> ()
      "tpu.region"() ({
        %run_scoped3A = tpu.sem_alloc : memref<!tpu.dma_semaphore, #tpu.memory_space<semaphore_mem>>
        %dma_start3A_433 = arith.constant 0 : i32
        %dma_start3A_434 = arith.constant 0 : i32
        %dma_start3A_435 = tpu.memref_slice %arg10[%dma_start3A_433, %dma_start3A_434] : memref<128x128xf32, #tpu.memory_space<vmem>> -> memref<64x128xf32, #tpu.memory_space<vmem>>
        %dma_start3A_436 = tpu.memref_slice %arg5[%mul3A_356, %add3A_3] : memref<1000x512xf32, #tpu.memory_space<hbm>> -> memref<64x128xf32, #tpu.memory_space<hbm>>
        %dma_start3A_437 = tpu.memref_slice %arg5[%mul3A_356, %add3A_3] : memref<1000x512xf32, #tpu.memory_space<hbm>> -> memref<64x128xf32, #tpu.memory_space<hbm>>
        %dma_start3A_438 = arith.constant 0 : i32
        %dma_start3A_439 = arith.constant 0 : i32
        %dma_start3A_440 = tpu.memref_slice %arg10[%dma_start3A_438, %dma_start3A_439] : memref<128x128xf32, #tpu.memory_space<vmem>> -> memref<64x128xf32, #tpu.memory_space<vmem>>
        tpu.enqueue_dma source(%dma_start3A_440 : memref<64x128xf32, #tpu.memory_space<vmem>>) target(%dma_start3A_437 : memref<64x128xf32, #tpu.memory_space<hbm>>) target_semaphore(%run_scoped3A : memref<!tpu.dma_semaphore, #tpu.memory_space<semaphore_mem>>)
        %dma_wait3A_441 = arith.constant 0 : i32
        %dma_wait3A_442 = arith.constant 0 : i32
        %dma_wait3A_443 = tpu.memref_slice %arg10[%dma_wait3A_441, %dma_wait3A_442] : memref<128x128xf32, #tpu.memory_space<vmem>> -> memref<64x128xf32, #tpu.memory_space<vmem>>
        %dma_wait3A_444 = tpu.memref_slice %arg5[%mul3A_356, %add3A_3] : memref<1000x512xf32, #tpu.memory_space<hbm>> -> memref<64x128xf32, #tpu.memory_space<hbm>>
        %dma_wait3A_445 = tpu.memref_slice %arg5[%mul3A_356, %add3A_3] : memref<1000x512xf32, #tpu.memory_space<hbm>> -> memref<64x128xf32, #tpu.memory_space<hbm>>
        %dma_wait3A_446 = arith.constant 0 : i32
        %dma_wait3A_447 = arith.constant 0 : i32
        %dma_wait3A_448 = tpu.memref_slice %arg10[%dma_wait3A_446, %dma_wait3A_447] : memref<128x128xf32, #tpu.memory_space<vmem>> -> memref<64x128xf32, #tpu.memory_space<vmem>>
        tpu.wait_dma2 semaphore(%run_scoped3A : memref<!tpu.dma_semaphore, #tpu.memory_space<semaphore_mem>>) src(%dma_wait3A_448 : memref<64x128xf32, #tpu.memory_space<vmem>>) dst(%dma_wait3A_445 : memref<64x128xf32, #tpu.memory_space<hbm>>)
        tpu.yield
      }) : () -> ()
    } else {
    }
    %eq3A_428 = arith.constant 15 : i32
    %eq3A_429 = arith.cmpi eq, %arg1, %eq3A_428 : i32
    %convert_element_type3A_430 = arith.extui %eq3A_429 : i1 to i32
    %cond3A_431 = arith.constant 0 : i32
    %cond3A_432 = arith.cmpi ne, %convert_element_type3A_430, %cond3A_431 : i32
    scf.if %cond3A_432 {
      "tpu.region"() ({
        %run_scoped3A = tpu.sem_alloc : memref<!tpu.dma_semaphore, #tpu.memory_space<semaphore_mem>>
        %dma_start3A_433 = arith.constant 0 : i32
        %dma_start3A_434 = arith.constant 0 : i32
        %dma_start3A_435 = tpu.memref_slice %arg9[%dma_start3A_433, %dma_start3A_434] : memref<128x128xf32, #tpu.memory_space<vmem>> -> memref<40x128xf32, #tpu.memory_space<vmem>>
        %dma_start3A_436 = arith.constant 960 : i32
        %dma_start3A_437 = tpu.memref_slice %arg5[%dma_start3A_436, %mul3A_2] : memref<1000x512xf32, #tpu.memory_space<hbm>> -> memref<40x128xf32, #tpu.memory_space<hbm>>
        %dma_start3A_438 = arith.constant 960 : i32
        %dma_start3A_439 = tpu.memref_slice %arg5[%dma_start3A_438, %mul3A_2] : memref<1000x512xf32, #tpu.memory_space<hbm>> -> memref<40x128xf32, #tpu.memory_space<hbm>>
        %dma_start3A_440 = arith.constant 0 : i32
        %dma_start3A_441 = arith.constant 0 : i32
        %dma_start3A_442 = tpu.memref_slice %arg9[%dma_start3A_440, %dma_start3A_441] : memref<128x128xf32, #tpu.memory_space<vmem>> -> memref<40x128xf32, #tpu.memory_space<vmem>>
        tpu.enqueue_dma source(%dma_start3A_442 : memref<40x128xf32, #tpu.memory_space<vmem>>) target(%dma_start3A_439 : memref<40x128xf32, #tpu.memory_space<hbm>>) target_semaphore(%run_scoped3A : memref<!tpu.dma_semaphore, #tpu.memory_space<semaphore_mem>>)
        %dma_wait3A_443 = arith.constant 0 : i32
        %dma_wait3A_444 = arith.constant 0 : i32
        %dma_wait3A_445 = tpu.memref_slice %arg9[%dma_wait3A_443, %dma_wait3A_444] : memref<128x128xf32, #tpu.memory_space<vmem>> -> memref<40x128xf32, #tpu.memory_space<vmem>>
        %dma_wait3A_446 = arith.constant 960 : i32
        %dma_wait3A_447 = tpu.memref_slice %arg5[%dma_wait3A_446, %mul3A_2] : memref<1000x512xf32, #tpu.memory_space<hbm>> -> memref<40x128xf32, #tpu.memory_space<hbm>>
        %dma_wait3A_448 = arith.constant 960 : i32
        %dma_wait3A_449 = tpu.memref_slice %arg5[%dma_wait3A_448, %mul3A_2] : memref<1000x512xf32, #tpu.memory_space<hbm>> -> memref<40x128xf32, #tpu.memory_space<hbm>>
        %dma_wait3A_450 = arith.constant 0 : i32
        %dma_wait3A_451 = arith.constant 0 : i32
        %dma_wait3A_452 = tpu.memref_slice %arg9[%dma_wait3A_450, %dma_wait3A_451] : memref<128x128xf32, #tpu.memory_space<vmem>> -> memref<40x128xf32, #tpu.memory_space<vmem>>
        tpu.wait_dma2 semaphore(%run_scoped3A : memref<!tpu.dma_semaphore, #tpu.memory_space<semaphore_mem>>) src(%dma_wait3A_452 : memref<40x128xf32, #tpu.memory_space<vmem>>) dst(%dma_wait3A_449 : memref<40x128xf32, #tpu.memory_space<hbm>>)
        tpu.yield
      }) : () -> ()
      "tpu.region"() ({
        %run_scoped3A = tpu.sem_alloc : memref<!tpu.dma_semaphore, #tpu.memory_space<semaphore_mem>>
        %dma_start3A_433 = arith.constant 0 : i32
        %dma_start3A_434 = arith.constant 0 : i32
        %dma_start3A_435 = tpu.memref_slice %arg10[%dma_start3A_433, %dma_start3A_434] : memref<128x128xf32, #tpu.memory_space<vmem>> -> memref<40x128xf32, #tpu.memory_space<vmem>>
        %dma_start3A_436 = arith.constant 960 : i32
        %dma_start3A_437 = tpu.memref_slice %arg5[%dma_start3A_436, %add3A_3] : memref<1000x512xf32, #tpu.memory_space<hbm>> -> memref<40x128xf32, #tpu.memory_space<hbm>>
        %dma_start3A_438 = arith.constant 960 : i32
        %dma_start3A_439 = tpu.memref_slice %arg5[%dma_start3A_438, %add3A_3] : memref<1000x512xf32, #tpu.memory_space<hbm>> -> memref<40x128xf32, #tpu.memory_space<hbm>>
        %dma_start3A_440 = arith.constant 0 : i32
        %dma_start3A_441 = arith.constant 0 : i32
        %dma_start3A_442 = tpu.memref_slice %arg10[%dma_start3A_440, %dma_start3A_441] : memref<128x128xf32, #tpu.memory_space<vmem>> -> memref<40x128xf32, #tpu.memory_space<vmem>>
        tpu.enqueue_dma source(%dma_start3A_442 : memref<40x128xf32, #tpu.memory_space<vmem>>) target(%dma_start3A_439 : memref<40x128xf32, #tpu.memory_space<hbm>>) target_semaphore(%run_scoped3A : memref<!tpu.dma_semaphore, #tpu.memory_space<semaphore_mem>>)
        %dma_wait3A_443 = arith.constant 0 : i32
        %dma_wait3A_444 = arith.constant 0 : i32
        %dma_wait3A_445 = tpu.memref_slice %arg10[%dma_wait3A_443, %dma_wait3A_444] : memref<128x128xf32, #tpu.memory_space<vmem>> -> memref<40x128xf32, #tpu.memory_space<vmem>>
        %dma_wait3A_446 = arith.constant 960 : i32
        %dma_wait3A_447 = tpu.memref_slice %arg5[%dma_wait3A_446, %add3A_3] : memref<1000x512xf32, #tpu.memory_space<hbm>> -> memref<40x128xf32, #tpu.memory_space<hbm>>
        %dma_wait3A_448 = arith.constant 960 : i32
        %dma_wait3A_449 = tpu.memref_slice %arg5[%dma_wait3A_448, %add3A_3] : memref<1000x512xf32, #tpu.memory_space<hbm>> -> memref<40x128xf32, #tpu.memory_space<hbm>>
        %dma_wait3A_450 = arith.constant 0 : i32
        %dma_wait3A_451 = arith.constant 0 : i32
        %dma_wait3A_452 = tpu.memref_slice %arg10[%dma_wait3A_450, %dma_wait3A_451] : memref<128x128xf32, #tpu.memory_space<vmem>> -> memref<40x128xf32, #tpu.memory_space<vmem>>
        tpu.wait_dma2 semaphore(%run_scoped3A : memref<!tpu.dma_semaphore, #tpu.memory_space<semaphore_mem>>) src(%dma_wait3A_452 : memref<40x128xf32, #tpu.memory_space<vmem>>) dst(%dma_wait3A_449 : memref<40x128xf32, #tpu.memory_space<hbm>>)
        tpu.yield
      }) : () -> ()
    } else {
    }
    return
  }
}

</mosaic_0001>

<sc_bundles>
// kernel: proto_evolution_sc.3.cloned.1.call-start
scs
__scs_entry_jumppad:
0x0: {  	(pc) =	sbr.rel $0x88, $3  }
0x1: {  	(tag) =	ssettag $0x0;
	lr =	simm.s32 $0x1  }
0x2: {  	[smem:$0x3F9E] =	sst lr;
	_ =	strace $0xD0000000  }
0x3: {  	_ = 	snop  }
0x4: {  	_ = 	snop  }
0x5: {  	_ = 	snop  }
0x6: {  	_ = 	snop  }
0x7: {  	_ = 	snop  }
__scs_overlays_trampoline_lowered:
0x8: {  	[smem:$0x3FAD] =	sst s0  }
0x9: {  	[smem:$0x3FAE] =	sst s1  }
0xa: {  	[smem:$0x3FAF] =	sst s2  }
0xb: {  	[smem:$0x3FB0] =	sst s3  }
0xc: {  	[smem:$0x3FB1] =	sst s4  }
0xd: {  	[smem:$0x3FB2] =	sst s5  }
0xe: {  	[smem:$0x3FB3] =	sst s6  }
0xf: {  	[smem:$0x3FB4] =	sst s7  }
0x10: {  	[smem:$0x3FB5] =	sst s8  }
0x11: {  	[smem:$0x3FB6] =	sst s9;
	s0 =	simm.s32 @!p0 $0x0  }
0x12: {  	s1 =	sld [smem:$0x3F9C];
	s0 =	simm.s32 @p0 $0x1  }
0x13: {  	[smem:$0x3FB7] =	sst s0;
	s0 =	simm.s32 @!p1 $0x0  }
0x14: {  	s2 =	sld [smem:$0x3F9B];
	s0 =	simm.s32 @p1 $0x1  }
0x15: {  	[smem:$0x3FB8] =	sst s0;
	s0 =	simm.s32 @!p2 $0x0  }
0x16: {  	s3 =	sld [smem:$0x3FDB];
	s0 =	simm.s32 @p2 $0x1  }
0x17: {  	s4 =	simm.s32 $0x1BF5;
	[smem:$0x3FBA] =	sst s0  }
0x18: {  	s0 =	sld [smem:$0x3F9D];
	_ =	swait.ge [sflag:s4], $0x0  }
0x19: {  	s7 =	sld [smem:$0x3F9E]  }
0x1a: {  	s8 =	sadd.s32 $0xFFFFE003, lr  }
0x1b: {  	s9 =	sadd.s32 $0xFFFFFEF7, lr;
	s5 =	simm.s32 $0xFFFFFFFF;
	p2 =	slt.u32 s8, $0xFFFFF086  }
0x1c: {  	p1 =	slt.u32 s9, $0xF7A;
	s5 =	simm.s32 @!p2 $0x0  }
0x1d: {  	s5 =	simm.s32 @p1 $0x1;
	p0 =	seq.s32 s7, s2  }
0x1e: {  	s7 =	smul.u32 @!p0 $0xF7A, s2;
	p2 =	seq.s32 @!p0 s5, $0x0  }
0x1f: {  	s9 =	smul.u32 $0xF7A, s1;
	s8 =	simm.s32 @!p0 $0x1BF5;
	p2 =	por !p2, p0  }
0x20: {  	[sflag:s8] =	ssyncset.s32 @!p0 $0xFFFFF086;
	s6 =	sadd.s32 @!p0 s3, s7;
	s7 =	simm.s32 @!p0 $0x108  }
0x21: {  	s3 =	sadd.s32 s3, s9;
	s6 =	sadd.s32 @!p0 $0x88, s6;
	s7 =	simm.s32 @p2 $0x1082  }
0x22: {  	[simem:s7], [sflag:s8] =	dma.local @!p0 [hbm:s6], $0xF7A  }
0x23: {  	s9 =	sor.u32 $0xD0000000, s2;
	s6 =	simm.s32 $0x108;
	_ =	swait.ge @!p0 [sflag:s8], $0x0  }
0x24: {  	s3 =	sadd.s32 $0x88, s3;
	s6 =	simm.s32 @!p1 $0x1082;
	[sflag:s4] =	ssyncset.s32 $0xFFFFF086  }
0x25: {  	[simem:s6], [sflag:s4] =	dma.local [hbm:s3], $0xF7A  }
0x26: {  	[smem:$0x3F9E] =	sst s1;
	(tag) =	ssettag s2;
	_ =	strace s9  }
0x27: {  	s1 =	sld [smem:$0x3FAE]  }
0x28: {  	s2 =	sld [smem:$0x3FAF]  }
0x29: {  	s4 =	sld [smem:$0x3FB1]  }
0x2a: {  	p0 =	seq.s32 s5, $0x0;
	s5 =	sld [smem:$0x3FB2]  }
0x2b: {  	s6 =	sld [smem:$0x3FB3]  }
0x2c: {  	s7 =	sld [smem:$0x3FB4]  }
0x2d: {  	s3 =	simm.s32 $0x108;
	s8 =	sld [smem:$0x3FB5]  }
0x2e: {  	s3 =	simm.s32 @!p0 $0x1082;
	s9 =	sld [smem:$0x3FB6]  }
0x2f: {  	lr =	sadd.s32 s0, s3;
	s0 =	sld [smem:$0x3FAD]  }
0x30: {  	s3 =	sld [smem:$0x3FB0]  }
0x31: {  	[smem:$0x3FB9] =	sst s10  }
0x32: {  	s10 =	sld [smem:$0x3FB7];
	_ =	sdelay $0x3  }
0x33: {  	p0 =	seq.s32 s10, $0x1;
	s10 =	sld [smem:$0x3FB9];
	_ =	sdelay $0x3  }
0x34: {  	[smem:$0x3FB9] =	sst s10  }
0x35: {  	s10 =	sld [smem:$0x3FB8];
	_ =	sdelay $0x3  }
0x36: {  	p1 =	seq.s32 s10, $0x1;
	s10 =	sld [smem:$0x3FB9];
	_ =	sdelay $0x3  }
0x37: {  	[smem:$0x3FB9] =	sst s10  }
0x38: {  	s10 =	sld [smem:$0x3FBA]  }
0x39: {  	_ = 	snop;
	(pc) =	sbr.ind lr, $3  }
0x3a: {  	_ = 	snop  }
0x3b: {  	_ = 	snop  }
0x3c: {  	p2 =	seq.s32 s10, $0x1;
	s10 =	sld [smem:$0x3FB9]  }
0x3d: {  	_ =	shalt  }
0x3e: {  	_ =	shalt  }
0x3f: {  	_ =	shalt  }
0x40: {  	_ =	shalt  }
0x41: {  	_ =	shalt  }
0x42: {  	_ =	shalt  }
0x43: {  	_ =	shalt  }
0x44: {  	_ =	shalt  }
0x45: {  	_ =	shalt  }
0x46: {  	_ =	shalt  }
0x47: {  	_ =	shalt  }
0x48: {  	_ =	shalt  }
0x49: {  	_ =	shalt  }
0x4a: {  	_ =	shalt  }
0x4b: {  	_ =	shalt  }
0x4c: {  	_ =	shalt  }
0x4d: {  	_ =	shalt  }
0x4e: {  	_ =	shalt  }
0x4f: {  	_ =	shalt  }
0x50: {  	_ =	shalt  }
0x51: {  	_ =	shalt  }
0x52: {  	_ =	shalt  }
0x53: {  	_ =	shalt  }
0x54: {  	_ =	shalt  }
0x55: {  	_ =	shalt  }
0x56: {  	_ =	shalt  }
0x57: {  	_ =	shalt  }
0x58: {  	_ =	shalt  }
0x59: {  	_ =	shalt  }
0x5a: {  	_ =	shalt  }
0x5b: {  	_ =	shalt  }
0x5c: {  	_ =	shalt  }
0x5d: {  	_ =	shalt  }
0x5e: {  	_ =	shalt  }
0x5f: {  	_ =	shalt  }
0x60: {  	_ =	shalt  }
0x61: {  	_ =	shalt  }
0x62: {  	_ =	shalt  }
0x63: {  	_ =	shalt  }
0x64: {  	_ =	shalt  }
0x65: {  	_ =	shalt  }
0x66: {  	_ =	shalt  }
0x67: {  	_ =	shalt  }
0x68: {  	_ =	shalt  }
0x69: {  	_ =	shalt  }
0x6a: {  	_ =	shalt  }
0x6b: {  	_ =	shalt  }
0x6c: {  	_ =	shalt  }
0x6d: {  	_ =	shalt  }
0x6e: {  	_ =	shalt  }
0x6f: {  	_ =	shalt  }
0x70: {  	_ =	shalt  }
0x71: {  	_ =	shalt  }
0x72: {  	_ =	shalt  }
0x73: {  	_ =	shalt  }
0x74: {  	_ =	shalt  }
0x75: {  	_ =	shalt  }
0x76: {  	_ =	shalt  }
0x77: {  	_ =	shalt  }
0x78: {  	_ =	shalt  }
0x79: {  	_ =	shalt  }
0x7a: {  	_ =	shalt  }
0x7b: {  	_ =	shalt  }
0x7c: {  	_ =	shalt  }
0x7d: {  	_ =	shalt  }
0x7e: {  	_ =	shalt  }
0x7f: {  	_ =	shalt  }
0x80: {  	_ =	shalt  }
0x81: {  	_ =	shalt  }
0x82: {  	_ =	shalt  }
0x83: {  	_ =	shalt  }
0x84: {  	_ =	shalt  }
0x85: {  	_ =	shalt  }
0x86: {  	_ =	shalt  }
0x87: {  	_ =	shalt  }
.Lfunc_end0:
.L_simem_size_0:
called_computation_lowered:
.L_overlay_start_0:
0x88: {  	s2 =	sld [smem:$0x3FD9]  }
0x89: {  	s3 =	sld [smem:$0x3FFE];
	_ =	sdelay $0x1  }
0x8a: {  	s1 =	srdreg.scid  }
0x8b: {  	s0 =	sand.u32 $0x1, s1  }
0x8c: {  	s18 =	sshll.u32 s0, $0xA;
	s2 =	sadd.s32 s3, s2  }
0x8d: {  	s2 =	sadd.s32 s2, s18  }
0x8e: {  	[smem:$0x3FC5] =	sst s2  }
0x8f: {  	_ = 	snop  }
0x90: {  	s2 =	sld [smem:$0x3FC9]  }
0x91: {  	s19 =	sld [smem:$0x3FC8]  }
0x92: {  	s4 =	sld [smem:$0x3FC7]  }
0x93: {  	s5 =	sld [smem:$0x3FD0];
	(tm) =	ssettm $0x1  }
0x94: {  	s6 =	sld [smem:$0x3FFB];
	_ =	sdelay $0x3  }
0x95: {  	_ =	strace s6  }
0x96: {  	s6 =	sld [smem:$0x3FFC];
	_ =	sdelay $0x3  }
0x97: {  	_ =	strace s6  }
0x98: {  	s6 =	sld [smem:$0x3FFD];
	_ =	sdelay $0x3  }
0x99: {  	_ =	strace s6  }
0x9a: {  	_ =	strace $0x8FFFFFFF  }
0x9b: {  	s20 =	sld [smem:$0x3FDB];
	_ =	sdelay $0x1  }
0x9c: {  	s7 =	simm.s32 $_scs_section_size  }
0x9d: {  	s8 =	simm.s32 $_size__tile_overlayer_lowered;
	s9 =	simm.s32 $_tile_overlayer_lowered  }
0x9e: {  	s23 =	simm.s32 $0x1BFF;
	s22 =	sshll.u32 s9, $0x1;
	s6 =	sadd.s32 s7, s20  }
0x9f: {  	s10 =	simm.s32 $0x0;
	s21 =	sshll.u32 s8, $0x1;
	s8 =	sadd.s32 s22, s6  }
0xa0: {  	[timem:s10], [sflag:s23] =	dma.local [hbm:s8], s21  }
0xa1: {  	_ =	swait.ge [sflag:s23], s21  }
0xa2: {  	s7 =	ssub.s32 $0x0, s21;
	[sflag:s23] =	ssyncset.done $0x0  }
0xa3: {  	[sflag:s23] =	ssyncadd.s32 s7;
	_ =	sdelay $0x1  }
0xa4: {  	s24 =	simm.s32 $0x1B8B  }
0xa5: {  	_ =	swait.ge [sflag:s24], $0x1  }
0xa6: {  	[sflag:s24] =	ssyncset.done $0x0  }
0xa7: {  	s25 =	simm.s32 $0x1B8E;
	[sflag:s24] =	ssyncadd.s32 $0xFFFFFFFF  }
0xa8: {  	s26 =	simm.s32 $execute0_lowered;
	[smem:$0x3FD2] =	sst s25  }
0xa9: {  	s7 =	sshll.u32 s26, $0x1;
	_ =	strace $0x80000046;
	[dreg:$0x1] =	wrdreg $0xFFFFFFFF  }
0xaa: {  	s28 =	simm.s32 $_size_execute0_lowered;
	s6 =	sadd.s32 s6, s7;
	[dreg:$0x0] =	wrdreg $0x0  }
0xab: {  	s7 =	sshll.u32 s28, $0x1;
	[dreg:$0x2] =	wrdreg s6  }
0xac: {  	[dreg:$0x3] =	wrdreg s7  }
0xad: {  	[dreg:$0x4] =	wrdreg $0xC0  }
0xae: {  	_ =	task [dreg:s10], $0x5FFFF  }
0xaf: {  	[dreg:$0x1] =	wrdreg $0xFFFFFFFF  }
0xb0: {  	[dreg:$0x0] =	wrdreg $0x60  }
0xb1: {  	[dreg:$0x2] =	wrdreg s2  }
0xb2: {  	[dreg:$0x3] =	wrdreg s19  }
0xb3: {  	[dreg:$0x4] =	wrdreg s4  }
0xb4: {  	[dreg:$0x5] =	wrdreg s5  }
0xb5: {  	[dreg:$0x6] =	wrdreg $0x18C800  }
0xb6: {  	[dreg:$0x7] =	wrdreg $0x1AC800  }
0xb7: {  	[dreg:$0x8] =	wrdreg $0x1CC800  }
0xb8: {  	[dreg:$0x9] =	wrdreg $0x9  }
0xb9: {  	_ =	task.clear_ibuf [dreg:s10], $0xAFFFF;
	_ =	strace $0x90000046  }
0xba: {  	s29 =	simm.s32 $0x9;
	_ =	strace $0x80000048  }
0xbb: {  	_ =	swait.ge [sflag:s29], $0x1  }
0xbc: {  	[sflag:s29] =	ssyncadd.s32 $0xFFFFFFFF  }
0xbd: {  	_ =	strace $0x90000048  }
0xbe: {  	_ =	sfence  }
0xbf: {  	s30 =	sld [smem:$0x0];
	_ =	sdelay $0x2  }
0xc0: {  	s31 =	sshll.u32 s1, $0xD;
	s1 =	sshrl.u32 s1, $0x2  }
0xc1: {  	s3 =	sand.u32 $0x4000, s31;
	s1 =	sadd.s32 s1, s30  }
0xc2: {  	s0 =	sor.u32 s3, s0;
	s1 =	sshll.u32 s1, $0x11  }
0xc3: {  	s0 =	sor.u32 s1, s0  }
0xc4: {  	s0 =	sadd.s32 $0x8F2B, s0  }
0xc5: {  	[sflag:s0] =	ssyncadd.remote.s32 $0x1  }
0xc6: {  	_ =	sfence.sel $0xFFFF  }
0xc7: {  	[dreg:$0x0] =	wrdreg $0xFFFFFFFF;
	(pc) =	sbr.abs _section_cstart, $3  }
0xc8: {  	[dreg:$0x1] =	wrdreg $0xFFFFFFFF  }
0xc9: {  	_ =	task.clear_ibuf [dreg:s10], $0x2FFFF;
	_ =	strace $0x9FFFFFFF  }
0xca: {  	(tm) =	ssettm $0x7FFFFFFF  }
0xcb: {  	_ =	shalt  }
tec
execute0_lowered:
.L_overlay_start_1:
0x0: {  	(tag) =	ssettag $0x1  }
0x1: {  	s4 =	rddreg [dreg:$0x0]  }
0x2: {  	s0 =	rddreg [dreg:$0x1]  }
0x3: {  	s1 =	srdreg.scid;
	s2 =	rddreg [dreg:$0x2]  }
0x4: {  	s5 =	rddreg [dreg:$0x6];
	s13 =	stileid.u32  }
0x5: {  	s3 =	sand.u32 $0x1, s1;
	s8 =	sshll.u32 s13, $0x13;
	s24 =	sshll.u32 s13, $0x6  }
0x6: {  	s1 =	ssub.s32 $0x2, s3;
	s6 =	sshll.u32 s3, $0xB;
	s11 =	sor.u32 $0x10000, s8  }
0x7: {  	s14 =	sadd.s32 s24, s5;
	s25 =	sor.u32 $0x20000, s8;
	s28 =	sor.u32 $0x30000, s8  }
0x8: {  	s17 =	sor.u32 $0x40000, s8;
	s7 =	sshrl.u32 s1, $0x1;
	s18 =	sor.u32 s6, s8  }
0x9: {  	s9 =	sor.u32 $0x400, s6;
	s20 =	sor.u32 s6, s11;
	s26 =	sor.u32 s6, s25  }
0xa: {  	s12 =	sor.u32 s6, s28;
	s1 =	ssub.s32 s1, s7;
	s7 =	sshrl.u32 s18, $0x3  }
0xb: {  	s10 =	sor.u32 s8, s9;
	s21 =	sshrl.u32 s20, $0x3;
	s22 =	sor.u32 s9, s11  }
0xc: {  	s15 =	sshrl.u32 s12, $0x3;
	s16 =	sor.u32 s9, s28;
	s18 =	sor.u32 s6, s17  }
0xd: {  	s12 =	sshll.u32 s13, $0xA;
	s7 =	sadd.s32 s4, s7;
	s19 =	sshrl.u32 s10, $0x3  }
0xe: {  	s10 =	sshrl.u32 s26, $0x3;
	[dreg:$0x8] =	wrdreg s7;
	s7 =	sadd.s32 s4, s19  }
0xf: {  	s23 =	sshrl.u32 s22, $0x3;
	s10 =	sadd.s32 s4, s10;
	[dreg:$0x9] =	wrdreg s7  }
0x10: {  	s19 =	sshrl.u32 s18, $0x3;
	s7 =	sadd.s32 s4, s21;
	[dreg:$0xd] =	wrdreg s10  }
0x11: {  	s10 =	sor.u32 s9, s17;
	s21 =	sor.u32 $0x50000, s8;
	s17 =	rddreg [dreg:$0x3]  }
0x12: {  	[dreg:$0xa] =	wrdreg s7;
	s7 =	sadd.s32 s4, s23;
	s10 =	sshrl.u32 s10, $0x3  }
0x13: {  	s22 =	sor.u32 s6, s21;
	[dreg:$0xb] =	wrdreg s7;
	s7 =	sor.u32 s9, s25  }
0x14: {  	s23 =	sor.u32 $0x60000, s8;
	s20 =	sadd.s32 s4, s10;
	s7 =	sshrl.u32 s7, $0x3  }
0x15: {  	s8 =	sor.u32 $0x70000, s8;
	[dreg:$0x12] =	wrdreg s20;
	s7 =	sadd.s32 s4, s7  }
0x16: {  	s10 =	sshrl.u32 s22, $0x3;
	[dreg:$0xe] =	wrdreg s7;
	s7 =	sadd.s32 s4, s15  }
0x17: {  	s24 =	sor.u32 s6, s23;
	[dreg:$0xf] =	wrdreg s7;
	s7 =	sshrl.u32 s16, $0x3  }
0x18: {  	s25 =	sshrl.u32 s24, $0x3;
	s24 =	rddreg [dreg:$0x4];
	s7 =	sadd.s32 s4, s7  }
0x19: {  	s26 =	sor.u32 s9, s23;
	[dreg:$0x10] =	wrdreg s7;
	s7 =	sadd.s32 s4, s19  }
0x1a: {  	s10 =	sadd.s32 s4, s10;
	[dreg:$0x11] =	wrdreg s7;
	s7 =	sor.u32 s9, s21  }
0x1b: {  	[dreg:$0x13] =	wrdreg s10;
	s19 =	simm.s32 $0x0;
	s7 =	sshrl.u32 s7, $0x3  }
0x1c: {  	s28 =	sor.u32 s6, s8;
	[smem:$0x7FF] =	sst s19;
	s7 =	sadd.s32 s4, s7  }
0x1d: {  	s8 =	sor.u32 s9, s8;
	[dreg:$0x14] =	wrdreg s7;
	s7 =	sadd.s32 s4, s25  }
0x1e: {  	s11 =	sshrl.u32 s28, $0x3;
	[dreg:$0x15] =	wrdreg s7;
	s7 =	sshrl.u32 s26, $0x3  }
0x1f: {  	s8 =	sshrl.u32 s8, $0x3;
	s26 =	rddreg [dreg:$0x5];
	s7 =	sadd.s32 s4, s7  }
0x20: {  	s15 =	sshll.u32 s13, $0xF;
	[dreg:$0x16] =	wrdreg s7;
	s7 =	sadd.s32 s4, s11  }
0x21: {  	s16 =	sor.u32 s6, s15;
	s4 =	sadd.s32 s4, s8;
	[dreg:$0x17] =	wrdreg s7  }
0x22: {  	[dreg:$0x18] =	wrdreg s4;
	s4 =	sadd.s32 s12, s5;
	s5 =	sshrl.u32 s16, $0x3  }
0x23: {  	[dreg:$0x19] =	wrdreg s4;
	s4 =	sor.u32 s15, s9;
	s18 =	sadd.s32 s2, s5  }
0x24: {  	s5 =	sadd.s32 s17, s5;
	s4 =	sshrl.u32 s4, $0x3;
	[dreg:$0x1a] =	wrdreg s18  }
0x25: {  	s3 =	sshll.u32 s3, $0x8;
	[dreg:$0x1c] =	wrdreg s5;
	s20 =	sadd.s32 s2, s4  }
0x26: {  	s2 =	sadd.s32 s3, s2;
	s4 =	sadd.s32 s17, s4;
	[dreg:$0x1b] =	wrdreg s20  }
0x27: {  	s3 =	sadd.s32 s3, s17;
	[dreg:$0x1d] =	wrdreg s4;
	s23 =	sadd.s32 $0xF000, s2  }
0x28: {  	s2 =	sadd.s32 $0xF080, s2;
	_ =	strace $0x80000047;
	[dreg:$0x1f] =	wrdreg s23  }
0x29: {  	s25 =	sadd.s32 $0xF000, s3;
	[smem:$0x7E4] =	sst s2  }
0x2a: {  	s22 =	sshll.u32 s13, $0x7;
	s28 =	sadd.s32 $0xF080, s3;
	[smem:$0x7E5] =	sst s25  }
0x2b: {  	s1 =	smax.u32 s1, $0x1;
	s0 =	sadd.s32 s0, s22;
	[smem:$0x7E6] =	sst s28  }
0x2c: {  	s3 =	sadd.s32 $0x10, s0;
	[smem:$0x7E7] =	sst s1  }
0x2d: {  	s4 =	sadd.s32 $0x20, s0;
	[smem:$0x7E8] =	sst s3  }
0x2e: {  	s5 =	sadd.s32 $0x30, s0;
	[smem:$0x7E9] =	sst s4  }
0x2f: {  	s6 =	sadd.s32 $0x40, s0;
	[smem:$0x7EA] =	sst s5  }
0x30: {  	s7 =	sadd.s32 $0x50, s0;
	[smem:$0x7EB] =	sst s6  }
0x31: {  	s8 =	sadd.s32 $0x60, s0;
	[smem:$0x7EC] =	sst s7  }
0x32: {  	[smem:$0x7ED] =	sst s8  }
0x33: {  	s9 =	sadd.s32 $0x400, s14;
	[dreg:$0x1e] =	wrdreg s0  }
0x34: {  	s10 =	sadd.s32 $0x800, s14;
	[smem:$0x7EF] =	sst s9  }
0x35: {  	s11 =	sadd.s32 $0xC00, s14;
	[smem:$0x7F0] =	sst s10  }
0x36: {  	p0 =	seq.s32 s13, $0xF;
	s12 =	sadd.s32 $0x1000, s14;
	[smem:$0x7F1] =	sst s11  }
0x37: {  	s21 =	sshll.u32 s13, $0xD;
	s13 =	sadd.s32 $0x1400, s14;
	[smem:$0x7F2] =	sst s12  }
0x38: {  	s15 =	sadd.s32 $0x1800, s14;
	[smem:$0x7F3] =	sst s13  }
0x39: {  	s16 =	sadd.s32 $0x1C00, s14;
	[smem:$0x7F4] =	sst s15  }
0x3a: {  	s17 =	sadd.s32 $0x2000, s14;
	[smem:$0x7F5] =	sst s16  }
0x3b: {  	s31 =	simm.s32 $0x3;
	s18 =	sadd.s32 $0x2400, s14;
	[smem:$0x7F6] =	sst s17  }
0x3c: {  	s29 =	sadd.s32 s21, s24;
	s20 =	sadd.s32 $0x2800, s14;
	[smem:$0x7F7] =	sst s18  }
0x3d: {  	s30 =	sadd.s32 s21, s26;
	s21 =	sadd.s32 $0x2C00, s14;
	[smem:$0x7F8] =	sst s20  }
0x3e: {  	s22 =	sadd.s32 $0x3000, s14;
	s0 =	sadd.s32 $0x70, s0;
	[smem:$0x7F9] =	sst s21  }
0x3f: {  	[smem:$0x7FA] =	sst s22;
	s23 =	sadd.s32 $0x3400, s14;
	s25 =	sadd.s32 $0x3800, s14  }
0x40: {  	[dreg:$0xc] =	wrdreg s14;
	s28 =	sadd.s32 $0x3C00, s14;
	s1 =	simm.s32 $0x400  }
0x41: {  	s2 =	simm.s32 $0x1000;
	s3 =	simm.s32 $0xC000;
	s4 =	simm.s32 $0x4000  }
0x42: {  	s6 =	simm.s32 $0x10000;
	s7 =	simm.s32 $0x14000;
	s8 =	simm.s32 $0x5  }
0x43: {  	s14 =	simm.s32 $0x18280;
	s15 =	simm.s32 $0x18300;
	[smem:$0x7EE] =	sst s0  }
0x44: {  	s16 =	simm.s32 $0x18380;
	s17 =	simm.s32 $0x18400;
	[smem:$0x7FB] =	sst s23  }
0x45: {  	s18 =	simm.s32 $0x4;
	s20 =	simm.s32 $0x8000;
	[smem:$0x7FC] =	sst s25  }
0x46: {  	s21 =	simm.s32 $0x1;
	s22 =	simm.s32 $0x18C00;
	[smem:$0x7FD] =	sst s28  }
0x47: {  	v0 =	vimm.f32 $0.0e+00;
	v1 =	vimm.f32 $1.000000000e+00;
	s23 =	simm.s32 $0x2;
	s25 =	simm.s32 $0x80;
	s0 =	simm.s32 $0x0  }
.LBB2_1:
0x48: {  	s5 =	rddreg [dreg:$0x8]  }
0x49: {  	[tilespmem:s19], [sflag:$0x1] =	stream.strided.gather [hbm4b:s5+s1], $0x4000, s2, s1, $0x38;
	[tilespmem:$0x1D080] =	vst v63  }
0x4a: {  	s12 =	rddreg [dreg:$0x9]  }
0x4b: {  	[tilespmem:s3], [sflag:$0x2] =	stream.strided.gather [hbm4b:s12+s1], $0x4000, s2, s1, $0x38;
	[tilespmem:$0x1D080] =	vst v63  }
0x4c: {  	s13 =	rddreg [dreg:$0xa]  }
0x4d: {  	[tilespmem:s4], [sflag:$0x1] =	stream.strided.gather [hbm4b:s13+s1], $0x4000, s2, s1, $0x38;
	[tilespmem:$0x1D080] =	vst v63  }
0x4e: {  	s28 =	rddreg [dreg:$0xb];
	s9 =	simm.s32 $0x200;
	s5 =	simm.s32 $0x0  }
0x4f: {  	[tilespmem:s6], [sflag:$0x2] =	stream.strided.gather [hbm4b:s28+s1], $0x4000, s2, s1, $0x38;
	[tilespmem:$0x1D080] =	vst v63  }
.LBB2_2:
0x50: {  	p1 =	sne.s32 s9, $0x7E00;
	[tilespmem:s5+$0x14070] =	vst v0  }
0x51: {  	[tilespmem:s5+$0x14000] =	vst v0  }
0x52: {  	[tilespmem:s5+$0x14010] =	vst v0  }
.Ltmp0:
0x53: {  	[tilespmem:s5+$0x14020] =	vst v0;
	(pc) =	sbr.rel @p1 .LBB2_2-.Ltmp0, $4  }
0x54: {  	[tilespmem:s5+$0x14030] =	vst v0  }
0x55: {  	[tilespmem:s5+$0x14040] =	vst v0  }
0x56: {  	[tilespmem:s5+$0x14050] =	vst v0  }
0x57: {  	[tilespmem:s5+$0x14060] =	vst v0;
	s5 =	sshra.s32 s9, $0x2;
	s9 =	sadd.s32 $0x200, s9  }
0x58: {  	[tilespmem:s5+$0x14070] =	vst v0  }
0x59: {  	[tilespmem:s5+$0x14000] =	vst v0  }
0x5a: {  	[tilespmem:s5+$0x14010] =	vst v0  }
0x5b: {  	[tilespmem:s5+$0x14020] =	vst v0  }
0x5c: {  	[tilespmem:s5+$0x14030] =	vst v0  }
0x5d: {  	[tilespmem:s5+$0x14040] =	vst v0  }
0x5e: {  	[tilespmem:s5+$0x14050] =	vst v0  }
0x5f: {  	[tilespmem:s5+$0x14060] =	vst v0;
	s5 =	simm.s32 $0x40;
	s9 =	simm.s32 $0x0  }
.LBB2_4:
0x60: {  	p1 =	sne.s32 s5, $0xFC0;
	[tilespmem:s9+$0x18400] =	vst v0;
	s9 =	smov.u32 s5;
	s5 =	sadd.s32 $0x40, s5  }
.Ltmp1:
0x61: {  	(pc) =	sbr.rel @p1 .LBB2_4-.Ltmp1, $2  }
0x62: {  	_ =	sdelay $0x2  }
0x63: {  	s9 =	sshra.s32 s9, $0x2  }
0x64: {  	[tilespmem:s9+$0x18400] =	vst v0  }
0x65: {  	[spmem:s29] =	stream.linear.scatter [tilespmem:s7], [sflag:$0x5], $0x2000, $0x38;
	[tilespmem:$0x1D080] =	vst v63  }
0x66: {  	_ =	swait.ge [sflag:s8], $0x2000  }
0x67: {  	[sflag:s8] =	ssyncset.done $0x0  }
0x68: {  	[sflag:s8] =	ssyncadd.s32 $0xFFFFE000  }
0x69: {  	[spmem:s30] =	stream.linear.scatter [tilespmem:s7], [sflag:$0x5], $0x2000, $0x38;
	[tilespmem:$0x1D080] =	vst v63  }
0x6a: {  	_ =	swait.ge [sflag:s8], $0x2000  }
0x6b: {  	[sflag:s8] =	ssyncset.done $0x0  }
0x6c: {  	s9 =	simm.s32 $0x18000;
	s5 =	rddreg [dreg:$0x1e];
	[sflag:s8] =	ssyncadd.s32 $0xFFFFE000  }
0x6d: {  	[tilespmem:s9], [sflag:$0x5] =	stream.linear.gather [hbm4b:s5+s19], $0x80, $0x38;
	[tilespmem:$0x1D080] =	vst v63  }
0x6e: {  	_ =	swait.ge [sflag:s8], $0x80  }
0x6f: {  	s11 =	sld [smem:$0x7E8]  }
0x70: {  	[sflag:s8] =	ssyncset.done $0x0  }
0x71: {  	s10 =	simm.s32 $0x18080;
	[sflag:s8] =	ssyncadd.s32 $0xFFFFFF80  }
0x72: {  	[tilespmem:s10], [sflag:$0x5] =	stream.linear.gather [hbm4b:s11+s19], $0x80, $0x38;
	[tilespmem:$0x1D080] =	vst v63  }
0x73: {  	_ =	swait.ge [sflag:s8], $0x80  }
0x74: {  	s12 =	sld [smem:$0x7E9]  }
0x75: {  	[sflag:s8] =	ssyncset.done $0x0  }
0x76: {  	s11 =	simm.s32 $0x18100;
	[sflag:s8] =	ssyncadd.s32 $0xFFFFFF80  }
0x77: {  	[tilespmem:s11], [sflag:$0x5] =	stream.linear.gather [hbm4b:s12+s19], $0x80, $0x38;
	[tilespmem:$0x1D080] =	vst v63  }
0x78: {  	_ =	swait.ge [sflag:s8], $0x80  }
0x79: {  	s13 =	sld [smem:$0x7EA]  }
0x7a: {  	[sflag:s8] =	ssyncset.done $0x0  }
0x7b: {  	s12 =	simm.s32 $0x18180;
	[sflag:s8] =	ssyncadd.s32 $0xFFFFFF80  }
0x7c: {  	[tilespmem:s12], [sflag:$0x5] =	stream.linear.gather [hbm4b:s13+s19], $0x80, $0x38;
	[tilespmem:$0x1D080] =	vst v63  }
0x7d: {  	_ =	swait.ge [sflag:s8], $0x80  }
0x7e: {  	s5 =	sld [smem:$0x7EB]  }
0x7f: {  	[sflag:s8] =	ssyncset.done $0x0  }
0x80: {  	s13 =	simm.s32 $0x18200;
	[sflag:s8] =	ssyncadd.s32 $0xFFFFFF80  }
0x81: {  	[tilespmem:s13], [sflag:$0x5] =	stream.linear.gather [hbm4b:s5+s19], $0x80, $0x38;
	[tilespmem:$0x1D080] =	vst v63  }
0x82: {  	_ =	swait.ge [sflag:s8], $0x80  }
0x83: {  	s5 =	sld [smem:$0x7EC]  }
0x84: {  	[sflag:s8] =	ssyncset.done $0x0  }
0x85: {  	[sflag:s8] =	ssyncadd.s32 $0xFFFFFF80  }
0x86: {  	[tilespmem:s14], [sflag:$0x5] =	stream.linear.gather [hbm4b:s5+s19], $0x80, $0x38;
	[tilespmem:$0x1D080] =	vst v63  }
0x87: {  	_ =	swait.ge [sflag:s8], $0x80  }
0x88: {  	s5 =	sld [smem:$0x7ED]  }
0x89: {  	[sflag:s8] =	ssyncset.done $0x0  }
0x8a: {  	[sflag:s8] =	ssyncadd.s32 $0xFFFFFF80  }
0x8b: {  	[tilespmem:s15], [sflag:$0x5] =	stream.linear.gather [hbm4b:s5+s19], $0x80, $0x38;
	[tilespmem:$0x1D080] =	vst v63  }
0x8c: {  	_ =	swait.ge [sflag:s8], $0x80  }
0x8d: {  	s5 =	sld [smem:$0x7EE]  }
0x8e: {  	[sflag:s8] =	ssyncset.done $0x0  }
0x8f: {  	[sflag:s8] =	ssyncadd.s32 $0xFFFFFF80  }
0x90: {  	[tilespmem:s16], [sflag:$0x5] =	stream.linear.gather [hbm4b:s5+s19], $0x80, $0x38;
	[tilespmem:$0x1D080] =	vst v63  }
0x91: {  	_ =	swait.ge [sflag:s8], $0x80  }
0x92: {  	[sflag:s8] =	ssyncset.done $0x0  }
0x93: {  	[sflag:s8] =	ssyncadd.s32 $0xFFFFFF80  }
0x94: {  	v2 =	vld [tilespmem:$0x18000];
	_ =	sdelay $0x7  }
0x95: {  	[tilespmem:v2+s17+$0x0] =	vst.idx.add.f32.msk $0xffff, v1  }
0x96: {  	v2 =	vld [tilespmem:$0x18010];
	_ =	sdelay $0x7  }
0x97: {  	[tilespmem:v2+s17+$0x0] =	vst.idx.add.f32.msk $0xffff, v1  }
0x98: {  	v2 =	vld [tilespmem:$0x18020];
	_ =	sdelay $0x7  }
0x99: {  	[tilespmem:v2+s17+$0x0] =	vst.idx.add.f32.msk $0xffff, v1  }
0x9a: {  	v2 =	vld [tilespmem:$0x18030];
	_ =	sdelay $0x7  }
0x9b: {  	[tilespmem:v2+s17+$0x0] =	vst.idx.add.f32.msk $0xffff, v1  }
0x9c: {  	v2 =	vld [tilespmem:$0x18040];
	_ =	sdelay $0x7  }
0x9d: {  	[tilespmem:v2+s17+$0x0] =	vst.idx.add.f32.msk $0xffff, v1  }
0x9e: {  	v2 =	vld [tilespmem:$0x18050];
	_ =	sdelay $0x7  }
0x9f: {  	[tilespmem:v2+s17+$0x0] =	vst.idx.add.f32.msk $0xffff, v1  }
0xa0: {  	v2 =	vld [tilespmem:$0x18060];
	_ =	sdelay $0x7  }
0xa1: {  	[tilespmem:v2+s17+$0x0] =	vst.idx.add.f32.msk $0xffff, v1  }
0xa2: {  	v2 =	vld [tilespmem:$0x18070];
	_ =	sdelay $0x7  }
0xa3: {  	[tilespmem:v2+s17+$0x0] =	vst.idx.add.f32.msk $0xffff, v1  }
0xa4: {  	v2 =	vld [tilespmem:$0x18080];
	_ =	sdelay $0x7  }
0xa5: {  	[tilespmem:v2+s17+$0x0] =	vst.idx.add.f32.msk $0xffff, v1  }
0xa6: {  	v2 =	vld [tilespmem:$0x18090];
	_ =	sdelay $0x7  }
0xa7: {  	[tilespmem:v2+s17+$0x0] =	vst.idx.add.f32.msk $0xffff, v1  }
0xa8: {  	v2 =	vld [tilespmem:$0x180A0];
	_ =	sdelay $0x7  }
0xa9: {  	[tilespmem:v2+s17+$0x0] =	vst.idx.add.f32.msk $0xffff, v1  }
0xaa: {  	v2 =	vld [tilespmem:$0x180B0];
	_ =	sdelay $0x7  }
0xab: {  	[tilespmem:v2+s17+$0x0] =	vst.idx.add.f32.msk $0xffff, v1  }
0xac: {  	v2 =	vld [tilespmem:$0x180C0];
	_ =	sdelay $0x7  }
0xad: {  	[tilespmem:v2+s17+$0x0] =	vst.idx.add.f32.msk $0xffff, v1  }
0xae: {  	v2 =	vld [tilespmem:$0x180D0];
	_ =	sdelay $0x7  }
0xaf: {  	[tilespmem:v2+s17+$0x0] =	vst.idx.add.f32.msk $0xffff, v1  }
0xb0: {  	v2 =	vld [tilespmem:$0x180E0];
	_ =	sdelay $0x7  }
0xb1: {  	[tilespmem:v2+s17+$0x0] =	vst.idx.add.f32.msk $0xffff, v1  }
0xb2: {  	v2 =	vld [tilespmem:$0x180F0];
	_ =	sdelay $0x7  }
0xb3: {  	[tilespmem:v2+s17+$0x0] =	vst.idx.add.f32.msk $0xffff, v1  }
0xb4: {  	v2 =	vld [tilespmem:$0x18100];
	_ =	sdelay $0x7  }
0xb5: {  	[tilespmem:v2+s17+$0x0] =	vst.idx.add.f32.msk $0xffff, v1  }
0xb6: {  	v2 =	vld [tilespmem:$0x18110];
	_ =	sdelay $0x7  }
0xb7: {  	[tilespmem:v2+s17+$0x0] =	vst.idx.add.f32.msk $0xffff, v1  }
0xb8: {  	v2 =	vld [tilespmem:$0x18120];
	_ =	sdelay $0x7  }
0xb9: {  	[tilespmem:v2+s17+$0x0] =	vst.idx.add.f32.msk $0xffff, v1  }
0xba: {  	v2 =	vld [tilespmem:$0x18130];
	_ =	sdelay $0x7  }
0xbb: {  	[tilespmem:v2+s17+$0x0] =	vst.idx.add.f32.msk $0xffff, v1  }
0xbc: {  	v2 =	vld [tilespmem:$0x18140];
	_ =	sdelay $0x7  }
0xbd: {  	[tilespmem:v2+s17+$0x0] =	vst.idx.add.f32.msk $0xffff, v1  }
0xbe: {  	v2 =	vld [tilespmem:$0x18150];
	_ =	sdelay $0x7  }
0xbf: {  	[tilespmem:v2+s17+$0x0] =	vst.idx.add.f32.msk $0xffff, v1  }
0xc0: {  	v2 =	vld [tilespmem:$0x18160];
	_ =	sdelay $0x7  }
0xc1: {  	[tilespmem:v2+s17+$0x0] =	vst.idx.add.f32.msk $0xffff, v1  }
0xc2: {  	v2 =	vld [tilespmem:$0x18170];
	_ =	sdelay $0x7  }
0xc3: {  	[tilespmem:v2+s17+$0x0] =	vst.idx.add.f32.msk $0xffff, v1  }
0xc4: {  	v2 =	vld [tilespmem:$0x18180];
	_ =	sdelay $0x7  }
0xc5: {  	[tilespmem:v2+s17+$0x0] =	vst.idx.add.f32.msk $0xffff, v1  }
0xc6: {  	v2 =	vld [tilespmem:$0x18190];
	_ =	sdelay $0x7  }
0xc7: {  	[tilespmem:v2+s17+$0x0] =	vst.idx.add.f32.msk $0xffff, v1  }
0xc8: {  	v2 =	vld [tilespmem:$0x181A0];
	_ =	sdelay $0x7  }
0xc9: {  	[tilespmem:v2+s17+$0x0] =	vst.idx.add.f32.msk $0xffff, v1  }
0xca: {  	v2 =	vld [tilespmem:$0x181B0];
	_ =	sdelay $0x7  }
0xcb: {  	[tilespmem:v2+s17+$0x0] =	vst.idx.add.f32.msk $0xffff, v1  }
0xcc: {  	v2 =	vld [tilespmem:$0x181C0];
	_ =	sdelay $0x7  }
0xcd: {  	[tilespmem:v2+s17+$0x0] =	vst.idx.add.f32.msk $0xffff, v1  }
0xce: {  	v2 =	vld [tilespmem:$0x181D0];
	_ =	sdelay $0x7  }
0xcf: {  	[tilespmem:v2+s17+$0x0] =	vst.idx.add.f32.msk $0xffff, v1  }
0xd0: {  	v2 =	vld [tilespmem:$0x181E0];
	_ =	sdelay $0x7  }
0xd1: {  	[tilespmem:v2+s17+$0x0] =	vst.idx.add.f32.msk $0xffff, v1  }
0xd2: {  	v2 =	vld [tilespmem:$0x181F0];
	_ =	sdelay $0x7  }
0xd3: {  	[tilespmem:v2+s17+$0x0] =	vst.idx.add.f32.msk $0xffff, v1  }
0xd4: {  	v2 =	vld [tilespmem:$0x18200];
	_ =	sdelay $0x7  }
0xd5: {  	[tilespmem:v2+s17+$0x0] =	vst.idx.add.f32.msk $0xffff, v1  }
0xd6: {  	v2 =	vld [tilespmem:$0x18210];
	_ =	sdelay $0x7  }
0xd7: {  	[tilespmem:v2+s17+$0x0] =	vst.idx.add.f32.msk $0xffff, v1  }
0xd8: {  	v2 =	vld [tilespmem:$0x18220];
	_ =	sdelay $0x7  }
0xd9: {  	[tilespmem:v2+s17+$0x0] =	vst.idx.add.f32.msk $0xffff, v1  }
0xda: {  	v2 =	vld [tilespmem:$0x18230];
	_ =	sdelay $0x7  }
0xdb: {  	[tilespmem:v2+s17+$0x0] =	vst.idx.add.f32.msk $0xffff, v1  }
0xdc: {  	v2 =	vld [tilespmem:$0x18240];
	_ =	sdelay $0x7  }
0xdd: {  	[tilespmem:v2+s17+$0x0] =	vst.idx.add.f32.msk $0xffff, v1  }
0xde: {  	v2 =	vld [tilespmem:$0x18250];
	_ =	sdelay $0x7  }
0xdf: {  	[tilespmem:v2+s17+$0x0] =	vst.idx.add.f32.msk $0xffff, v1  }
0xe0: {  	v2 =	vld [tilespmem:$0x18260];
	_ =	sdelay $0x7  }
0xe1: {  	[tilespmem:v2+s17+$0x0] =	vst.idx.add.f32.msk $0xffff, v1  }
0xe2: {  	v2 =	vld [tilespmem:$0x18270];
	_ =	sdelay $0x7  }
0xe3: {  	[tilespmem:v2+s17+$0x0] =	vst.idx.add.f32.msk $0xffff, v1  }
0xe4: {  	v2 =	vld [tilespmem:$0x18280];
	_ =	sdelay $0x7  }
0xe5: {  	[tilespmem:v2+s17+$0x0] =	vst.idx.add.f32.msk $0xffff, v1  }
0xe6: {  	v2 =	vld [tilespmem:$0x18290];
	_ =	sdelay $0x7  }
0xe7: {  	[tilespmem:v2+s17+$0x0] =	vst.idx.add.f32.msk $0xffff, v1  }
0xe8: {  	v2 =	vld [tilespmem:$0x182A0];
	_ =	sdelay $0x7  }
0xe9: {  	[tilespmem:v2+s17+$0x0] =	vst.idx.add.f32.msk $0xffff, v1  }
0xea: {  	v2 =	vld [tilespmem:$0x182B0];
	_ =	sdelay $0x7  }
0xeb: {  	[tilespmem:v2+s17+$0x0] =	vst.idx.add.f32.msk $0xffff, v1  }
0xec: {  	v2 =	vld [tilespmem:$0x182C0];
	_ =	sdelay $0x7  }
0xed: {  	[tilespmem:v2+s17+$0x0] =	vst.idx.add.f32.msk $0xffff, v1  }
0xee: {  	v2 =	vld [tilespmem:$0x182D0];
	_ =	sdelay $0x7  }
0xef: {  	[tilespmem:v2+s17+$0x0] =	vst.idx.add.f32.msk $0xffff, v1  }
0xf0: {  	v2 =	vld [tilespmem:$0x182E0];
	_ =	sdelay $0x7  }
0xf1: {  	[tilespmem:v2+s17+$0x0] =	vst.idx.add.f32.msk $0xffff, v1  }
0xf2: {  	v2 =	vld [tilespmem:$0x182F0];
	_ =	sdelay $0x7  }
0xf3: {  	[tilespmem:v2+s17+$0x0] =	vst.idx.add.f32.msk $0xffff, v1  }
0xf4: {  	v2 =	vld [tilespmem:$0x18300];
	_ =	sdelay $0x7  }
0xf5: {  	[tilespmem:v2+s17+$0x0] =	vst.idx.add.f32.msk $0xffff, v1  }
0xf6: {  	v2 =	vld [tilespmem:$0x18310];
	_ =	sdelay $0x7  }
0xf7: {  	[tilespmem:v2+s17+$0x0] =	vst.idx.add.f32.msk $0xffff, v1  }
0xf8: {  	v2 =	vld [tilespmem:$0x18320];
	_ =	sdelay $0x7  }
0xf9: {  	[tilespmem:v2+s17+$0x0] =	vst.idx.add.f32.msk $0xffff, v1  }
0xfa: {  	v2 =	vld [tilespmem:$0x18330];
	_ =	sdelay $0x7  }
0xfb: {  	[tilespmem:v2+s17+$0x0] =	vst.idx.add.f32.msk $0xffff, v1  }
0xfc: {  	v2 =	vld [tilespmem:$0x18340];
	_ =	sdelay $0x7  }
0xfd: {  	[tilespmem:v2+s17+$0x0] =	vst.idx.add.f32.msk $0xffff, v1  }
0xfe: {  	v2 =	vld [tilespmem:$0x18350];
	_ =	sdelay $0x7  }
0xff: {  	[tilespmem:v2+s17+$0x0] =	vst.idx.add.f32.msk $0xffff, v1  }
0x100: {  	v2 =	vld [tilespmem:$0x18360];
	_ =	sdelay $0x7  }
0x101: {  	[tilespmem:v2+s17+$0x0] =	vst.idx.add.f32.msk $0xffff, v1  }
0x102: {  	v2 =	vld [tilespmem:$0x18370];
	_ =	sdelay $0x7  }
0x103: {  	[tilespmem:v2+s17+$0x0] =	vst.idx.add.f32.msk $0xffff, v1  }
0x104: {  	v2 =	vld [tilespmem:$0x18380];
	_ =	sdelay $0x7  }
0x105: {  	[tilespmem:v2+s17+$0x0] =	vst.idx.add.f32.msk $0xffff, v1  }
0x106: {  	v2 =	vld [tilespmem:$0x18390];
	_ =	sdelay $0x7  }
0x107: {  	[tilespmem:v2+s17+$0x0] =	vst.idx.add.f32.msk $0xffff, v1  }
0x108: {  	v2 =	vld [tilespmem:$0x183A0];
	_ =	sdelay $0x7  }
0x109: {  	[tilespmem:v2+s17+$0x0] =	vst.idx.add.f32.msk $0xffff, v1  }
0x10a: {  	v2 =	vld [tilespmem:$0x183B0];
	_ =	sdelay $0x7  }
0x10b: {  	[tilespmem:v2+s17+$0x0] =	vst.idx.add.f32.msk $0xffff, v1  }
0x10c: {  	v2 =	vld [tilespmem:$0x183C0];
	_ =	sdelay $0x7  }
0x10d: {  	[tilespmem:v2+s17+$0x0] =	vst.idx.add.f32.msk $0xffff, v1  }
0x10e: {  	v2 =	vld [tilespmem:$0x183D0];
	_ =	sdelay $0x7  }
0x10f: {  	[tilespmem:v2+s17+$0x0] =	vst.idx.add.f32.msk $0xffff, v1  }
0x110: {  	v2 =	vld [tilespmem:$0x183E0];
	_ =	sdelay $0x7  }
0x111: {  	[tilespmem:v2+s17+$0x0] =	vst.idx.add.f32.msk $0xffff, v1  }
0x112: {  	v2 =	vld [tilespmem:$0x183F0];
	_ =	sdelay $0x7  }
0x113: {  	s5 =	rddreg [dreg:$0xc];
	[tilespmem:v2+s17+$0x0] =	vst.idx.add.f32.msk $0xffff, v1  }
0x114: {  	[spmem:s5] =	stream.linear.scatter [tilespmem:s17], [sflag:$0x4], $0x40, $0x38;
	[tilespmem:$0x1D080] =	vst v63  }
0x115: {  	s5 =	sld [smem:$0x7EF];
	_ =	sdelay $0x1  }
0x116: {  	s28 =	simm.s32 $0x18440  }
0x117: {  	[spmem:s5] =	stream.linear.scatter [tilespmem:s28], [sflag:$0x4], $0x40, $0x38;
	[tilespmem:$0x1D080] =	vst v63  }
0x118: {  	s5 =	sld [smem:$0x7F0];
	_ =	sdelay $0x1  }
0x119: {  	s28 =	simm.s32 $0x18480  }
0x11a: {  	[spmem:s5] =	stream.linear.scatter [tilespmem:s28], [sflag:$0x4], $0x40, $0x38;
	[tilespmem:$0x1D080] =	vst v63  }
0x11b: {  	s5 =	sld [smem:$0x7F1];
	_ =	sdelay $0x1  }
0x11c: {  	s28 =	simm.s32 $0x184C0  }
0x11d: {  	[spmem:s5] =	stream.linear.scatter [tilespmem:s28], [sflag:$0x4], $0x40, $0x38;
	[tilespmem:$0x1D080] =	vst v63  }
0x11e: {  	s5 =	sld [smem:$0x7F2];
	_ =	sdelay $0x1  }
0x11f: {  	s28 =	simm.s32 $0x18500  }
0x120: {  	[spmem:s5] =	stream.linear.scatter [tilespmem:s28], [sflag:$0x4], $0x40, $0x38;
	[tilespmem:$0x1D080] =	vst v63  }
0x121: {  	s5 =	sld [smem:$0x7F3];
	_ =	sdelay $0x1  }
0x122: {  	s28 =	simm.s32 $0x18540  }
0x123: {  	[spmem:s5] =	stream.linear.scatter [tilespmem:s28], [sflag:$0x4], $0x40, $0x38;
	[tilespmem:$0x1D080] =	vst v63  }
0x124: {  	s5 =	sld [smem:$0x7F4];
	_ =	sdelay $0x1  }
0x125: {  	s28 =	simm.s32 $0x18580  }
0x126: {  	[spmem:s5] =	stream.linear.scatter [tilespmem:s28], [sflag:$0x4], $0x40, $0x38;
	[tilespmem:$0x1D080] =	vst v63  }
0x127: {  	s5 =	sld [smem:$0x7F5];
	_ =	sdelay $0x1  }
0x128: {  	s28 =	simm.s32 $0x185C0  }
0x129: {  	[spmem:s5] =	stream.linear.scatter [tilespmem:s28], [sflag:$0x4], $0x40, $0x38;
	[tilespmem:$0x1D080] =	vst v63  }
0x12a: {  	s5 =	sld [smem:$0x7F6];
	_ =	sdelay $0x1  }
0x12b: {  	s28 =	simm.s32 $0x18600  }
0x12c: {  	[spmem:s5] =	stream.linear.scatter [tilespmem:s28], [sflag:$0x4], $0x40, $0x38;
	[tilespmem:$0x1D080] =	vst v63  }
0x12d: {  	s5 =	sld [smem:$0x7F7];
	_ =	sdelay $0x1  }
0x12e: {  	s28 =	simm.s32 $0x18640  }
0x12f: {  	[spmem:s5] =	stream.linear.scatter [tilespmem:s28], [sflag:$0x4], $0x40, $0x38;
	[tilespmem:$0x1D080] =	vst v63  }
0x130: {  	s5 =	sld [smem:$0x7F8];
	_ =	sdelay $0x1  }
0x131: {  	s28 =	simm.s32 $0x18680  }
0x132: {  	[spmem:s5] =	stream.linear.scatter [tilespmem:s28], [sflag:$0x4], $0x40, $0x38;
	[tilespmem:$0x1D080] =	vst v63  }
0x133: {  	s5 =	sld [smem:$0x7F9];
	_ =	sdelay $0x1  }
0x134: {  	s28 =	simm.s32 $0x186C0  }
0x135: {  	[spmem:s5] =	stream.linear.scatter [tilespmem:s28], [sflag:$0x4], $0x40, $0x38;
	[tilespmem:$0x1D080] =	vst v63  }
0x136: {  	s5 =	sld [smem:$0x7FA];
	_ =	sdelay $0x1  }
0x137: {  	s28 =	simm.s32 $0x18700  }
0x138: {  	[spmem:s5] =	stream.linear.scatter [tilespmem:s28], [sflag:$0x4], $0x40, $0x38;
	[tilespmem:$0x1D080] =	vst v63  }
0x139: {  	s5 =	sld [smem:$0x7FB];
	_ =	sdelay $0x1  }
0x13a: {  	s28 =	simm.s32 $0x18740  }
0x13b: {  	[spmem:s5] =	stream.linear.scatter [tilespmem:s28], [sflag:$0x4], $0x40, $0x38;
	[tilespmem:$0x1D080] =	vst v63  }
0x13c: {  	s5 =	sld [smem:$0x7FC];
	_ =	sdelay $0x1  }
0x13d: {  	s28 =	simm.s32 $0x18780  }
0x13e: {  	[spmem:s5] =	stream.linear.scatter [tilespmem:s28], [sflag:$0x4], $0x40, $0x38;
	[tilespmem:$0x1D080] =	vst v63  }
0x13f: {  	s5 =	sld [smem:$0x7FD];
	_ =	sdelay $0x1  }
0x140: {  	s28 =	simm.s32 $0x187C0  }
0x141: {  	[spmem:s5] =	stream.linear.scatter [tilespmem:s28], [sflag:$0x4], $0x40, $0x38;
	[tilespmem:$0x1D080] =	vst v63  }
0x142: {  	_ =	swait.ge [sflag:s18], $0x40  }
0x143: {  	[sflag:s18] =	ssyncset.done $0x0  }
0x144: {  	[sflag:s18] =	ssyncadd.s32 $0xFFFFFFC0  }
0x145: {  	_ =	swait.ge [sflag:s18], $0x40  }
0x146: {  	[sflag:s18] =	ssyncset.done $0x0  }
0x147: {  	[sflag:s18] =	ssyncadd.s32 $0xFFFFFFC0  }
0x148: {  	_ =	swait.ge [sflag:s18], $0x40  }
0x149: {  	[sflag:s18] =	ssyncset.done $0x0  }
0x14a: {  	[sflag:s18] =	ssyncadd.s32 $0xFFFFFFC0  }
0x14b: {  	_ =	swait.ge [sflag:s18], $0x40  }
0x14c: {  	[sflag:s18] =	ssyncset.done $0x0  }
0x14d: {  	[sflag:s18] =	ssyncadd.s32 $0xFFFFFFC0  }
0x14e: {  	_ =	swait.ge [sflag:s18], $0x40  }
0x14f: {  	[sflag:s18] =	ssyncset.done $0x0  }
0x150: {  	[sflag:s18] =	ssyncadd.s32 $0xFFFFFFC0  }
0x151: {  	_ =	swait.ge [sflag:s18], $0x40  }
0x152: {  	[sflag:s18] =	ssyncset.done $0x0  }
0x153: {  	[sflag:s18] =	ssyncadd.s32 $0xFFFFFFC0  }
0x154: {  	_ =	swait.ge [sflag:s18], $0x40  }
0x155: {  	[sflag:s18] =	ssyncset.done $0x0  }
0x156: {  	[sflag:s18] =	ssyncadd.s32 $0xFFFFFFC0  }
0x157: {  	_ =	swait.ge [sflag:s18], $0x40  }
0x158: {  	[sflag:s18] =	ssyncset.done $0x0  }
0x159: {  	[sflag:s18] =	ssyncadd.s32 $0xFFFFFFC0  }
0x15a: {  	_ =	swait.ge [sflag:s18], $0x40  }
0x15b: {  	[sflag:s18] =	ssyncset.done $0x0  }
0x15c: {  	[sflag:s18] =	ssyncadd.s32 $0xFFFFFFC0  }
0x15d: {  	_ =	swait.ge [sflag:s18], $0x40  }
0x15e: {  	[sflag:s18] =	ssyncset.done $0x0  }
0x15f: {  	[sflag:s18] =	ssyncadd.s32 $0xFFFFFFC0  }
0x160: {  	_ =	swait.ge [sflag:s18], $0x40  }
0x161: {  	[sflag:s18] =	ssyncset.done $0x0  }
0x162: {  	[sflag:s18] =	ssyncadd.s32 $0xFFFFFFC0  }
0x163: {  	_ =	swait.ge [sflag:s18], $0x40  }
0x164: {  	[sflag:s18] =	ssyncset.done $0x0  }
0x165: {  	[sflag:s18] =	ssyncadd.s32 $0xFFFFFFC0  }
0x166: {  	_ =	swait.ge [sflag:s18], $0x40  }
0x167: {  	[sflag:s18] =	ssyncset.done $0x0  }
0x168: {  	[sflag:s18] =	ssyncadd.s32 $0xFFFFFFC0  }
0x169: {  	_ =	swait.ge [sflag:s18], $0x40  }
0x16a: {  	[sflag:s18] =	ssyncset.done $0x0  }
0x16b: {  	[sflag:s18] =	ssyncadd.s32 $0xFFFFFFC0  }
0x16c: {  	_ =	swait.ge [sflag:s18], $0x40  }
0x16d: {  	[sflag:s18] =	ssyncset.done $0x0  }
0x16e: {  	[sflag:s18] =	ssyncadd.s32 $0xFFFFFFC0  }
0x16f: {  	_ =	swait.ge [sflag:s18], $0x40  }
0x170: {  	[sflag:s18] =	ssyncset.done $0x0  }
0x171: {  	[sflag:s18] =	ssyncadd.s32 $0xFFFFFFC0  }
0x172: {  	[bflag:$0x0] =	sbarrier.arrive $0xFFFF  }
0x173: {  	s5 =	rddreg [dreg:$0xd]  }
0x174: {  	[tilespmem:s20], [sflag:$0x1] =	stream.strided.gather [hbm4b:s5+s1], $0x4000, s2, s1, $0x38;
	[tilespmem:$0x1D080] =	vst v63  }
0x175: {  	s5 =	rddreg [dreg:$0xe]  }
0x176: {  	[tilespmem:s7], [sflag:$0x2] =	stream.strided.gather [hbm4b:s5+s1], $0x4000, s2, s1, $0x38;
	[tilespmem:$0x1D080] =	vst v63  }
0x177: {  	_ =	swait.ge [sflag:s21], $0x4000  }
0x178: {  	[sflag:s21] =	ssyncset.done $0x0  }
0x179: {  	[sflag:s21] =	ssyncadd.s32 $0xFFFFC000  }
0x17a: {  	_ =	swait.ge [sflag:s23], $0x4000  }
0x17b: {  	[sflag:s23] =	ssyncset.done $0x0  }
0x17c: {  	[sflag:s23] =	ssyncadd.s32 $0xFFFFC000  }
0x17d: {  	[spmem:s24] =	stream.indirect.scatter.add.f32 [tilespmem:s19], [sflag:$0x3], $0x80, s9, s25, $0xb8;
	[tilespmem:$0x1D080] =	vst v63  }
0x17e: {  	_ = 	snop  }
0x17f: {  	[spmem:s26] =	stream.indirect.scatter.add.f32 [tilespmem:s3], [sflag:$0x3], $0x80, s9, s25, $0xb8;
	[tilespmem:$0x1D080] =	vst v63  }
0x180: {  	_ =	swait.ge [sflag:s31], $0x4000  }
0x181: {  	[sflag:s31] =	ssyncset.done $0x0  }
0x182: {  	[sflag:s31] =	ssyncadd.s32 $0xFFFFC000  }
0x183: {  	_ =	swait.ge [sflag:s31], $0x4000  }
0x184: {  	[sflag:s31] =	ssyncset.done $0x0  }
0x185: {  	s9 =	rddreg [dreg:$0xf];
	[sflag:s31] =	ssyncadd.s32 $0xFFFFC000  }
0x186: {  	[tilespmem:s19], [sflag:$0x1] =	stream.strided.gather [hbm4b:s9+s1], $0x4000, s2, s1, $0x38;
	[tilespmem:$0x1D080] =	vst v63  }
0x187: {  	s9 =	rddreg [dreg:$0x10]  }
0x188: {  	[tilespmem:s3], [sflag:$0x2] =	stream.strided.gather [hbm4b:s9+s1], $0x4000, s2, s1, $0x38;
	[tilespmem:$0x1D080] =	vst v63  }
0x189: {  	_ =	swait.ge [sflag:s21], $0x4000  }
0x18a: {  	[sflag:s21] =	ssyncset.done $0x0  }
0x18b: {  	[sflag:s21] =	ssyncadd.s32 $0xFFFFC000  }
0x18c: {  	_ =	swait.ge [sflag:s23], $0x4000  }
0x18d: {  	[sflag:s23] =	ssyncset.done $0x0  }
0x18e: {  	[sflag:s23] =	ssyncadd.s32 $0xFFFFC000  }
0x18f: {  	[spmem:s24] =	stream.indirect.scatter.add.f32 [tilespmem:s4], [sflag:$0x3], $0x80, s10, s25, $0xb8;
	[tilespmem:$0x1D080] =	vst v63  }
0x190: {  	_ = 	snop  }
0x191: {  	[spmem:s26] =	stream.indirect.scatter.add.f32 [tilespmem:s6], [sflag:$0x3], $0x80, s10, s25, $0xb8;
	[tilespmem:$0x1D080] =	vst v63  }
0x192: {  	_ =	swait.ge [sflag:s31], $0x4000  }
0x193: {  	[sflag:s31] =	ssyncset.done $0x0  }
0x194: {  	[sflag:s31] =	ssyncadd.s32 $0xFFFFC000  }
0x195: {  	_ =	swait.ge [sflag:s31], $0x4000  }
0x196: {  	[sflag:s31] =	ssyncset.done $0x0  }
0x197: {  	s10 =	rddreg [dreg:$0x11];
	[sflag:s31] =	ssyncadd.s32 $0xFFFFC000  }
0x198: {  	[tilespmem:s4], [sflag:$0x1] =	stream.strided.gather [hbm4b:s10+s1], $0x4000, s2, s1, $0x38;
	[tilespmem:$0x1D080] =	vst v63  }
0x199: {  	s9 =	rddreg [dreg:$0x12]  }
0x19a: {  	[tilespmem:s6], [sflag:$0x2] =	stream.strided.gather [hbm4b:s9+s1], $0x4000, s2, s1, $0x38;
	[tilespmem:$0x1D080] =	vst v63  }
0x19b: {  	_ =	swait.ge [sflag:s21], $0x4000  }
0x19c: {  	[sflag:s21] =	ssyncset.done $0x0  }
0x19d: {  	[sflag:s21] =	ssyncadd.s32 $0xFFFFC000  }
0x19e: {  	_ =	swait.ge [sflag:s23], $0x4000  }
0x19f: {  	[sflag:s23] =	ssyncset.done $0x0  }
0x1a0: {  	[sflag:s23] =	ssyncadd.s32 $0xFFFFC000  }
0x1a1: {  	[spmem:s24] =	stream.indirect.scatter.add.f32 [tilespmem:s20], [sflag:$0x3], $0x80, s11, s25, $0xb8;
	[tilespmem:$0x1D080] =	vst v63  }
0x1a2: {  	_ = 	snop  }
0x1a3: {  	[spmem:s26] =	stream.indirect.scatter.add.f32 [tilespmem:s7], [sflag:$0x3], $0x80, s11, s25, $0xb8;
	[tilespmem:$0x1D080] =	vst v63  }
0x1a4: {  	_ =	swait.ge [sflag:s31], $0x4000  }
0x1a5: {  	[sflag:s31] =	ssyncset.done $0x0  }
0x1a6: {  	[sflag:s31] =	ssyncadd.s32 $0xFFFFC000  }
0x1a7: {  	_ =	swait.ge [sflag:s31], $0x4000  }
0x1a8: {  	[sflag:s31] =	ssyncset.done $0x0  }
0x1a9: {  	s10 =	rddreg [dreg:$0x13];
	[sflag:s31] =	ssyncadd.s32 $0xFFFFC000  }
0x1aa: {  	[tilespmem:s20], [sflag:$0x1] =	stream.strided.gather [hbm4b:s10+s1], $0x4000, s2, s1, $0x38;
	[tilespmem:$0x1D080] =	vst v63  }
0x1ab: {  	s11 =	rddreg [dreg:$0x14]  }
0x1ac: {  	[tilespmem:s7], [sflag:$0x2] =	stream.strided.gather [hbm4b:s11+s1], $0x4000, s2, s1, $0x38;
	[tilespmem:$0x1D080] =	vst v63  }
0x1ad: {  	_ =	swait.ge [sflag:s21], $0x4000  }
0x1ae: {  	[sflag:s21] =	ssyncset.done $0x0  }
0x1af: {  	[sflag:s21] =	ssyncadd.s32 $0xFFFFC000  }
0x1b0: {  	_ =	swait.ge [sflag:s23], $0x4000  }
0x1b1: {  	[sflag:s23] =	ssyncset.done $0x0  }
0x1b2: {  	[sflag:s23] =	ssyncadd.s32 $0xFFFFC000  }
0x1b3: {  	[spmem:s24] =	stream.indirect.scatter.add.f32 [tilespmem:s19], [sflag:$0x3], $0x80, s12, s25, $0xb8;
	[tilespmem:$0x1D080] =	vst v63  }
0x1b4: {  	_ = 	snop  }
0x1b5: {  	[spmem:s26] =	stream.indirect.scatter.add.f32 [tilespmem:s3], [sflag:$0x3], $0x80, s12, s25, $0xb8;
	[tilespmem:$0x1D080] =	vst v63  }
0x1b6: {  	_ =	swait.ge [sflag:s31], $0x4000  }
0x1b7: {  	[sflag:s31] =	ssyncset.done $0x0  }
0x1b8: {  	[sflag:s31] =	ssyncadd.s32 $0xFFFFC000  }
0x1b9: {  	_ =	swait.ge [sflag:s31], $0x4000  }
0x1ba: {  	[sflag:s31] =	ssyncset.done $0x0  }
0x1bb: {  	s12 =	rddreg [dreg:$0x15];
	[sflag:s31] =	ssyncadd.s32 $0xFFFFC000  }
0x1bc: {  	[tilespmem:s19], [sflag:$0x1] =	stream.strided.gather [hbm4b:s12+s1], $0x4000, s2, s1, $0x38;
	[tilespmem:$0x1D080] =	vst v63  }
0x1bd: {  	s9 =	rddreg [dreg:$0x16]  }
0x1be: {  	[tilespmem:s3], [sflag:$0x2] =	stream.strided.gather [hbm4b:s9+s1], $0x4000, s2, s1, $0x38;
	[tilespmem:$0x1D080] =	vst v63  }
0x1bf: {  	_ =	swait.ge [sflag:s21], $0x4000  }
0x1c0: {  	[sflag:s21] =	ssyncset.done $0x0  }
0x1c1: {  	[sflag:s21] =	ssyncadd.s32 $0xFFFFC000  }
0x1c2: {  	_ =	swait.ge [sflag:s23], $0x4000  }
0x1c3: {  	[sflag:s23] =	ssyncset.done $0x0  }
0x1c4: {  	[sflag:s23] =	ssyncadd.s32 $0xFFFFC000  }
0x1c5: {  	[spmem:s24] =	stream.indirect.scatter.add.f32 [tilespmem:s4], [sflag:$0x3], $0x80, s13, s25, $0xb8;
	[tilespmem:$0x1D080] =	vst v63  }
0x1c6: {  	_ = 	snop  }
0x1c7: {  	[spmem:s26] =	stream.indirect.scatter.add.f32 [tilespmem:s6], [sflag:$0x3], $0x80, s13, s25, $0xb8;
	[tilespmem:$0x1D080] =	vst v63  }
0x1c8: {  	_ =	swait.ge [sflag:s31], $0x4000  }
0x1c9: {  	[sflag:s31] =	ssyncset.done $0x0  }
0x1ca: {  	[sflag:s31] =	ssyncadd.s32 $0xFFFFC000  }
0x1cb: {  	_ =	swait.ge [sflag:s31], $0x4000  }
0x1cc: {  	[sflag:s31] =	ssyncset.done $0x0  }
0x1cd: {  	s10 =	rddreg [dreg:$0x17];
	[sflag:s31] =	ssyncadd.s32 $0xFFFFC000  }
0x1ce: {  	[tilespmem:s4], [sflag:$0x1] =	stream.strided.gather [hbm4b:s10+s1], $0x4000, s2, s1, $0x38;
	[tilespmem:$0x1D080] =	vst v63  }
0x1cf: {  	s11 =	rddreg [dreg:$0x18]  }
0x1d0: {  	[tilespmem:s6], [sflag:$0x2] =	stream.strided.gather [hbm4b:s11+s1], $0x4000, s2, s1, $0x38;
	[tilespmem:$0x1D080] =	vst v63  }
0x1d1: {  	_ =	swait.ge [sflag:s21], $0x4000  }
0x1d2: {  	[sflag:s21] =	ssyncset.done $0x0  }
0x1d3: {  	[sflag:s21] =	ssyncadd.s32 $0xFFFFC000  }
0x1d4: {  	_ =	swait.ge [sflag:s23], $0x4000  }
0x1d5: {  	[sflag:s23] =	ssyncset.done $0x0  }
0x1d6: {  	[sflag:s23] =	ssyncadd.s32 $0xFFFFC000  }
0x1d7: {  	[spmem:s24] =	stream.indirect.scatter.add.f32 [tilespmem:s20], [sflag:$0x3], $0x80, s14, s25, $0xb8;
	[tilespmem:$0x1D080] =	vst v63  }
0x1d8: {  	_ = 	snop  }
0x1d9: {  	[spmem:s26] =	stream.indirect.scatter.add.f32 [tilespmem:s7], [sflag:$0x3], $0x80, s14, s25, $0xb8;
	[tilespmem:$0x1D080] =	vst v63  }
0x1da: {  	_ =	swait.ge [sflag:s21], $0x4000  }
0x1db: {  	[sflag:s21] =	ssyncset.done $0x0  }
0x1dc: {  	[sflag:s21] =	ssyncadd.s32 $0xFFFFC000  }
0x1dd: {  	_ =	swait.ge [sflag:s23], $0x4000  }
0x1de: {  	[sflag:s23] =	ssyncset.done $0x0  }
0x1df: {  	[sflag:s23] =	ssyncadd.s32 $0xFFFFC000  }
0x1e0: {  	[spmem:s24] =	stream.indirect.scatter.add.f32 [tilespmem:s19], [sflag:$0x3], $0x80, s15, s25, $0xb8;
	[tilespmem:$0x1D080] =	vst v63  }
0x1e1: {  	_ = 	snop  }
0x1e2: {  	[spmem:s26] =	stream.indirect.scatter.add.f32 [tilespmem:s3], [sflag:$0x3], $0x80, s15, s25, $0xb8;
	[tilespmem:$0x1D080] =	vst v63  }
0x1e3: {  	_ =	swait.ge [sflag:s21], $0x4000  }
0x1e4: {  	[sflag:s21] =	ssyncset.done $0x0  }
0x1e5: {  	[sflag:s21] =	ssyncadd.s32 $0xFFFFC000  }
0x1e6: {  	_ =	swait.ge [sflag:s23], $0x4000  }
0x1e7: {  	[sflag:s23] =	ssyncset.done $0x0  }
0x1e8: {  	[sflag:s23] =	ssyncadd.s32 $0xFFFFC000  }
0x1e9: {  	[spmem:s24] =	stream.indirect.scatter.add.f32 [tilespmem:s4], [sflag:$0x3], $0x80, s16, s25, $0xb8;
	[tilespmem:$0x1D080] =	vst v63  }
0x1ea: {  	_ = 	snop  }
0x1eb: {  	[spmem:s26] =	stream.indirect.scatter.add.f32 [tilespmem:s6], [sflag:$0x3], $0x80, s16, s25, $0xb8;
	[tilespmem:$0x1D080] =	vst v63  }
0x1ec: {  	_ =	swait.ge [sflag:s31], $0x4000  }
0x1ed: {  	[sflag:s31] =	ssyncset.done $0x0  }
0x1ee: {  	[sflag:s31] =	ssyncadd.s32 $0xFFFFC000  }
0x1ef: {  	_ =	swait.ge [sflag:s31], $0x4000  }
0x1f0: {  	[sflag:s31] =	ssyncset.done $0x0  }
0x1f1: {  	[sflag:s31] =	ssyncadd.s32 $0xFFFFC000  }
0x1f2: {  	_ =	swait.ge [sflag:s31], $0x4000  }
0x1f3: {  	[sflag:s31] =	ssyncset.done $0x0  }
0x1f4: {  	[sflag:s31] =	ssyncadd.s32 $0xFFFFC000  }
0x1f5: {  	_ =	swait.ge [sflag:s31], $0x4000  }
0x1f6: {  	[sflag:s31] =	ssyncset.done $0x0  }
0x1f7: {  	[sflag:s31] =	ssyncadd.s32 $0xFFFFC000  }
0x1f8: {  	_ =	swait.ge [sflag:s31], $0x4000  }
0x1f9: {  	[sflag:s31] =	ssyncset.done $0x0  }
0x1fa: {  	[sflag:s31] =	ssyncadd.s32 $0xFFFFC000  }
0x1fb: {  	_ =	swait.ge [sflag:s31], $0x4000  }
0x1fc: {  	[sflag:s31] =	ssyncset.done $0x0  }
0x1fd: {  	[sflag:s31] =	ssyncadd.s32 $0xFFFFC000  }
0x1fe: {  	[bflag:$0x0] =	sbarrier.arrive $0xFFFF  }
0x1ff: {  	[tilespmem:s19], [sflag:$0x1] =	stream.linear.gather [spmem:s29], $0x2000, $0x38;
	[tilespmem:$0x1D080] =	vst v63  }
0x200: {  	_ = 	snop  }
0x201: {  	[tilespmem:s4], [sflag:$0x2] =	stream.linear.gather [spmem:s30], $0x2000, $0x38;
	[tilespmem:$0x1D080] =	vst v63  }
0x202: {  	s5 =	simm.s32 @p0 $0x400;
	s13 =	simm.s32 $0x18800;
	s12 =	rddreg [dreg:$0x19]  }
0x203: {  	[tilespmem:s13], [sflag:$0x4] =	stream.linear.gather [spmem:s12], $0x400, $0x38;
	[tilespmem:$0x1D080] =	vst v63  }
0x204: {  	s9 =	simm.s32 @p0 $0x1000;
	s10 =	simm.s32 @p0 $0xC000;
	s11 =	rddreg [dreg:$0x1f]  }
0x205: {  	[tilespmem:s10], [sflag:$0x5] =	stream.strided.gather @p0 [hbm4b:s11+s5], $0x1400, s9, s5, $0x38;
	[tilespmem:$0x1D080] =	vst v63  }
0x206: {  	s10 =	simm.s32 @p0 $0x5  }
0x207: {  	_ =	swait.ge @p0 [sflag:s10], $0x1400  }
0x208: {  	s12 =	sld [smem:$0x7E4]  }
0x209: {  	[sflag:s10] =	ssyncset.done @p0 $0x0  }
0x20a: {  	s11 =	simm.s32 @p0 $0x10000;
	[sflag:s10] =	ssyncadd.s32 @p0 $0xFFFFEC00  }
0x20b: {  	[tilespmem:s11], [sflag:$0x5] =	stream.strided.gather @p0 [hbm4b:s12+s5], $0x1400, s9, s5, $0x38;
	[tilespmem:$0x1D080] =	vst v63  }
0x20c: {  	_ =	swait.ge @p0 [sflag:s10], $0x1400  }
0x20d: {  	s5 =	simm.s32 @!p0 $0x400;
	s9 =	simm.s32 @!p0 $0x1000;
	[sflag:s10] =	ssyncset.done @p0 $0x0  }
0x20e: {  	s11 =	rddreg [dreg:$0x1a];
	[sflag:s10] =	ssyncadd.s32 @p0 $0xFFFFEC00;
	s10 =	simm.s32 @!p0 $0xC000  }
0x20f: {  	[tilespmem:s10], [sflag:$0x5] =	stream.strided.gather @!p0 [hbm4b:s11+s5], $0x2000, s9, s5, $0x38;
	[tilespmem:$0x1D080] =	vst v63  }
0x210: {  	s10 =	simm.s32 @!p0 $0x5  }
0x211: {  	_ =	swait.ge @!p0 [sflag:s10], $0x2000  }
0x212: {  	[sflag:s10] =	ssyncset.done @!p0 $0x0  }
0x213: {  	s11 =	simm.s32 @!p0 $0x10000;
	s12 =	rddreg [dreg:$0x1b];
	[sflag:s10] =	ssyncadd.s32 @!p0 $0xFFFFE000  }
0x214: {  	[tilespmem:s11], [sflag:$0x5] =	stream.strided.gather @!p0 [hbm4b:s12+s5], $0x2000, s9, s5, $0x38;
	[tilespmem:$0x1D080] =	vst v63  }
0x215: {  	_ =	swait.ge @!p0 [sflag:s10], $0x2000  }
0x216: {  	[sflag:s10] =	ssyncset.done @!p0 $0x0  }
0x217: {  	[sflag:s10] =	ssyncadd.s32 @!p0 $0xFFFFE000  }
0x218: {  	_ =	swait.ge [sflag:s18], $0x400  }
0x219: {  	[sflag:s18] =	ssyncset.done $0x0  }
0x21a: {  	[sflag:s18] =	ssyncadd.s32 $0xFFFFFC00  }
0x21b: {  	v2 =	vld [tilespmem:$0x18800]  }
0x21c: {  	v3 =	vld [tilespmem:$0x18840]  }
0x21d: {  	v4 =	vld [tilespmem:$0x18880]  }
0x21e: {  	v5 =	vld [tilespmem:$0x188C0]  }
0x21f: {  	v6 =	vld [tilespmem:$0x18900]  }
0x220: {  	v7 =	vld [tilespmem:$0x18940]  }
0x221: {  	v8 =	vld [tilespmem:$0x18980]  }
0x222: {  	v9 =	vld [tilespmem:$0x189C0]  }
0x223: {  	v10 =	vld [tilespmem:$0x18A00]  }
0x224: {  	v11 =	vld [tilespmem:$0x18A40]  }
0x225: {  	v12 =	vld [tilespmem:$0x18A80]  }
0x226: {  	v13 =	vld [tilespmem:$0x18AC0]  }
0x227: {  	v14 =	vld [tilespmem:$0x18B00]  }
0x228: {  	v15 =	vld [tilespmem:$0x18B40]  }
0x229: {  	v16 =	vld [tilespmem:$0x18B80]  }
0x22a: {  	v17 =	vld [tilespmem:$0x18BC0]  }
0x22b: {  	v18 =	vld [tilespmem:$0x18810]  }
0x22c: {  	v19 =	vld [tilespmem:$0x18850]  }
0x22d: {  	v20 =	vld [tilespmem:$0x18890]  }
0x22e: {  	v21 =	vld [tilespmem:$0x188D0]  }
0x22f: {  	v22 =	vld [tilespmem:$0x18910]  }
0x230: {  	v23 =	vld [tilespmem:$0x18950]  }
0x231: {  	v24 =	vld [tilespmem:$0x18990]  }
0x232: {  	v25 =	vld [tilespmem:$0x189D0]  }
0x233: {  	v26 =	vld [tilespmem:$0x18A10]  }
0x234: {  	v27 =	vld [tilespmem:$0x18A50]  }
0x235: {  	v28 =	vld [tilespmem:$0x18A90]  }
0x236: {  	v29 =	vld [tilespmem:$0x18AD0]  }
0x237: {  	v30 =	vld [tilespmem:$0x18B10]  }
0x238: {  	v31 =	vld [tilespmem:$0x18B50]  }
0x239: {  	v32 =	vld [tilespmem:$0x18B90]  }
0x23a: {  	v33 =	vld [tilespmem:$0x18BD0]  }
0x23b: {  	v34 =	vld [tilespmem:$0x18820]  }
0x23c: {  	v35 =	vld [tilespmem:$0x18830]  }
0x23d: {  	v36 =	vld [tilespmem:$0x18860]  }
0x23e: {  	v37 =	vld [tilespmem:$0x18870];
	v2 =	vadd.f32 $0.0e+00, v2  }
0x23f: {  	v38 =	vld [tilespmem:$0x188A0];
	v18 =	vadd.f32 $0.0e+00, v18  }
0x240: {  	v39 =	vld [tilespmem:$0x188B0];
	v2 =	vadd.f32 v3, v2;
	v3 =	vadd.f32 $0.0e+00, v34  }
0x241: {  	v40 =	vld [tilespmem:$0x188E0];
	v35 =	vadd.f32 $0.0e+00, v35;
	v18 =	vadd.f32 v19, v18  }
0x242: {  	v2 =	vadd.f32 v4, v2;
	v3 =	vadd.f32 v36, v3;
	v4 =	vld [tilespmem:$0x188F0]  }
0x243: {  	v42 =	vld [tilespmem:$0x18920];
	v41 =	vadd.f32 v37, v35;
	v18 =	vadd.f32 v20, v18  }
0x244: {  	v2 =	vadd.f32 v5, v2;
	v3 =	vadd.f32 v38, v3;
	v5 =	vld [tilespmem:$0x18930]  }
0x245: {  	v43 =	vld [tilespmem:$0x18960];
	v20 =	vadd.f32 v39, v41;
	v18 =	vadd.f32 v21, v18  }
0x246: {  	v44 =	vld [tilespmem:$0x18970];
	v2 =	vadd.f32 v6, v2;
	v3 =	vadd.f32 v40, v3  }
0x247: {  	v45 =	vld [tilespmem:$0x189A0];
	v18 =	vadd.f32 v22, v18;
	v4 =	vadd.f32 v4, v20  }
0x248: {  	v46 =	vld [tilespmem:$0x189B0];
	v2 =	vadd.f32 v7, v2;
	v3 =	vadd.f32 v42, v3  }
0x249: {  	v18 =	vadd.f32 v23, v18;
	v4 =	vadd.f32 v5, v4;
	v5 =	vld [tilespmem:$0x189E0]  }
0x24a: {  	v47 =	vld [tilespmem:$0x189F0];
	v2 =	vadd.f32 v8, v2;
	v3 =	vadd.f32 v43, v3  }
0x24b: {  	v48 =	vld [tilespmem:$0x18A20];
	v18 =	vadd.f32 v24, v18;
	v4 =	vadd.f32 v44, v4  }
0x24c: {  	v49 =	vld [tilespmem:$0x18A30];
	v2 =	vadd.f32 v9, v2;
	v3 =	vadd.f32 v45, v3  }
0x24d: {  	v50 =	vld [tilespmem:$0x18A60];
	v18 =	vadd.f32 v25, v18;
	v4 =	vadd.f32 v46, v4  }
0x24e: {  	v2 =	vadd.f32 v10, v2;
	v3 =	vadd.f32 v5, v3;
	v5 =	vld [tilespmem:$0x18A70]  }
0x24f: {  	v52 =	vld [tilespmem:$0x18AA0];
	v51 =	vadd.f32 v26, v18;
	v4 =	vadd.f32 v47, v4  }
0x250: {  	v53 =	vld [tilespmem:$0x18AB0];
	v2 =	vadd.f32 v11, v2;
	v3 =	vadd.f32 v48, v3  }
0x251: {  	v54 =	vld [tilespmem:$0x18AE0];
	v10 =	vadd.f32 v27, v51;
	v4 =	vadd.f32 v49, v4  }
0x252: {  	v55 =	vld [tilespmem:$0x18AF0];
	v2 =	vadd.f32 v12, v2;
	v3 =	vadd.f32 v50, v3  }
0x253: {  	v10 =	vadd.f32 v28, v10;
	v4 =	vadd.f32 v5, v4;
	v5 =	vld [tilespmem:$0x18B20]  }
0x254: {  	v56 =	vld [tilespmem:$0x18B30];
	v2 =	vadd.f32 v13, v2;
	v3 =	vadd.f32 v52, v3  }
0x255: {  	v57 =	vld [tilespmem:$0x18B60];
	v10 =	vadd.f32 v29, v10;
	v4 =	vadd.f32 v53, v4  }
0x256: {  	v58 =	vld [tilespmem:$0x18B70];
	v2 =	vadd.f32 v14, v2;
	v3 =	vadd.f32 v54, v3  }
0x257: {  	v59 =	vld [tilespmem:$0x18BA0];
	v10 =	vadd.f32 v30, v10;
	v4 =	vadd.f32 v55, v4  }
0x258: {  	v2 =	vadd.f32 v15, v2;
	v3 =	vadd.f32 v5, v3;
	v5 =	vld [tilespmem:$0x18BB0]  }
0x259: {  	v60 =	vld [tilespmem:$0x18BE0];
	v10 =	vadd.f32 v31, v10;
	v4 =	vadd.f32 v56, v4  }
0x25a: {  	v61 =	vld [tilespmem:$0x18BF0];
	v2 =	vadd.f32 v16, v2;
	v3 =	vadd.f32 v57, v3  }
0x25b: {  	v10 =	vadd.f32 v32, v10;
	v4 =	vadd.f32 v58, v4  }
0x25c: {  	v2 =	vadd.f32 v17, v2;
	v3 =	vadd.f32 v59, v3  }
0x25d: {  	v62 =	vadd.f32 v33, v10;
	v4 =	vadd.f32 v5, v4  }
0x25e: {  	v3 =	vadd.f32 v60, v3;
	v5 =	vmax.f32 v2, $1.000000000e+00  }
0x25f: {  	(erf) = vrcp.f32 v5;
	v4 =	vadd.f32 v61, v4;
	v5 =	vmax.f32 v62, $1.000000000e+00  }
0x260: {  	(erf) = vrcp.f32 v5;
	v5 =	vmax.f32 v3, $1.000000000e+00  }
0x261: {  	(erf) = vrcp.f32 v5;
	v5 =	vmax.f32 v4, $1.000000000e+00  }
0x262: {  	(erf) = vrcp.f32 v5;
	_ =	sdelay $0x5  }
0x263: {  	vm0 =	vgt.f32 v2, $0.0e+00;
	v5 =	vpop (erf)  }
0x264: {  	vm13 =	vgt.f32 v62, $0.0e+00;
	v2 =	vpop (erf);
	v5 =	vnsel vm0, $0x0, v5  }
0x265: {  	vm14 =	vgt.f32 v3, $0.0e+00;
	v63 =	vpop (erf);
	[tilespmem:$0x18C00] =	vst v5;
	v2 =	vnsel vm13, $0x0, v2  }
0x266: {  	vm15 =	vgt.f32 v4, $0.0e+00;
	[tilespmem:$0x18C10] =	vst v2;
	v2 =	vnsel vm14, $0x0, v63;
	v3 =	vpop (erf)  }
0x267: {  	[tilespmem:$0x18C20] =	vst v2;
	v2 =	vnsel vm15, $0x0, v3  }
0x268: {  	[tilespmem:$0x18C30] =	vst v2  }
0x269: {  	s10 =	simm.s32 $0x0;
	_ =	swait.ge [sflag:s21], $0x2000  }
0x26a: {  	v2 =	vmov s10;
	[sflag:s21] =	ssyncset.done $0x0  }
0x26b: {  	[sflag:s21] =	ssyncadd.s32 $0xFFFFE000  }
0x26c: {  	_ =	swait.ge [sflag:s23], $0x2000  }
0x26d: {  	[sflag:s23] =	ssyncset.done $0x0  }
0x26e: {  	[sflag:s23] =	ssyncadd.s32 $0xFFFFE000  }
0x26f: {  	s28 =	simm.s32 $0x40;
	v2 =	vld.idx.msk [tilespmem:v2+s22+$0x0], $0xffff  }
0x270: {  	v3 =	vld [tilespmem:s28+$0xFFFFFFC0]  }
0x271: {  	s11 =	simm.s32 $0xC040  }
0x272: {  	v4 =	vld [tilespmem:s11+$0xFFFFFFC0];
	_ =	sdelay $0x2  }
0x273: {  	v3 =	vmul.f32 v3, v2;
	_ =	sdelay $0x1  }
0x274: {  	v3 =	vadd.f32 v3, v4;
	_ =	sdelay $0x1  }
0x275: {  	s12 =	simm.s32 $0x4040;
	[tilespmem:s11+$0xFFFFFFC0] =	vst v3  }
0x276: {  	v3 =	vld [tilespmem:s12+$0xFFFFFFC0]  }
0x277: {  	s5 =	simm.s32 $0x10040  }
0x278: {  	v4 =	vld [tilespmem:s5+$0xFFFFFFC0];
	_ =	sdelay $0x2  }
0x279: {  	v3 =	vmul.f32 v3, v2;
	_ =	sdelay $0x1  }
0x27a: {  	v3 =	vadd.f32 v3, v4;
	_ =	sdelay $0x1  }
0x27b: {  	[tilespmem:s5+$0xFFFFFFC0] =	vst v3  }
0x27c: {  	v3 =	vld [tilespmem:s28+$0xFFFFFFD0];
	_ =	sdelay $0x1  }
0x27d: {  	v4 =	vld [tilespmem:s11+$0xFFFFFFD0];
	_ =	sdelay $0x2  }
0x27e: {  	v3 =	vmul.f32 v3, v2;
	_ =	sdelay $0x1  }
0x27f: {  	v3 =	vadd.f32 v3, v4;
	_ =	sdelay $0x1  }
0x280: {  	[tilespmem:s11+$0xFFFFFFD0] =	vst v3  }
0x281: {  	v3 =	vld [tilespmem:s12+$0xFFFFFFD0];
	_ =	sdelay $0x1  }
0x282: {  	v4 =	vld [tilespmem:s5+$0xFFFFFFD0];
	_ =	sdelay $0x2  }
0x283: {  	v3 =	vmul.f32 v3, v2;
	_ =	sdelay $0x1  }
0x284: {  	v3 =	vadd.f32 v3, v4;
	_ =	sdelay $0x1  }
0x285: {  	[tilespmem:s5+$0xFFFFFFD0] =	vst v3  }
0x286: {  	v3 =	vld [tilespmem:s28+$0xFFFFFFE0];
	_ =	sdelay $0x1  }
0x287: {  	v4 =	vld [tilespmem:s11+$0xFFFFFFE0];
	_ =	sdelay $0x2  }
0x288: {  	v3 =	vmul.f32 v3, v2;
	_ =	sdelay $0x1  }
0x289: {  	v3 =	vadd.f32 v3, v4;
	_ =	sdelay $0x1  }
0x28a: {  	[tilespmem:s11+$0xFFFFFFE0] =	vst v3  }
0x28b: {  	v3 =	vld [tilespmem:s12+$0xFFFFFFE0];
	_ =	sdelay $0x1  }
0x28c: {  	v4 =	vld [tilespmem:s5+$0xFFFFFFE0];
	_ =	sdelay $0x2  }
0x28d: {  	v3 =	vmul.f32 v3, v2;
	_ =	sdelay $0x1  }
0x28e: {  	v3 =	vadd.f32 v3, v4;
	_ =	sdelay $0x1  }
0x28f: {  	[tilespmem:s5+$0xFFFFFFE0] =	vst v3  }
0x290: {  	v3 =	vld [tilespmem:s28+$0xFFFFFFF0];
	_ =	sdelay $0x1  }
0x291: {  	v4 =	vld [tilespmem:s11+$0xFFFFFFF0];
	_ =	sdelay $0x2  }
0x292: {  	v3 =	vmul.f32 v3, v2;
	_ =	sdelay $0x1  }
0x293: {  	v3 =	vadd.f32 v3, v4;
	_ =	sdelay $0x1  }
0x294: {  	[tilespmem:s11+$0xFFFFFFF0] =	vst v3  }
0x295: {  	v3 =	vld [tilespmem:s12+$0xFFFFFFF0];
	_ =	sdelay $0x1  }
0x296: {  	v4 =	vld [tilespmem:s5+$0xFFFFFFF0];
	_ =	sdelay $0x2  }
0x297: {  	v3 =	vmul.f32 v3, v2;
	_ =	sdelay $0x1  }
0x298: {  	v3 =	vadd.f32 v3, v4;
	_ =	sdelay $0x1  }
0x299: {  	[tilespmem:s5+$0xFFFFFFF0] =	vst v3  }
0x29a: {  	v3 =	vld [tilespmem:s28+$0x0];
	_ =	sdelay $0x1  }
0x29b: {  	v4 =	vld [tilespmem:s11+$0x0];
	_ =	sdelay $0x2  }
0x29c: {  	v3 =	vmul.f32 v3, v2;
	_ =	sdelay $0x1  }
0x29d: {  	v3 =	vadd.f32 v3, v4;
	_ =	sdelay $0x1  }
0x29e: {  	[tilespmem:s11+$0x0] =	vst v3  }
0x29f: {  	v3 =	vld [tilespmem:s12+$0x0];
	_ =	sdelay $0x1  }
0x2a0: {  	v4 =	vld [tilespmem:s5+$0x0];
	_ =	sdelay $0x2  }
0x2a1: {  	v3 =	vmul.f32 v3, v2;
	_ =	sdelay $0x1  }
0x2a2: {  	v3 =	vadd.f32 v3, v4;
	_ =	sdelay $0x1  }
0x2a3: {  	[tilespmem:s5+$0x0] =	vst v3  }
0x2a4: {  	v3 =	vld [tilespmem:s28+$0x10];
	_ =	sdelay $0x1  }
0x2a5: {  	v4 =	vld [tilespmem:s11+$0x10];
	_ =	sdelay $0x2  }
0x2a6: {  	v3 =	vmul.f32 v3, v2;
	_ =	sdelay $0x1  }
0x2a7: {  	v3 =	vadd.f32 v3, v4;
	_ =	sdelay $0x1  }
0x2a8: {  	[tilespmem:s11+$0x10] =	vst v3  }
0x2a9: {  	v3 =	vld [tilespmem:s12+$0x10];
	_ =	sdelay $0x1  }
0x2aa: {  	v4 =	vld [tilespmem:s5+$0x10];
	_ =	sdelay $0x2  }
0x2ab: {  	v3 =	vmul.f32 v3, v2;
	_ =	sdelay $0x1  }
0x2ac: {  	v3 =	vadd.f32 v3, v4;
	_ =	sdelay $0x1  }
0x2ad: {  	[tilespmem:s5+$0x10] =	vst v3  }
0x2ae: {  	v3 =	vld [tilespmem:s28+$0x20];
	_ =	sdelay $0x1  }
0x2af: {  	v4 =	vld [tilespmem:s11+$0x20];
	_ =	sdelay $0x2  }
0x2b0: {  	v3 =	vmul.f32 v3, v2;
	_ =	sdelay $0x1  }
0x2b1: {  	v3 =	vadd.f32 v3, v4;
	_ =	sdelay $0x1  }
0x2b2: {  	[tilespmem:s11+$0x20] =	vst v3  }
0x2b3: {  	v3 =	vld [tilespmem:s12+$0x20];
	_ =	sdelay $0x1  }
0x2b4: {  	v4 =	vld [tilespmem:s5+$0x20];
	_ =	sdelay $0x2  }
0x2b5: {  	v3 =	vmul.f32 v3, v2;
	_ =	sdelay $0x1  }
0x2b6: {  	v3 =	vadd.f32 v3, v4;
	_ =	sdelay $0x1  }
0x2b7: {  	[tilespmem:s5+$0x20] =	vst v3  }
0x2b8: {  	v3 =	vld [tilespmem:s28+$0x30];
	_ =	sdelay $0x1  }
0x2b9: {  	v4 =	vld [tilespmem:s11+$0x30];
	_ =	sdelay $0x2  }
0x2ba: {  	v3 =	vmul.f32 v3, v2;
	_ =	sdelay $0x1  }
0x2bb: {  	v3 =	vadd.f32 v3, v4;
	_ =	sdelay $0x1  }
0x2bc: {  	[tilespmem:s11+$0x30] =	vst v3  }
0x2bd: {  	v3 =	vld [tilespmem:s12+$0x30];
	_ =	sdelay $0x1  }
0x2be: {  	v4 =	vld [tilespmem:s5+$0x30];
	_ =	sdelay $0x1  }
0x2bf: {  	s13 =	simm.s32 $0x1  }
0x2c0: {  	v2 =	vmul.f32 v3, v2;
	v3 =	vmov s13;
	_ =	sdelay $0x1  }
0x2c1: {  	s9 =	simm.s32 $0x40C0;
	s10 =	simm.s32 $0xC0C0;
	s11 =	simm.s32 $0x2;
	v2 =	vadd.f32 v2, v4  }
.LBB2_6:
0x2c2: {  	s28 =	sadd.s32 $0x80, s28  }
0x2c3: {  	[tilespmem:s5+$0x30] =	vst v2;
	s5 =	sadd.s32 $0x80, s5;
	s12 =	smov.u32 s11;
	s13 =	sadd.s32 $0x1, s11  }
0x2c4: {  	p1 =	sne.s32 s11, $0x3F;
	v2 =	vld.idx.msk [tilespmem:v3+s22+$0x0], $0xffff  }
0x2c5: {  	v3 =	vld [tilespmem:s28+$0xFFFFFFC0];
	_ =	sdelay $0x1  }
0x2c6: {  	v4 =	vld [tilespmem:s10+$0xFFFFFFC0];
	_ =	sdelay $0x2  }
0x2c7: {  	v3 =	vmul.f32 v3, v2;
	_ =	sdelay $0x1  }
0x2c8: {  	v3 =	vadd.f32 v3, v4;
	_ =	sdelay $0x1  }
0x2c9: {  	[tilespmem:s10+$0xFFFFFFC0] =	vst v3  }
0x2ca: {  	v3 =	vld [tilespmem:s9+$0xFFFFFFC0];
	_ =	sdelay $0x1  }
0x2cb: {  	v4 =	vld [tilespmem:s5+$0xFFFFFFC0];
	_ =	sdelay $0x2  }
0x2cc: {  	v3 =	vmul.f32 v3, v2;
	_ =	sdelay $0x1  }
0x2cd: {  	v3 =	vadd.f32 v3, v4;
	_ =	sdelay $0x1  }
0x2ce: {  	[tilespmem:s5+$0xFFFFFFC0] =	vst v3  }
0x2cf: {  	v3 =	vld [tilespmem:s28+$0xFFFFFFD0];
	_ =	sdelay $0x1  }
0x2d0: {  	v4 =	vld [tilespmem:s10+$0xFFFFFFD0];
	_ =	sdelay $0x2  }
0x2d1: {  	v3 =	vmul.f32 v3, v2;
	_ =	sdelay $0x1  }
0x2d2: {  	v3 =	vadd.f32 v3, v4;
	_ =	sdelay $0x1  }
0x2d3: {  	[tilespmem:s10+$0xFFFFFFD0] =	vst v3  }
0x2d4: {  	v3 =	vld [tilespmem:s9+$0xFFFFFFD0];
	_ =	sdelay $0x1  }
0x2d5: {  	v4 =	vld [tilespmem:s5+$0xFFFFFFD0];
	_ =	sdelay $0x2  }
0x2d6: {  	v3 =	vmul.f32 v3, v2;
	_ =	sdelay $0x1  }
0x2d7: {  	v3 =	vadd.f32 v3, v4;
	_ =	sdelay $0x1  }
0x2d8: {  	[tilespmem:s5+$0xFFFFFFD0] =	vst v3  }
0x2d9: {  	v3 =	vld [tilespmem:s28+$0xFFFFFFE0];
	_ =	sdelay $0x1  }
0x2da: {  	v4 =	vld [tilespmem:s10+$0xFFFFFFE0];
	_ =	sdelay $0x2  }
0x2db: {  	v3 =	vmul.f32 v3, v2;
	_ =	sdelay $0x1  }
0x2dc: {  	v3 =	vadd.f32 v3, v4;
	_ =	sdelay $0x1  }
0x2dd: {  	[tilespmem:s10+$0xFFFFFFE0] =	vst v3  }
0x2de: {  	v3 =	vld [tilespmem:s9+$0xFFFFFFE0];
	_ =	sdelay $0x1  }
0x2df: {  	v4 =	vld [tilespmem:s5+$0xFFFFFFE0];
	_ =	sdelay $0x2  }
0x2e0: {  	v3 =	vmul.f32 v3, v2;
	_ =	sdelay $0x1  }
0x2e1: {  	v3 =	vadd.f32 v3, v4;
	_ =	sdelay $0x1  }
0x2e2: {  	[tilespmem:s5+$0xFFFFFFE0] =	vst v3  }
0x2e3: {  	v3 =	vld [tilespmem:s28+$0xFFFFFFF0];
	_ =	sdelay $0x1  }
0x2e4: {  	v4 =	vld [tilespmem:s10+$0xFFFFFFF0];
	_ =	sdelay $0x2  }
0x2e5: {  	v3 =	vmul.f32 v3, v2;
	_ =	sdelay $0x1  }
0x2e6: {  	v3 =	vadd.f32 v3, v4;
	_ =	sdelay $0x1  }
0x2e7: {  	[tilespmem:s10+$0xFFFFFFF0] =	vst v3  }
0x2e8: {  	v3 =	vld [tilespmem:s9+$0xFFFFFFF0];
	_ =	sdelay $0x1  }
0x2e9: {  	v4 =	vld [tilespmem:s5+$0xFFFFFFF0];
	_ =	sdelay $0x2  }
0x2ea: {  	v3 =	vmul.f32 v3, v2;
	_ =	sdelay $0x1  }
0x2eb: {  	v3 =	vadd.f32 v3, v4;
	_ =	sdelay $0x1  }
0x2ec: {  	[tilespmem:s5+$0xFFFFFFF0] =	vst v3  }
0x2ed: {  	v3 =	vld [tilespmem:s28+$0x0];
	_ =	sdelay $0x1  }
0x2ee: {  	v4 =	vld [tilespmem:s10+$0x0];
	_ =	sdelay $0x2  }
0x2ef: {  	v3 =	vmul.f32 v3, v2;
	_ =	sdelay $0x1  }
0x2f0: {  	v3 =	vadd.f32 v3, v4;
	_ =	sdelay $0x1  }
0x2f1: {  	[tilespmem:s10+$0x0] =	vst v3  }
0x2f2: {  	v3 =	vld [tilespmem:s9+$0x0];
	_ =	sdelay $0x1  }
0x2f3: {  	v4 =	vld [tilespmem:s5+$0x0];
	_ =	sdelay $0x2  }
0x2f4: {  	v3 =	vmul.f32 v3, v2;
	_ =	sdelay $0x1  }
0x2f5: {  	v3 =	vadd.f32 v3, v4;
	_ =	sdelay $0x1  }
0x2f6: {  	[tilespmem:s5+$0x0] =	vst v3  }
0x2f7: {  	v3 =	vld [tilespmem:s28+$0x10];
	_ =	sdelay $0x1  }
0x2f8: {  	v4 =	vld [tilespmem:s10+$0x10];
	_ =	sdelay $0x2  }
0x2f9: {  	v3 =	vmul.f32 v3, v2;
	_ =	sdelay $0x1  }
0x2fa: {  	v3 =	vadd.f32 v3, v4;
	_ =	sdelay $0x1  }
0x2fb: {  	[tilespmem:s10+$0x10] =	vst v3  }
0x2fc: {  	v3 =	vld [tilespmem:s9+$0x10]  }
0x2fd: {  	v4 =	vld [tilespmem:s5+$0x10];
	_ =	sdelay $0x3  }
0x2fe: {  	v3 =	vmul.f32 v3, v2;
	_ =	sdelay $0x1  }
0x2ff: {  	v3 =	vadd.f32 v3, v4;
	_ =	sdelay $0x1  }
0x300: {  	[tilespmem:s5+$0x10] =	vst v3  }
0x301: {  	v3 =	vld [tilespmem:s28+$0x20]  }
0x302: {  	v4 =	vld [tilespmem:s10+$0x20];
	_ =	sdelay $0x3  }
0x303: {  	v3 =	vmul.f32 v3, v2;
	_ =	sdelay $0x1  }
0x304: {  	v3 =	vadd.f32 v3, v4;
	_ =	sdelay $0x1  }
0x305: {  	[tilespmem:s10+$0x20] =	vst v3  }
0x306: {  	v3 =	vld [tilespmem:s9+$0x20]  }
0x307: {  	v4 =	vld [tilespmem:s5+$0x20];
	_ =	sdelay $0x3  }
0x308: {  	v3 =	vmul.f32 v3, v2;
	_ =	sdelay $0x1  }
0x309: {  	v3 =	vadd.f32 v3, v4;
	_ =	sdelay $0x1  }
0x30a: {  	[tilespmem:s5+$0x20] =	vst v3  }
0x30b: {  	v3 =	vld [tilespmem:s28+$0x30]  }
0x30c: {  	v4 =	vld [tilespmem:s10+$0x30];
	_ =	sdelay $0x3  }
0x30d: {  	v3 =	vmul.f32 v3, v2;
	_ =	sdelay $0x1  }
0x30e: {  	v3 =	vadd.f32 v3, v4;
	_ =	sdelay $0x1  }
0x30f: {  	[tilespmem:s10+$0x30] =	vst v3  }
0x310: {  	v4 =	vld [tilespmem:s9+$0x30]  }
0x311: {  	v5 =	vld [tilespmem:s5+$0x30];
	_ =	sdelay $0x2  }
.Ltmp2:
0x312: {  	(pc) =	sbr.rel @p1 .LBB2_6-.Ltmp2, $3  }
0x313: {  	v3 =	vmov s12;
	v2 =	vmul.f32 v4, v2;
	_ =	sdelay $0x1  }
0x314: {  	v2 =	vadd.f32 v2, v5  }
0x315: {  	s11 =	smov.u32 s13;
	s10 =	sadd.s32 $0x80, s10;
	s9 =	sadd.s32 $0x80, s9  }
0x316: {  	_ =	sdelay $0x2  }
0x317: {  	[tilespmem:s5+$0x30] =	vst v2  }
0x318: {  	s11 =	sadd.s32 $0x80, s28;
	v2 =	vld.idx.msk [tilespmem:v3+s22+$0x0], $0xffff  }
0x319: {  	v3 =	vld [tilespmem:s11+$0xFFFFFFC0];
	_ =	sdelay $0x1  }
0x31a: {  	v4 =	vld [tilespmem:s10+$0xFFFFFFC0];
	_ =	sdelay $0x2  }
0x31b: {  	v3 =	vmul.f32 v3, v2;
	_ =	sdelay $0x1  }
0x31c: {  	v3 =	vadd.f32 v3, v4;
	_ =	sdelay $0x1  }
0x31d: {  	[tilespmem:s10+$0xFFFFFFC0] =	vst v3  }
0x31e: {  	v3 =	vld [tilespmem:s9+$0xFFFFFFC0]  }
0x31f: {  	s13 =	sadd.s32 $0x80, s5  }
0x320: {  	v49 =	vld [tilespmem:s13+$0xFFFFFFC0];
	_ =	sdelay $0x2  }
0x321: {  	v3 =	vmul.f32 v3, v2;
	_ =	sdelay $0x1  }
0x322: {  	v3 =	vadd.f32 v3, v49;
	_ =	sdelay $0x1  }
0x323: {  	[tilespmem:s13+$0xFFFFFFC0] =	vst v3  }
0x324: {  	v3 =	vld [tilespmem:s11+$0xFFFFFFD0];
	_ =	sdelay $0x1  }
0x325: {  	v50 =	vld [tilespmem:s10+$0xFFFFFFD0];
	_ =	sdelay $0x2  }
0x326: {  	v3 =	vmul.f32 v3, v2;
	_ =	sdelay $0x1  }
0x327: {  	v3 =	vadd.f32 v3, v50;
	_ =	sdelay $0x1  }
0x328: {  	[tilespmem:s10+$0xFFFFFFD0] =	vst v3  }
0x329: {  	v3 =	vld [tilespmem:s9+$0xFFFFFFD0];
	_ =	sdelay $0x1  }
0x32a: {  	v51 =	vld [tilespmem:s13+$0xFFFFFFD0];
	_ =	sdelay $0x2  }
0x32b: {  	v3 =	vmul.f32 v3, v2;
	_ =	sdelay $0x1  }
0x32c: {  	v3 =	vadd.f32 v3, v51;
	_ =	sdelay $0x1  }
0x32d: {  	[tilespmem:s13+$0xFFFFFFD0] =	vst v3  }
0x32e: {  	v3 =	vld [tilespmem:s11+$0xFFFFFFE0];
	_ =	sdelay $0x1  }
0x32f: {  	v52 =	vld [tilespmem:s10+$0xFFFFFFE0];
	_ =	sdelay $0x2  }
0x330: {  	v3 =	vmul.f32 v3, v2;
	_ =	sdelay $0x1  }
0x331: {  	v3 =	vadd.f32 v3, v52;
	_ =	sdelay $0x1  }
0x332: {  	[tilespmem:s10+$0xFFFFFFE0] =	vst v3  }
0x333: {  	v3 =	vld [tilespmem:s9+$0xFFFFFFE0];
	_ =	sdelay $0x1  }
0x334: {  	v53 =	vld [tilespmem:s13+$0xFFFFFFE0];
	_ =	sdelay $0x2  }
0x335: {  	v3 =	vmul.f32 v3, v2;
	_ =	sdelay $0x1  }
0x336: {  	v3 =	vadd.f32 v3, v53;
	_ =	sdelay $0x1  }
0x337: {  	[tilespmem:s13+$0xFFFFFFE0] =	vst v3  }
0x338: {  	v3 =	vld [tilespmem:s11+$0xFFFFFFF0];
	_ =	sdelay $0x1  }
0x339: {  	v54 =	vld [tilespmem:s10+$0xFFFFFFF0];
	_ =	sdelay $0x2  }
0x33a: {  	v3 =	vmul.f32 v3, v2;
	_ =	sdelay $0x1  }
0x33b: {  	v3 =	vadd.f32 v3, v54;
	_ =	sdelay $0x1  }
0x33c: {  	[tilespmem:s10+$0xFFFFFFF0] =	vst v3  }
0x33d: {  	v3 =	vld [tilespmem:s9+$0xFFFFFFF0];
	_ =	sdelay $0x1  }
0x33e: {  	v55 =	vld [tilespmem:s13+$0xFFFFFFF0];
	_ =	sdelay $0x2  }
0x33f: {  	v3 =	vmul.f32 v3, v2;
	_ =	sdelay $0x1  }
0x340: {  	v3 =	vadd.f32 v3, v55;
	_ =	sdelay $0x1  }
0x341: {  	[tilespmem:s13+$0xFFFFFFF0] =	vst v3  }
0x342: {  	v3 =	vld [tilespmem:s11+$0x0];
	_ =	sdelay $0x1  }
0x343: {  	v56 =	vld [tilespmem:s10+$0x0];
	_ =	sdelay $0x2  }
0x344: {  	v3 =	vmul.f32 v3, v2;
	_ =	sdelay $0x1  }
0x345: {  	v3 =	vadd.f32 v3, v56;
	_ =	sdelay $0x1  }
0x346: {  	[tilespmem:s10+$0x0] =	vst v3  }
0x347: {  	v3 =	vld [tilespmem:s9+$0x0];
	_ =	sdelay $0x1  }
0x348: {  	v57 =	vld [tilespmem:s13+$0x0];
	_ =	sdelay $0x2  }
0x349: {  	v3 =	vmul.f32 v3, v2;
	_ =	sdelay $0x1  }
0x34a: {  	v3 =	vadd.f32 v3, v57;
	_ =	sdelay $0x1  }
0x34b: {  	[tilespmem:s13+$0x0] =	vst v3  }
0x34c: {  	v3 =	vld [tilespmem:s11+$0x10];
	_ =	sdelay $0x1  }
0x34d: {  	v58 =	vld [tilespmem:s10+$0x10];
	_ =	sdelay $0x2  }
0x34e: {  	v3 =	vmul.f32 v3, v2;
	_ =	sdelay $0x1  }
0x34f: {  	v3 =	vadd.f32 v3, v58;
	_ =	sdelay $0x1  }
0x350: {  	[tilespmem:s10+$0x10] =	vst v3  }
0x351: {  	v3 =	vld [tilespmem:s9+$0x10];
	_ =	sdelay $0x1  }
0x352: {  	v59 =	vld [tilespmem:s13+$0x10];
	_ =	sdelay $0x2  }
0x353: {  	v3 =	vmul.f32 v3, v2;
	_ =	sdelay $0x1  }
0x354: {  	v3 =	vadd.f32 v3, v59;
	_ =	sdelay $0x1  }
0x355: {  	[tilespmem:s13+$0x10] =	vst v3  }
0x356: {  	v3 =	vld [tilespmem:s11+$0x20];
	_ =	sdelay $0x1  }
0x357: {  	v60 =	vld [tilespmem:s10+$0x20];
	_ =	sdelay $0x2  }
0x358: {  	v3 =	vmul.f32 v3, v2;
	_ =	sdelay $0x1  }
0x359: {  	v3 =	vadd.f32 v3, v60;
	_ =	sdelay $0x1  }
0x35a: {  	[tilespmem:s10+$0x20] =	vst v3  }
0x35b: {  	v3 =	vld [tilespmem:s9+$0x20];
	_ =	sdelay $0x1  }
0x35c: {  	v61 =	vld [tilespmem:s13+$0x20];
	_ =	sdelay $0x2  }
0x35d: {  	v3 =	vmul.f32 v3, v2;
	_ =	sdelay $0x1  }
0x35e: {  	v3 =	vadd.f32 v3, v61;
	_ =	sdelay $0x1  }
0x35f: {  	[tilespmem:s13+$0x20] =	vst v3  }
0x360: {  	v3 =	vld [tilespmem:s11+$0x30];
	_ =	sdelay $0x1  }
0x361: {  	v62 =	vld [tilespmem:s10+$0x30];
	_ =	sdelay $0x2  }
0x362: {  	v3 =	vmul.f32 v3, v2;
	_ =	sdelay $0x1  }
0x363: {  	v3 =	vadd.f32 v3, v62;
	_ =	sdelay $0x1  }
0x364: {  	[tilespmem:s10+$0x30] =	vst v3  }
0x365: {  	v3 =	vld [tilespmem:s9+$0x30];
	_ =	sdelay $0x1  }
0x366: {  	v63 =	vld [tilespmem:s13+$0x30];
	_ =	sdelay $0x2  }
0x367: {  	v2 =	vmul.f32 v3, v2;
	_ =	sdelay $0x1  }
0x368: {  	s11 =	sld [smem:$0x7E5];
	v2 =	vadd.f32 v2, v63;
	_ =	sdelay $0x1  }
0x369: {  	s5 =	simm.s32 @p0 $0x400;
	s10 =	simm.s32 @p0 $0xC000;
	s9 =	simm.s32 @p0 $0x1000;
	[tilespmem:s13+$0x30] =	vst v2  }
0x36a: {  	[hbm4b:s11+s5] =	stream.strided.scatter @p0 [tilespmem:s10], [sflag:$0x5], $0x1400, s9, s5, $0x38;
	[tilespmem:$0x1D080] =	vst v63  }
0x36b: {  	s10 =	simm.s32 @p0 $0x5  }
0x36c: {  	_ =	swait.ge @p0 [sflag:s10], $0x1400  }
0x36d: {  	s12 =	sld [smem:$0x7E6]  }
0x36e: {  	[sflag:s10] =	ssyncset.done @p0 $0x0  }
0x36f: {  	s11 =	simm.s32 @p0 $0x10000;
	[sflag:s10] =	ssyncadd.s32 @p0 $0xFFFFEC00  }
0x370: {  	[hbm4b:s12+s5] =	stream.strided.scatter @p0 [tilespmem:s11], [sflag:$0x5], $0x1400, s9, s5, $0x38;
	[tilespmem:$0x1D080] =	vst v63  }
0x371: {  	_ =	swait.ge @p0 [sflag:s10], $0x1400  }
0x372: {  	s5 =	simm.s32 @!p0 $0x400;
	s9 =	simm.s32 @!p0 $0x1000;
	[sflag:s10] =	ssyncset.done @p0 $0x0  }
0x373: {  	s11 =	rddreg [dreg:$0x1c];
	[sflag:s10] =	ssyncadd.s32 @p0 $0xFFFFEC00;
	s10 =	simm.s32 @!p0 $0xC000  }
0x374: {  	[hbm4b:s11+s5] =	stream.strided.scatter @!p0 [tilespmem:s10], [sflag:$0x5], $0x2000, s9, s5, $0x38;
	[tilespmem:$0x1D080] =	vst v63  }
0x375: {  	s10 =	simm.s32 @!p0 $0x5  }
0x376: {  	_ =	swait.ge @!p0 [sflag:s10], $0x2000  }
0x377: {  	[sflag:s10] =	ssyncset.done @!p0 $0x0  }
0x378: {  	s11 =	simm.s32 @!p0 $0x10000;
	s12 =	rddreg [dreg:$0x1d];
	[sflag:s10] =	ssyncadd.s32 @!p0 $0xFFFFE000  }
0x379: {  	[hbm4b:s12+s5] =	stream.strided.scatter @!p0 [tilespmem:s11], [sflag:$0x5], $0x2000, s9, s5, $0x38;
	[tilespmem:$0x1D080] =	vst v63  }
0x37a: {  	_ =	swait.ge @!p0 [sflag:s10], $0x2000  }
0x37b: {  	s28 =	sld [smem:$0x7E7];
	_ =	sdelay $0x1  }
0x37c: {  	s0 =	sadd.s32 $0x1, s0  }
0x37d: {  	p1 =	sne.s32 s0, s28  }
.Ltmp3:
0x37e: {  	_ = 	snop;
	(pc) =	sbr.rel @p1 .LBB2_1-.Ltmp3, $3  }
0x37f: {  	_ =	sdelay $0x1  }
0x380: {  	[sflag:s10] =	ssyncset.done @!p0 $0x0  }
0x381: {  	[sflag:s10] =	ssyncadd.s32 @!p0 $0xFFFFE000  }
0x382: {  	_ =	sfence.sel $0x180000  }
0x383: {  	[bflag:$0x0] =	sbarrier.arrive $0xFFFF  }
0x384: {  	_ =	strace $0x90000047  }
0x385: {  	s0 =	stileid.u32;
	[bflag:$0x2] =	sbarrier.arrive $0xFFFF  }
0x386: {  	p0 =	sne.s32 s0, $0x0;
	s0 =	rddreg [dreg:$0x7]  }
0x387: {  	s0 =	sadd.s32 @!p0 $0x100000, s0  }
0x388: {  	[sflag:s0] =	ssyncadd.tile.s32 @!p0 $0x1;
	_ =	shalt  }
.Lfunc_end2:
_tile_overlayer_lowered:
.L_overlay_start_2:
0x389: {  	(tag) =	ssettag $0x2  }
0x38a: {  	s0 =	rddreg [dreg:$0x0];
	s2 =	stileid.u32  }
0x38b: {  	s1 =	rddreg [dreg:$0x1];
	p0 =	sne.s32 s2, $0x0  }
0x38c: {  	s3 =	rddreg [dreg:$0x2];
	[bflag:$0x3] =	sbarrier.arrive $0xFFFF;
	s2 =	simm.s32 @!p0 $0x1C05  }
0x38d: {  	[timem:s3], [sflag:s2] =	dma.local @!p0 [hbm:s0], s1  }
0x38e: {  	s0 =	simm.s32 @!p0 $0x5  }
0x38f: {  	_ =	swait.ge @!p0 [sflag:s0], s1  }
0x390: {  	s1 =	ssub.s32 @!p0 $0x0, s1;
	[sflag:s0] =	ssyncset.done @!p0 $0x0  }
0x391: {  	[sflag:s0] =	ssyncadd.s32 @!p0 s1  }
0x392: {  	[bflag:$0x3] =	sbarrier.arrive $0xFFFF  }
0x393: {  	_ =	shalt  }

</sc_bundles>
